<compile_context>
chip_gen: v7x
topology: tpu7x:2x2x1
jax: 0.10.2.dev20260603
libtpu: 0.0.44.dev20260713+nightly
codegen_flags: <defaults>
</compile_context>

<pallas_src>
import jax
import jax.numpy as jnp
from jax import lax
from jax.experimental import pallas as pl
from jax.experimental.pallas import tpu as pltpu
from jax.experimental.pallas import tpu_sc as plsc

B_U = 4096
B_I = 4096
D = 32

_info = plsc.get_sparse_core_info()
_NC = _info.num_cores
_NS = _info.num_subcores
_NW = _NC * _NS
_UB = B_U // _NW
_IB = B_I // _NW

_mesh = plsc.VectorSubcoreMesh(core_axis_name="c", subcore_axis_name="s")

_NSEM = 8
_CH = 8
_LOOK = 4


def _gather_body(users_hbm, items_hbm, uf_hbm, if_hbm, u_out, v_out,
                 uidx_v, vidx_v, urows, vrows, *sems):
    wid = lax.axis_index("s") * _NC + lax.axis_index("c")
    ubase = wid * _UB
    ibase = wid * _IB
    pltpu.sync_copy(users_hbm.at[pl.ds(ubase, _UB)], uidx_v)
    pltpu.sync_copy(items_hbm.at[pl.ds(ibase, _IB)], vidx_v)

    def fire(base):
        uw = uidx_v[pl.ds(base, _CH)]
        vw = vidx_v[pl.ds(base, _CH)]
        for j in range(_CH):
            pltpu.make_async_copy(
                uf_hbm.at[pl.ds(uw[j], 1)], urows.at[pl.ds(base + j, 1)],
                sems[j % _NSEM]).start()
            pltpu.make_async_copy(
                if_hbm.at[pl.ds(vw[j], 1)], vrows.at[pl.ds(base + j, 1)],
                sems[j % _NSEM]).start()

    def drain(base):
        for j in range(_CH):
            pltpu.make_async_copy(
                uf_hbm.at[pl.ds(0, 1)], urows.at[pl.ds(base + j, 1)],
                sems[j % _NSEM]).wait()
            pltpu.make_async_copy(
                if_hbm.at[pl.ds(0, 1)], vrows.at[pl.ds(base + j, 1)],
                sems[j % _NSEM]).wait()

    for p in range(_LOOK):
        fire(p * _CH)

    def chunk(c, _):
        fire(c * _CH)
        drain((c - _LOOK) * _CH)
        return 0

    lax.fori_loop(_LOOK, _UB // _CH, chunk, 0)
    for p in range(_LOOK):
        drain(_UB - (_LOOK - p) * _CH)
    pltpu.sync_copy(urows, u_out.at[pl.ds(ubase, _UB)])
    pltpu.sync_copy(vrows, v_out.at[pl.ds(ibase, _IB)])


_gather = pl.kernel(
    _gather_body,
    mesh=_mesh,
    out_type=[
        jax.ShapeDtypeStruct((B_U, D), jnp.float32),
        jax.ShapeDtypeStruct((B_I, D), jnp.float32),
    ],
    scratch_types=[
        pltpu.VMEM((_UB,), jnp.int32),
        pltpu.VMEM((_IB,), jnp.int32),
        pltpu.VMEM((_UB, D), jnp.float32),
        pltpu.VMEM((_IB, D), jnp.float32),
    ] + [pltpu.SemaphoreType.DMA] * _NSEM,
)

_TM = 256


def _mm_body(u_ref, v_ref, o_ref):
    o_ref[...] = lax.dot_general(
        u_ref[...], v_ref[...],
        dimension_numbers=(((1,), (1,)), ((), ())),
        preferred_element_type=jnp.float32)


_matmul = pl.pallas_call(
    _mm_body,
    grid=(B_U // _TM,),
    in_specs=[
        pl.BlockSpec((_TM, D), lambda i: (i, 0)),
        pl.BlockSpec((B_I, D), lambda i: (0, 0)),
    ],
    out_specs=pl.BlockSpec((_TM, B_I), lambda i: (i, 0)),
    out_shape=jax.ShapeDtypeStruct((B_U, B_I), jnp.float32),
)


def kernel(users, items, user_factors, item_factors):
    u, v = _gather(users, items, user_factors, item_factors)
    return _matmul(u, v)

# --- scband reference (transcript-rebuilt; emitter-appended) ---
"""Pipeline reference for scband-matrix-factorization-17257178595447 (READ-ONLY COPY).

The authoritative reference and input builder live on the scoring server;
editing this copy changes nothing except your own understanding.
"""

import jax, jax.numpy as jnp
import numpy as np

N_USERS = 1000000
N_ITEMS = 1000000
N_FACTORS = 32
B_USERS = 4096
B_ITEMS = 4096

def setup_inputs(seed: int = 0) -> dict:
    key = jax.random.key(seed)
    k1, k2, k3, k4 = jax.random.split(key, 4)
    users = jax.random.randint(k1, (B_USERS,), 0, N_USERS, dtype=jnp.int64 if jax.config.jax_enable_x64 else jnp.int32)
    items = jax.random.randint(k2, (B_ITEMS,), 0, N_ITEMS, dtype=jnp.int64 if jax.config.jax_enable_x64 else jnp.int32)
    user_factors = jax.random.normal(k3, (N_USERS, N_FACTORS), dtype=jnp.float32)
    item_factors = jax.random.normal(k4, (N_ITEMS, N_FACTORS), dtype=jnp.float32)
    return {"users": users, "items": items, "user_factors": user_factors, "item_factors": item_factors}

def reference(users, items, user_factors, item_factors):
    # Embedding lookups (gather rows) followed by matmul with transposed item embeddings
    u = jnp.take(user_factors, users, axis=0)   # [B_USERS, N_FACTORS]
    v = jnp.take(item_factors, items, axis=0)   # [B_ITEMS, N_FACTORS]
    return jnp.matmul(u, v.T)                   # [B_USERS, B_ITEMS]

if __name__ == "__main__":
    import jax
    _d = setup_inputs()
    print(jax.jit(kernel)(*tuple(_d.values())))

</pallas_src>

<mosaic_0001>
#map = affine_map<(d0, d1) -> (0)>
#map1 = affine_map<(d0, d1) -> (0, 0)>
module attributes {stable_mosaic.version = 14 : i64} {
  func.func @_gather_body(%arg0: i32, %arg1: i32, %arg2: memref<4096xi32, #tpu.memory_space<hbm>>, %arg3: memref<4096xi32, #tpu.memory_space<hbm>>, %arg4: memref<1000000x32xf32, #tpu.memory_space<hbm>>, %arg5: memref<1000000x32xf32, #tpu.memory_space<hbm>>, %arg6: memref<4096x32xf32, #tpu.memory_space<hbm>>, %arg7: memref<4096x32xf32, #tpu.memory_space<hbm>>, %arg8: memref<128xi32, #tpu.memory_space<vmem>>, %arg9: memref<128xi32, #tpu.memory_space<vmem>>, %arg10: memref<128x32xf32, #tpu.memory_space<vmem>>, %arg11: memref<128x32xf32, #tpu.memory_space<vmem>>, %arg12: memref<!tpu.dma_semaphore, #tpu.memory_space<semaphore_mem>>, %arg13: memref<!tpu.dma_semaphore, #tpu.memory_space<semaphore_mem>>, %arg14: memref<!tpu.dma_semaphore, #tpu.memory_space<semaphore_mem>>, %arg15: memref<!tpu.dma_semaphore, #tpu.memory_space<semaphore_mem>>, %arg16: memref<!tpu.dma_semaphore, #tpu.memory_space<semaphore_mem>>, %arg17: memref<!tpu.dma_semaphore, #tpu.memory_space<semaphore_mem>>, %arg18: memref<!tpu.dma_semaphore, #tpu.memory_space<semaphore_mem>>, %arg19: memref<!tpu.dma_semaphore, #tpu.memory_space<semaphore_mem>>) attributes {dimension_semantics = [#tpu.dimension_semantics<core_parallel>, #tpu.dimension_semantics<subcore_parallel>], iteration_bounds = array<i64: 2, 16>, scalar_prefetch = 0 : i64, scratch_operands = 12 : i64, tpu.core_type = #tpu.core_type<sc_vector_subcore>, window_params = [{transform_indices = #map}, {transform_indices = #map}, {transform_indices = #map1}, {transform_indices = #map1}, {transform_indices = #map1}, {transform_indices = #map1}]} {
    %mul3A = arith.constant 2 : i32
    %mul3A_0 = arith.muli %arg1, %mul3A : i32
    %add3A = arith.addi %mul3A_0, %arg0 : i32
    %mul3A_1 = arith.constant 128 : i32
    %mul3A_2 = arith.muli %add3A, %mul3A_1 : i32
    %mul3A_3 = arith.constant 128 : i32
    %mul3A_4 = arith.muli %add3A, %mul3A_3 : i32
    "tpu.region"() ({
      %run_scoped3A = tpu.sem_alloc : memref<!tpu.dma_semaphore, #tpu.memory_space<semaphore_mem>>
      %dma_start3A_1566 = tpu.memref_slice %arg2[%mul3A_2] : memref<4096xi32, #tpu.memory_space<hbm>> -> memref<128xi32, #tpu.memory_space<hbm>>
      %dma_start3A_1567 = tpu.memref_slice %arg2[%mul3A_2] : memref<4096xi32, #tpu.memory_space<hbm>> -> memref<128xi32, #tpu.memory_space<hbm>>
      tpu.enqueue_dma source(%dma_start3A_1567 : memref<128xi32, #tpu.memory_space<hbm>>) target(%arg8 : memref<128xi32, #tpu.memory_space<vmem>>) target_semaphore(%run_scoped3A : memref<!tpu.dma_semaphore, #tpu.memory_space<semaphore_mem>>)
      %dma_wait3A_1568 = tpu.memref_slice %arg2[%mul3A_2] : memref<4096xi32, #tpu.memory_space<hbm>> -> memref<128xi32, #tpu.memory_space<hbm>>
      %dma_wait3A_1569 = tpu.memref_slice %arg2[%mul3A_2] : memref<4096xi32, #tpu.memory_space<hbm>> -> memref<128xi32, #tpu.memory_space<hbm>>
      tpu.wait_dma2 semaphore(%run_scoped3A : memref<!tpu.dma_semaphore, #tpu.memory_space<semaphore_mem>>) src(%dma_wait3A_1569 : memref<128xi32, #tpu.memory_space<hbm>>) dst(%arg8 : memref<128xi32, #tpu.memory_space<vmem>>)
      tpu.yield
    }) : () -> ()
    "tpu.region"() ({
      %run_scoped3A = tpu.sem_alloc : memref<!tpu.dma_semaphore, #tpu.memory_space<semaphore_mem>>
      %dma_start3A_1566 = tpu.memref_slice %arg3[%mul3A_4] : memref<4096xi32, #tpu.memory_space<hbm>> -> memref<128xi32, #tpu.memory_space<hbm>>
      %dma_start3A_1567 = tpu.memref_slice %arg3[%mul3A_4] : memref<4096xi32, #tpu.memory_space<hbm>> -> memref<128xi32, #tpu.memory_space<hbm>>
      tpu.enqueue_dma source(%dma_start3A_1567 : memref<128xi32, #tpu.memory_space<hbm>>) target(%arg9 : memref<128xi32, #tpu.memory_space<vmem>>) target_semaphore(%run_scoped3A : memref<!tpu.dma_semaphore, #tpu.memory_space<semaphore_mem>>)
      %dma_wait3A_1568 = tpu.memref_slice %arg3[%mul3A_4] : memref<4096xi32, #tpu.memory_space<hbm>> -> memref<128xi32, #tpu.memory_space<hbm>>
      %dma_wait3A_1569 = tpu.memref_slice %arg3[%mul3A_4] : memref<4096xi32, #tpu.memory_space<hbm>> -> memref<128xi32, #tpu.memory_space<hbm>>
      tpu.wait_dma2 semaphore(%run_scoped3A : memref<!tpu.dma_semaphore, #tpu.memory_space<semaphore_mem>>) src(%dma_wait3A_1569 : memref<128xi32, #tpu.memory_space<hbm>>) dst(%arg9 : memref<128xi32, #tpu.memory_space<vmem>>)
      tpu.yield
    }) : () -> ()
    %get3A = arith.constant 0 : index
    %get3A_5 = tpu.vector_load %arg8[%get3A] {strides = array<i32>} : memref<128xi32, #tpu.memory_space<vmem>>, vector<8xi32>,
    %get3A_6 = vector.shape_cast %get3A_5 : vector<8xi32> to vector<8xi32>
    %get3A_7 = arith.constant 0 : index
    %get3A_8 = tpu.vector_load %arg9[%get3A_7] {strides = array<i32>} : memref<128xi32, #tpu.memory_space<vmem>>, vector<8xi32>,
    %get3A_9 = vector.shape_cast %get3A_8 : vector<8xi32> to vector<8xi32>
    %slice3A = vector.extract_strided_slice %get3A_6 {offsets = [0], sizes = [1], strides = [1]} : vector<8xi32> to vector<1xi32>
    %squeeze3A = vector.extract %slice3A[0] : i32 from vector<1xi32>
    %dma_start3A = arith.constant 0 : i32
    %dma_start3A_10 = arith.constant 0 : i32
    %dma_start3A_11 = tpu.memref_slice %arg10[%dma_start3A, %dma_start3A_10] : memref<128x32xf32, #tpu.memory_space<vmem>> -> memref<1x32xf32, #tpu.memory_space<vmem>>
    %dma_start3A_12 = arith.constant 0 : i32
    %dma_start3A_13 = tpu.memref_slice %arg4[%squeeze3A, %dma_start3A_12] : memref<1000000x32xf32, #tpu.memory_space<hbm>> -> memref<1x32xf32, #tpu.memory_space<hbm>>
    %dma_start3A_14 = arith.constant 0 : i32
    %dma_start3A_15 = arith.constant 0 : i32
    %dma_start3A_16 = tpu.memref_slice %arg10[%dma_start3A_14, %dma_start3A_15] : memref<128x32xf32, #tpu.memory_space<vmem>> -> memref<1x32xf32, #tpu.memory_space<vmem>>
    %dma_start3A_17 = arith.constant 0 : i32
    %dma_start3A_18 = tpu.memref_slice %arg4[%squeeze3A, %dma_start3A_17] : memref<1000000x32xf32, #tpu.memory_space<hbm>> -> memref<1x32xf32, #tpu.memory_space<hbm>>
    tpu.enqueue_dma source(%dma_start3A_18 : memref<1x32xf32, #tpu.memory_space<hbm>>) target(%dma_start3A_16 : memref<1x32xf32, #tpu.memory_space<vmem>>) target_semaphore(%arg12 : memref<!tpu.dma_semaphore, #tpu.memory_space<semaphore_mem>>)
    %slice3A_19 = vector.extract_strided_slice %get3A_9 {offsets = [0], sizes = [1], strides = [1]} : vector<8xi32> to vector<1xi32>
    %squeeze3A_20 = vector.extract %slice3A_19[0] : i32 from vector<1xi32>
    %dma_start3A_21 = arith.constant 0 : i32
    %dma_start3A_22 = arith.constant 0 : i32
    %dma_start3A_23 = tpu.memref_slice %arg11[%dma_start3A_21, %dma_start3A_22] : memref<128x32xf32, #tpu.memory_space<vmem>> -> memref<1x32xf32, #tpu.memory_space<vmem>>
    %dma_start3A_24 = arith.constant 0 : i32
    %dma_start3A_25 = tpu.memref_slice %arg5[%squeeze3A_20, %dma_start3A_24] : memref<1000000x32xf32, #tpu.memory_space<hbm>> -> memref<1x32xf32, #tpu.memory_space<hbm>>
    %dma_start3A_26 = arith.constant 0 : i32
    %dma_start3A_27 = arith.constant 0 : i32
    %dma_start3A_28 = tpu.memref_slice %arg11[%dma_start3A_26, %dma_start3A_27] : memref<128x32xf32, #tpu.memory_space<vmem>> -> memref<1x32xf32, #tpu.memory_space<vmem>>
    %dma_start3A_29 = arith.constant 0 : i32
    %dma_start3A_30 = tpu.memref_slice %arg5[%squeeze3A_20, %dma_start3A_29] : memref<1000000x32xf32, #tpu.memory_space<hbm>> -> memref<1x32xf32, #tpu.memory_space<hbm>>
    tpu.enqueue_dma source(%dma_start3A_30 : memref<1x32xf32, #tpu.memory_space<hbm>>) target(%dma_start3A_28 : memref<1x32xf32, #tpu.memory_space<vmem>>) target_semaphore(%arg12 : memref<!tpu.dma_semaphore, #tpu.memory_space<semaphore_mem>>)
    %slice3A_31 = vector.extract_strided_slice %get3A_6 {offsets = [1], sizes = [1], strides = [1]} : vector<8xi32> to vector<1xi32>
    %squeeze3A_32 = vector.extract %slice3A_31[0] : i32 from vector<1xi32>
    %dma_start3A_33 = arith.constant 1 : i32
    %dma_start3A_34 = arith.constant 0 : i32
    %dma_start3A_35 = tpu.memref_slice %arg10[%dma_start3A_33, %dma_start3A_34] : memref<128x32xf32, #tpu.memory_space<vmem>> -> memref<1x32xf32, #tpu.memory_space<vmem>>
    %dma_start3A_36 = arith.constant 0 : i32
    %dma_start3A_37 = tpu.memref_slice %arg4[%squeeze3A_32, %dma_start3A_36] : memref<1000000x32xf32, #tpu.memory_space<hbm>> -> memref<1x32xf32, #tpu.memory_space<hbm>>
    %dma_start3A_38 = arith.constant 1 : i32
    %dma_start3A_39 = arith.constant 0 : i32
    %dma_start3A_40 = tpu.memref_slice %arg10[%dma_start3A_38, %dma_start3A_39] : memref<128x32xf32, #tpu.memory_space<vmem>> -> memref<1x32xf32, #tpu.memory_space<vmem>>
    %dma_start3A_41 = arith.constant 0 : i32
    %dma_start3A_42 = tpu.memref_slice %arg4[%squeeze3A_32, %dma_start3A_41] : memref<1000000x32xf32, #tpu.memory_space<hbm>> -> memref<1x32xf32, #tpu.memory_space<hbm>>
    tpu.enqueue_dma source(%dma_start3A_42 : memref<1x32xf32, #tpu.memory_space<hbm>>) target(%dma_start3A_40 : memref<1x32xf32, #tpu.memory_space<vmem>>) target_semaphore(%arg13 : memref<!tpu.dma_semaphore, #tpu.memory_space<semaphore_mem>>)
    %slice3A_43 = vector.extract_strided_slice %get3A_9 {offsets = [1], sizes = [1], strides = [1]} : vector<8xi32> to vector<1xi32>
    %squeeze3A_44 = vector.extract %slice3A_43[0] : i32 from vector<1xi32>
    %dma_start3A_45 = arith.constant 1 : i32
    %dma_start3A_46 = arith.constant 0 : i32
    %dma_start3A_47 = tpu.memref_slice %arg11[%dma_start3A_45, %dma_start3A_46] : memref<128x32xf32, #tpu.memory_space<vmem>> -> memref<1x32xf32, #tpu.memory_space<vmem>>
    %dma_start3A_48 = arith.constant 0 : i32
    %dma_start3A_49 = tpu.memref_slice %arg5[%squeeze3A_44, %dma_start3A_48] : memref<1000000x32xf32, #tpu.memory_space<hbm>> -> memref<1x32xf32, #tpu.memory_space<hbm>>
    %dma_start3A_50 = arith.constant 1 : i32
    %dma_start3A_51 = arith.constant 0 : i32
    %dma_start3A_52 = tpu.memref_slice %arg11[%dma_start3A_50, %dma_start3A_51] : memref<128x32xf32, #tpu.memory_space<vmem>> -> memref<1x32xf32, #tpu.memory_space<vmem>>
    %dma_start3A_53 = arith.constant 0 : i32
    %dma_start3A_54 = tpu.memref_slice %arg5[%squeeze3A_44, %dma_start3A_53] : memref<1000000x32xf32, #tpu.memory_space<hbm>> -> memref<1x32xf32, #tpu.memory_space<hbm>>
    tpu.enqueue_dma source(%dma_start3A_54 : memref<1x32xf32, #tpu.memory_space<hbm>>) target(%dma_start3A_52 : memref<1x32xf32, #tpu.memory_space<vmem>>) target_semaphore(%arg13 : memref<!tpu.dma_semaphore, #tpu.memory_space<semaphore_mem>>)
    %slice3A_55 = vector.extract_strided_slice %get3A_6 {offsets = [2], sizes = [1], strides = [1]} : vector<8xi32> to vector<1xi32>
    %squeeze3A_56 = vector.extract %slice3A_55[0] : i32 from vector<1xi32>
    %dma_start3A_57 = arith.constant 2 : i32
    %dma_start3A_58 = arith.constant 0 : i32
    %dma_start3A_59 = tpu.memref_slice %arg10[%dma_start3A_57, %dma_start3A_58] : memref<128x32xf32, #tpu.memory_space<vmem>> -> memref<1x32xf32, #tpu.memory_space<vmem>>
    %dma_start3A_60 = arith.constant 0 : i32
    %dma_start3A_61 = tpu.memref_slice %arg4[%squeeze3A_56, %dma_start3A_60] : memref<1000000x32xf32, #tpu.memory_space<hbm>> -> memref<1x32xf32, #tpu.memory_space<hbm>>
    %dma_start3A_62 = arith.constant 2 : i32
    %dma_start3A_63 = arith.constant 0 : i32
    %dma_start3A_64 = tpu.memref_slice %arg10[%dma_start3A_62, %dma_start3A_63] : memref<128x32xf32, #tpu.memory_space<vmem>> -> memref<1x32xf32, #tpu.memory_space<vmem>>
    %dma_start3A_65 = arith.constant 0 : i32
    %dma_start3A_66 = tpu.memref_slice %arg4[%squeeze3A_56, %dma_start3A_65] : memref<1000000x32xf32, #tpu.memory_space<hbm>> -> memref<1x32xf32, #tpu.memory_space<hbm>>
    tpu.enqueue_dma source(%dma_start3A_66 : memref<1x32xf32, #tpu.memory_space<hbm>>) target(%dma_start3A_64 : memref<1x32xf32, #tpu.memory_space<vmem>>) target_semaphore(%arg14 : memref<!tpu.dma_semaphore, #tpu.memory_space<semaphore_mem>>)
    %slice3A_67 = vector.extract_strided_slice %get3A_9 {offsets = [2], sizes = [1], strides = [1]} : vector<8xi32> to vector<1xi32>
    %squeeze3A_68 = vector.extract %slice3A_67[0] : i32 from vector<1xi32>
    %dma_start3A_69 = arith.constant 2 : i32
    %dma_start3A_70 = arith.constant 0 : i32
    %dma_start3A_71 = tpu.memref_slice %arg11[%dma_start3A_69, %dma_start3A_70] : memref<128x32xf32, #tpu.memory_space<vmem>> -> memref<1x32xf32, #tpu.memory_space<vmem>>
    %dma_start3A_72 = arith.constant 0 : i32
    %dma_start3A_73 = tpu.memref_slice %arg5[%squeeze3A_68, %dma_start3A_72] : memref<1000000x32xf32, #tpu.memory_space<hbm>> -> memref<1x32xf32, #tpu.memory_space<hbm>>
    %dma_start3A_74 = arith.constant 2 : i32
    %dma_start3A_75 = arith.constant 0 : i32
    %dma_start3A_76 = tpu.memref_slice %arg11[%dma_start3A_74, %dma_start3A_75] : memref<128x32xf32, #tpu.memory_space<vmem>> -> memref<1x32xf32, #tpu.memory_space<vmem>>
    %dma_start3A_77 = arith.constant 0 : i32
    %dma_start3A_78 = tpu.memref_slice %arg5[%squeeze3A_68, %dma_start3A_77] : memref<1000000x32xf32, #tpu.memory_space<hbm>> -> memref<1x32xf32, #tpu.memory_space<hbm>>
    tpu.enqueue_dma source(%dma_start3A_78 : memref<1x32xf32, #tpu.memory_space<hbm>>) target(%dma_start3A_76 : memref<1x32xf32, #tpu.memory_space<vmem>>) target_semaphore(%arg14 : memref<!tpu.dma_semaphore, #tpu.memory_space<semaphore_mem>>)
    %slice3A_79 = vector.extract_strided_slice %get3A_6 {offsets = [3], sizes = [1], strides = [1]} : vector<8xi32> to vector<1xi32>
    %squeeze3A_80 = vector.extract %slice3A_79[0] : i32 from vector<1xi32>
    %dma_start3A_81 = arith.constant 3 : i32
    %dma_start3A_82 = arith.constant 0 : i32
    %dma_start3A_83 = tpu.memref_slice %arg10[%dma_start3A_81, %dma_start3A_82] : memref<128x32xf32, #tpu.memory_space<vmem>> -> memref<1x32xf32, #tpu.memory_space<vmem>>
    %dma_start3A_84 = arith.constant 0 : i32
    %dma_start3A_85 = tpu.memref_slice %arg4[%squeeze3A_80, %dma_start3A_84] : memref<1000000x32xf32, #tpu.memory_space<hbm>> -> memref<1x32xf32, #tpu.memory_space<hbm>>
    %dma_start3A_86 = arith.constant 3 : i32
    %dma_start3A_87 = arith.constant 0 : i32
    %dma_start3A_88 = tpu.memref_slice %arg10[%dma_start3A_86, %dma_start3A_87] : memref<128x32xf32, #tpu.memory_space<vmem>> -> memref<1x32xf32, #tpu.memory_space<vmem>>
    %dma_start3A_89 = arith.constant 0 : i32
    %dma_start3A_90 = tpu.memref_slice %arg4[%squeeze3A_80, %dma_start3A_89] : memref<1000000x32xf32, #tpu.memory_space<hbm>> -> memref<1x32xf32, #tpu.memory_space<hbm>>
    tpu.enqueue_dma source(%dma_start3A_90 : memref<1x32xf32, #tpu.memory_space<hbm>>) target(%dma_start3A_88 : memref<1x32xf32, #tpu.memory_space<vmem>>) target_semaphore(%arg15 : memref<!tpu.dma_semaphore, #tpu.memory_space<semaphore_mem>>)
    %slice3A_91 = vector.extract_strided_slice %get3A_9 {offsets = [3], sizes = [1], strides = [1]} : vector<8xi32> to vector<1xi32>
    %squeeze3A_92 = vector.extract %slice3A_91[0] : i32 from vector<1xi32>
    %dma_start3A_93 = arith.constant 3 : i32
    %dma_start3A_94 = arith.constant 0 : i32
    %dma_start3A_95 = tpu.memref_slice %arg11[%dma_start3A_93, %dma_start3A_94] : memref<128x32xf32, #tpu.memory_space<vmem>> -> memref<1x32xf32, #tpu.memory_space<vmem>>
    %dma_start3A_96 = arith.constant 0 : i32
    %dma_start3A_97 = tpu.memref_slice %arg5[%squeeze3A_92, %dma_start3A_96] : memref<1000000x32xf32, #tpu.memory_space<hbm>> -> memref<1x32xf32, #tpu.memory_space<hbm>>
    %dma_start3A_98 = arith.constant 3 : i32
    %dma_start3A_99 = arith.constant 0 : i32
    %dma_start3A_100 = tpu.memref_slice %arg11[%dma_start3A_98, %dma_start3A_99] : memref<128x32xf32, #tpu.memory_space<vmem>> -> memref<1x32xf32, #tpu.memory_space<vmem>>
    %dma_start3A_101 = arith.constant 0 : i32
    %dma_start3A_102 = tpu.memref_slice %arg5[%squeeze3A_92, %dma_start3A_101] : memref<1000000x32xf32, #tpu.memory_space<hbm>> -> memref<1x32xf32, #tpu.memory_space<hbm>>
    tpu.enqueue_dma source(%dma_start3A_102 : memref<1x32xf32, #tpu.memory_space<hbm>>) target(%dma_start3A_100 : memref<1x32xf32, #tpu.memory_space<vmem>>) target_semaphore(%arg15 : memref<!tpu.dma_semaphore, #tpu.memory_space<semaphore_mem>>)
    %slice3A_103 = vector.extract_strided_slice %get3A_6 {offsets = [4], sizes = [1], strides = [1]} : vector<8xi32> to vector<1xi32>
    %squeeze3A_104 = vector.extract %slice3A_103[0] : i32 from vector<1xi32>
    %dma_start3A_105 = arith.constant 4 : i32
    %dma_start3A_106 = arith.constant 0 : i32
    %dma_start3A_107 = tpu.memref_slice %arg10[%dma_start3A_105, %dma_start3A_106] : memref<128x32xf32, #tpu.memory_space<vmem>> -> memref<1x32xf32, #tpu.memory_space<vmem>>
    %dma_start3A_108 = arith.constant 0 : i32
    %dma_start3A_109 = tpu.memref_slice %arg4[%squeeze3A_104, %dma_start3A_108] : memref<1000000x32xf32, #tpu.memory_space<hbm>> -> memref<1x32xf32, #tpu.memory_space<hbm>>
    %dma_start3A_110 = arith.constant 4 : i32
    %dma_start3A_111 = arith.constant 0 : i32
    %dma_start3A_112 = tpu.memref_slice %arg10[%dma_start3A_110, %dma_start3A_111] : memref<128x32xf32, #tpu.memory_space<vmem>> -> memref<1x32xf32, #tpu.memory_space<vmem>>
    %dma_start3A_113 = arith.constant 0 : i32
    %dma_start3A_114 = tpu.memref_slice %arg4[%squeeze3A_104, %dma_start3A_113] : memref<1000000x32xf32, #tpu.memory_space<hbm>> -> memref<1x32xf32, #tpu.memory_space<hbm>>
    tpu.enqueue_dma source(%dma_start3A_114 : memref<1x32xf32, #tpu.memory_space<hbm>>) target(%dma_start3A_112 : memref<1x32xf32, #tpu.memory_space<vmem>>) target_semaphore(%arg16 : memref<!tpu.dma_semaphore, #tpu.memory_space<semaphore_mem>>)
    %slice3A_115 = vector.extract_strided_slice %get3A_9 {offsets = [4], sizes = [1], strides = [1]} : vector<8xi32> to vector<1xi32>
    %squeeze3A_116 = vector.extract %slice3A_115[0] : i32 from vector<1xi32>
    %dma_start3A_117 = arith.constant 4 : i32
    %dma_start3A_118 = arith.constant 0 : i32
    %dma_start3A_119 = tpu.memref_slice %arg11[%dma_start3A_117, %dma_start3A_118] : memref<128x32xf32, #tpu.memory_space<vmem>> -> memref<1x32xf32, #tpu.memory_space<vmem>>
    %dma_start3A_120 = arith.constant 0 : i32
    %dma_start3A_121 = tpu.memref_slice %arg5[%squeeze3A_116, %dma_start3A_120] : memref<1000000x32xf32, #tpu.memory_space<hbm>> -> memref<1x32xf32, #tpu.memory_space<hbm>>
    %dma_start3A_122 = arith.constant 4 : i32
    %dma_start3A_123 = arith.constant 0 : i32
    %dma_start3A_124 = tpu.memref_slice %arg11[%dma_start3A_122, %dma_start3A_123] : memref<128x32xf32, #tpu.memory_space<vmem>> -> memref<1x32xf32, #tpu.memory_space<vmem>>
    %dma_start3A_125 = arith.constant 0 : i32
    %dma_start3A_126 = tpu.memref_slice %arg5[%squeeze3A_116, %dma_start3A_125] : memref<1000000x32xf32, #tpu.memory_space<hbm>> -> memref<1x32xf32, #tpu.memory_space<hbm>>
    tpu.enqueue_dma source(%dma_start3A_126 : memref<1x32xf32, #tpu.memory_space<hbm>>) target(%dma_start3A_124 : memref<1x32xf32, #tpu.memory_space<vmem>>) target_semaphore(%arg16 : memref<!tpu.dma_semaphore, #tpu.memory_space<semaphore_mem>>)
    %slice3A_127 = vector.extract_strided_slice %get3A_6 {offsets = [5], sizes = [1], strides = [1]} : vector<8xi32> to vector<1xi32>
    %squeeze3A_128 = vector.extract %slice3A_127[0] : i32 from vector<1xi32>
    %dma_start3A_129 = arith.constant 5 : i32
    %dma_start3A_130 = arith.constant 0 : i32
    %dma_start3A_131 = tpu.memref_slice %arg10[%dma_start3A_129, %dma_start3A_130] : memref<128x32xf32, #tpu.memory_space<vmem>> -> memref<1x32xf32, #tpu.memory_space<vmem>>
    %dma_start3A_132 = arith.constant 0 : i32
    %dma_start3A_133 = tpu.memref_slice %arg4[%squeeze3A_128, %dma_start3A_132] : memref<1000000x32xf32, #tpu.memory_space<hbm>> -> memref<1x32xf32, #tpu.memory_space<hbm>>
    %dma_start3A_134 = arith.constant 5 : i32
    %dma_start3A_135 = arith.constant 0 : i32
    %dma_start3A_136 = tpu.memref_slice %arg10[%dma_start3A_134, %dma_start3A_135] : memref<128x32xf32, #tpu.memory_space<vmem>> -> memref<1x32xf32, #tpu.memory_space<vmem>>
    %dma_start3A_137 = arith.constant 0 : i32
    %dma_start3A_138 = tpu.memref_slice %arg4[%squeeze3A_128, %dma_start3A_137] : memref<1000000x32xf32, #tpu.memory_space<hbm>> -> memref<1x32xf32, #tpu.memory_space<hbm>>
    tpu.enqueue_dma source(%dma_start3A_138 : memref<1x32xf32, #tpu.memory_space<hbm>>) target(%dma_start3A_136 : memref<1x32xf32, #tpu.memory_space<vmem>>) target_semaphore(%arg17 : memref<!tpu.dma_semaphore, #tpu.memory_space<semaphore_mem>>)
    %slice3A_139 = vector.extract_strided_slice %get3A_9 {offsets = [5], sizes = [1], strides = [1]} : vector<8xi32> to vector<1xi32>
    %squeeze3A_140 = vector.extract %slice3A_139[0] : i32 from vector<1xi32>
    %dma_start3A_141 = arith.constant 5 : i32
    %dma_start3A_142 = arith.constant 0 : i32
    %dma_start3A_143 = tpu.memref_slice %arg11[%dma_start3A_141, %dma_start3A_142] : memref<128x32xf32, #tpu.memory_space<vmem>> -> memref<1x32xf32, #tpu.memory_space<vmem>>
    %dma_start3A_144 = arith.constant 0 : i32
    %dma_start3A_145 = tpu.memref_slice %arg5[%squeeze3A_140, %dma_start3A_144] : memref<1000000x32xf32, #tpu.memory_space<hbm>> -> memref<1x32xf32, #tpu.memory_space<hbm>>
    %dma_start3A_146 = arith.constant 5 : i32
    %dma_start3A_147 = arith.constant 0 : i32
    %dma_start3A_148 = tpu.memref_slice %arg11[%dma_start3A_146, %dma_start3A_147] : memref<128x32xf32, #tpu.memory_space<vmem>> -> memref<1x32xf32, #tpu.memory_space<vmem>>
    %dma_start3A_149 = arith.constant 0 : i32
    %dma_start3A_150 = tpu.memref_slice %arg5[%squeeze3A_140, %dma_start3A_149] : memref<1000000x32xf32, #tpu.memory_space<hbm>> -> memref<1x32xf32, #tpu.memory_space<hbm>>
    tpu.enqueue_dma source(%dma_start3A_150 : memref<1x32xf32, #tpu.memory_space<hbm>>) target(%dma_start3A_148 : memref<1x32xf32, #tpu.memory_space<vmem>>) target_semaphore(%arg17 : memref<!tpu.dma_semaphore, #tpu.memory_space<semaphore_mem>>)
    %slice3A_151 = vector.extract_strided_slice %get3A_6 {offsets = [6], sizes = [1], strides = [1]} : vector<8xi32> to vector<1xi32>
    %squeeze3A_152 = vector.extract %slice3A_151[0] : i32 from vector<1xi32>
    %dma_start3A_153 = arith.constant 6 : i32
    %dma_start3A_154 = arith.constant 0 : i32
    %dma_start3A_155 = tpu.memref_slice %arg10[%dma_start3A_153, %dma_start3A_154] : memref<128x32xf32, #tpu.memory_space<vmem>> -> memref<1x32xf32, #tpu.memory_space<vmem>>
    %dma_start3A_156 = arith.constant 0 : i32
    %dma_start3A_157 = tpu.memref_slice %arg4[%squeeze3A_152, %dma_start3A_156] : memref<1000000x32xf32, #tpu.memory_space<hbm>> -> memref<1x32xf32, #tpu.memory_space<hbm>>
    %dma_start3A_158 = arith.constant 6 : i32
    %dma_start3A_159 = arith.constant 0 : i32
    %dma_start3A_160 = tpu.memref_slice %arg10[%dma_start3A_158, %dma_start3A_159] : memref<128x32xf32, #tpu.memory_space<vmem>> -> memref<1x32xf32, #tpu.memory_space<vmem>>
    %dma_start3A_161 = arith.constant 0 : i32
    %dma_start3A_162 = tpu.memref_slice %arg4[%squeeze3A_152, %dma_start3A_161] : memref<1000000x32xf32, #tpu.memory_space<hbm>> -> memref<1x32xf32, #tpu.memory_space<hbm>>
    tpu.enqueue_dma source(%dma_start3A_162 : memref<1x32xf32, #tpu.memory_space<hbm>>) target(%dma_start3A_160 : memref<1x32xf32, #tpu.memory_space<vmem>>) target_semaphore(%arg18 : memref<!tpu.dma_semaphore, #tpu.memory_space<semaphore_mem>>)
    %slice3A_163 = vector.extract_strided_slice %get3A_9 {offsets = [6], sizes = [1], strides = [1]} : vector<8xi32> to vector<1xi32>
    %squeeze3A_164 = vector.extract %slice3A_163[0] : i32 from vector<1xi32>
    %dma_start3A_165 = arith.constant 6 : i32
    %dma_start3A_166 = arith.constant 0 : i32
    %dma_start3A_167 = tpu.memref_slice %arg11[%dma_start3A_165, %dma_start3A_166] : memref<128x32xf32, #tpu.memory_space<vmem>> -> memref<1x32xf32, #tpu.memory_space<vmem>>
    %dma_start3A_168 = arith.constant 0 : i32
    %dma_start3A_169 = tpu.memref_slice %arg5[%squeeze3A_164, %dma_start3A_168] : memref<1000000x32xf32, #tpu.memory_space<hbm>> -> memref<1x32xf32, #tpu.memory_space<hbm>>
    %dma_start3A_170 = arith.constant 6 : i32
    %dma_start3A_171 = arith.constant 0 : i32
    %dma_start3A_172 = tpu.memref_slice %arg11[%dma_start3A_170, %dma_start3A_171] : memref<128x32xf32, #tpu.memory_space<vmem>> -> memref<1x32xf32, #tpu.memory_space<vmem>>
    %dma_start3A_173 = arith.constant 0 : i32
    %dma_start3A_174 = tpu.memref_slice %arg5[%squeeze3A_164, %dma_start3A_173] : memref<1000000x32xf32, #tpu.memory_space<hbm>> -> memref<1x32xf32, #tpu.memory_space<hbm>>
    tpu.enqueue_dma source(%dma_start3A_174 : memref<1x32xf32, #tpu.memory_space<hbm>>) target(%dma_start3A_172 : memref<1x32xf32, #tpu.memory_space<vmem>>) target_semaphore(%arg18 : memref<!tpu.dma_semaphore, #tpu.memory_space<semaphore_mem>>)
    %slice3A_175 = vector.extract_strided_slice %get3A_6 {offsets = [7], sizes = [1], strides = [1]} : vector<8xi32> to vector<1xi32>
    %squeeze3A_176 = vector.extract %slice3A_175[0] : i32 from vector<1xi32>
    %dma_start3A_177 = arith.constant 7 : i32
    %dma_start3A_178 = arith.constant 0 : i32
    %dma_start3A_179 = tpu.memref_slice %arg10[%dma_start3A_177, %dma_start3A_178] : memref<128x32xf32, #tpu.memory_space<vmem>> -> memref<1x32xf32, #tpu.memory_space<vmem>>
    %dma_start3A_180 = arith.constant 0 : i32
    %dma_start3A_181 = tpu.memref_slice %arg4[%squeeze3A_176, %dma_start3A_180] : memref<1000000x32xf32, #tpu.memory_space<hbm>> -> memref<1x32xf32, #tpu.memory_space<hbm>>
    %dma_start3A_182 = arith.constant 7 : i32
    %dma_start3A_183 = arith.constant 0 : i32
    %dma_start3A_184 = tpu.memref_slice %arg10[%dma_start3A_182, %dma_start3A_183] : memref<128x32xf32, #tpu.memory_space<vmem>> -> memref<1x32xf32, #tpu.memory_space<vmem>>
    %dma_start3A_185 = arith.constant 0 : i32
    %dma_start3A_186 = tpu.memref_slice %arg4[%squeeze3A_176, %dma_start3A_185] : memref<1000000x32xf32, #tpu.memory_space<hbm>> -> memref<1x32xf32, #tpu.memory_space<hbm>>
    tpu.enqueue_dma source(%dma_start3A_186 : memref<1x32xf32, #tpu.memory_space<hbm>>) target(%dma_start3A_184 : memref<1x32xf32, #tpu.memory_space<vmem>>) target_semaphore(%arg19 : memref<!tpu.dma_semaphore, #tpu.memory_space<semaphore_mem>>)
    %slice3A_187 = vector.extract_strided_slice %get3A_9 {offsets = [7], sizes = [1], strides = [1]} : vector<8xi32> to vector<1xi32>
    %squeeze3A_188 = vector.extract %slice3A_187[0] : i32 from vector<1xi32>
    %dma_start3A_189 = arith.constant 7 : i32
    %dma_start3A_190 = arith.constant 0 : i32
    %dma_start3A_191 = tpu.memref_slice %arg11[%dma_start3A_189, %dma_start3A_190] : memref<128x32xf32, #tpu.memory_space<vmem>> -> memref<1x32xf32, #tpu.memory_space<vmem>>
    %dma_start3A_192 = arith.constant 0 : i32
    %dma_start3A_193 = tpu.memref_slice %arg5[%squeeze3A_188, %dma_start3A_192] : memref<1000000x32xf32, #tpu.memory_space<hbm>> -> memref<1x32xf32, #tpu.memory_space<hbm>>
    %dma_start3A_194 = arith.constant 7 : i32
    %dma_start3A_195 = arith.constant 0 : i32
    %dma_start3A_196 = tpu.memref_slice %arg11[%dma_start3A_194, %dma_start3A_195] : memref<128x32xf32, #tpu.memory_space<vmem>> -> memref<1x32xf32, #tpu.memory_space<vmem>>
    %dma_start3A_197 = arith.constant 0 : i32
    %dma_start3A_198 = tpu.memref_slice %arg5[%squeeze3A_188, %dma_start3A_197] : memref<1000000x32xf32, #tpu.memory_space<hbm>> -> memref<1x32xf32, #tpu.memory_space<hbm>>
    tpu.enqueue_dma source(%dma_start3A_198 : memref<1x32xf32, #tpu.memory_space<hbm>>) target(%dma_start3A_196 : memref<1x32xf32, #tpu.memory_space<vmem>>) target_semaphore(%arg19 : memref<!tpu.dma_semaphore, #tpu.memory_space<semaphore_mem>>)
    %get3A_199 = arith.constant 8 : index
    %get3A_200 = tpu.vector_load %arg8[%get3A_199] {strides = array<i32>} : memref<128xi32, #tpu.memory_space<vmem>>, vector<8xi32>,
    %get3A_201 = vector.shape_cast %get3A_200 : vector<8xi32> to vector<8xi32>
    %get3A_202 = arith.constant 8 : index
    %get3A_203 = tpu.vector_load %arg9[%get3A_202] {strides = array<i32>} : memref<128xi32, #tpu.memory_space<vmem>>, vector<8xi32>,
    %get3A_204 = vector.shape_cast %get3A_203 : vector<8xi32> to vector<8xi32>
    %slice3A_205 = vector.extract_strided_slice %get3A_201 {offsets = [0], sizes = [1], strides = [1]} : vector<8xi32> to vector<1xi32>
    %squeeze3A_206 = vector.extract %slice3A_205[0] : i32 from vector<1xi32>
    %dma_start3A_207 = arith.constant 8 : i32
    %dma_start3A_208 = arith.constant 0 : i32
    %dma_start3A_209 = tpu.memref_slice %arg10[%dma_start3A_207, %dma_start3A_208] : memref<128x32xf32, #tpu.memory_space<vmem>> -> memref<1x32xf32, #tpu.memory_space<vmem>>
    %dma_start3A_210 = arith.constant 0 : i32
    %dma_start3A_211 = tpu.memref_slice %arg4[%squeeze3A_206, %dma_start3A_210] : memref<1000000x32xf32, #tpu.memory_space<hbm>> -> memref<1x32xf32, #tpu.memory_space<hbm>>
    %dma_start3A_212 = arith.constant 8 : i32
    %dma_start3A_213 = arith.constant 0 : i32
    %dma_start3A_214 = tpu.memref_slice %arg10[%dma_start3A_212, %dma_start3A_213] : memref<128x32xf32, #tpu.memory_space<vmem>> -> memref<1x32xf32, #tpu.memory_space<vmem>>
    %dma_start3A_215 = arith.constant 0 : i32
    %dma_start3A_216 = tpu.memref_slice %arg4[%squeeze3A_206, %dma_start3A_215] : memref<1000000x32xf32, #tpu.memory_space<hbm>> -> memref<1x32xf32, #tpu.memory_space<hbm>>
    tpu.enqueue_dma source(%dma_start3A_216 : memref<1x32xf32, #tpu.memory_space<hbm>>) target(%dma_start3A_214 : memref<1x32xf32, #tpu.memory_space<vmem>>) target_semaphore(%arg12 : memref<!tpu.dma_semaphore, #tpu.memory_space<semaphore_mem>>)
    %slice3A_217 = vector.extract_strided_slice %get3A_204 {offsets = [0], sizes = [1], strides = [1]} : vector<8xi32> to vector<1xi32>
    %squeeze3A_218 = vector.extract %slice3A_217[0] : i32 from vector<1xi32>
    %dma_start3A_219 = arith.constant 8 : i32
    %dma_start3A_220 = arith.constant 0 : i32
    %dma_start3A_221 = tpu.memref_slice %arg11[%dma_start3A_219, %dma_start3A_220] : memref<128x32xf32, #tpu.memory_space<vmem>> -> memref<1x32xf32, #tpu.memory_space<vmem>>
    %dma_start3A_222 = arith.constant 0 : i32
    %dma_start3A_223 = tpu.memref_slice %arg5[%squeeze3A_218, %dma_start3A_222] : memref<1000000x32xf32, #tpu.memory_space<hbm>> -> memref<1x32xf32, #tpu.memory_space<hbm>>
    %dma_start3A_224 = arith.constant 8 : i32
    %dma_start3A_225 = arith.constant 0 : i32
    %dma_start3A_226 = tpu.memref_slice %arg11[%dma_start3A_224, %dma_start3A_225] : memref<128x32xf32, #tpu.memory_space<vmem>> -> memref<1x32xf32, #tpu.memory_space<vmem>>
    %dma_start3A_227 = arith.constant 0 : i32
    %dma_start3A_228 = tpu.memref_slice %arg5[%squeeze3A_218, %dma_start3A_227] : memref<1000000x32xf32, #tpu.memory_space<hbm>> -> memref<1x32xf32, #tpu.memory_space<hbm>>
    tpu.enqueue_dma source(%dma_start3A_228 : memref<1x32xf32, #tpu.memory_space<hbm>>) target(%dma_start3A_226 : memref<1x32xf32, #tpu.memory_space<vmem>>) target_semaphore(%arg12 : memref<!tpu.dma_semaphore, #tpu.memory_space<semaphore_mem>>)
    %slice3A_229 = vector.extract_strided_slice %get3A_201 {offsets = [1], sizes = [1], strides = [1]} : vector<8xi32> to vector<1xi32>
    %squeeze3A_230 = vector.extract %slice3A_229[0] : i32 from vector<1xi32>
    %dma_start3A_231 = arith.constant 9 : i32
    %dma_start3A_232 = arith.constant 0 : i32
    %dma_start3A_233 = tpu.memref_slice %arg10[%dma_start3A_231, %dma_start3A_232] : memref<128x32xf32, #tpu.memory_space<vmem>> -> memref<1x32xf32, #tpu.memory_space<vmem>>
    %dma_start3A_234 = arith.constant 0 : i32
    %dma_start3A_235 = tpu.memref_slice %arg4[%squeeze3A_230, %dma_start3A_234] : memref<1000000x32xf32, #tpu.memory_space<hbm>> -> memref<1x32xf32, #tpu.memory_space<hbm>>
    %dma_start3A_236 = arith.constant 9 : i32
    %dma_start3A_237 = arith.constant 0 : i32
    %dma_start3A_238 = tpu.memref_slice %arg10[%dma_start3A_236, %dma_start3A_237] : memref<128x32xf32, #tpu.memory_space<vmem>> -> memref<1x32xf32, #tpu.memory_space<vmem>>
    %dma_start3A_239 = arith.constant 0 : i32
    %dma_start3A_240 = tpu.memref_slice %arg4[%squeeze3A_230, %dma_start3A_239] : memref<1000000x32xf32, #tpu.memory_space<hbm>> -> memref<1x32xf32, #tpu.memory_space<hbm>>
    tpu.enqueue_dma source(%dma_start3A_240 : memref<1x32xf32, #tpu.memory_space<hbm>>) target(%dma_start3A_238 : memref<1x32xf32, #tpu.memory_space<vmem>>) target_semaphore(%arg13 : memref<!tpu.dma_semaphore, #tpu.memory_space<semaphore_mem>>)
    %slice3A_241 = vector.extract_strided_slice %get3A_204 {offsets = [1], sizes = [1], strides = [1]} : vector<8xi32> to vector<1xi32>
    %squeeze3A_242 = vector.extract %slice3A_241[0] : i32 from vector<1xi32>
    %dma_start3A_243 = arith.constant 9 : i32
    %dma_start3A_244 = arith.constant 0 : i32
    %dma_start3A_245 = tpu.memref_slice %arg11[%dma_start3A_243, %dma_start3A_244] : memref<128x32xf32, #tpu.memory_space<vmem>> -> memref<1x32xf32, #tpu.memory_space<vmem>>
    %dma_start3A_246 = arith.constant 0 : i32
    %dma_start3A_247 = tpu.memref_slice %arg5[%squeeze3A_242, %dma_start3A_246] : memref<1000000x32xf32, #tpu.memory_space<hbm>> -> memref<1x32xf32, #tpu.memory_space<hbm>>
    %dma_start3A_248 = arith.constant 9 : i32
    %dma_start3A_249 = arith.constant 0 : i32
    %dma_start3A_250 = tpu.memref_slice %arg11[%dma_start3A_248, %dma_start3A_249] : memref<128x32xf32, #tpu.memory_space<vmem>> -> memref<1x32xf32, #tpu.memory_space<vmem>>
    %dma_start3A_251 = arith.constant 0 : i32
    %dma_start3A_252 = tpu.memref_slice %arg5[%squeeze3A_242, %dma_start3A_251] : memref<1000000x32xf32, #tpu.memory_space<hbm>> -> memref<1x32xf32, #tpu.memory_space<hbm>>
    tpu.enqueue_dma source(%dma_start3A_252 : memref<1x32xf32, #tpu.memory_space<hbm>>) target(%dma_start3A_250 : memref<1x32xf32, #tpu.memory_space<vmem>>) target_semaphore(%arg13 : memref<!tpu.dma_semaphore, #tpu.memory_space<semaphore_mem>>)
    %slice3A_253 = vector.extract_strided_slice %get3A_201 {offsets = [2], sizes = [1], strides = [1]} : vector<8xi32> to vector<1xi32>
    %squeeze3A_254 = vector.extract %slice3A_253[0] : i32 from vector<1xi32>
    %dma_start3A_255 = arith.constant 10 : i32
    %dma_start3A_256 = arith.constant 0 : i32
    %dma_start3A_257 = tpu.memref_slice %arg10[%dma_start3A_255, %dma_start3A_256] : memref<128x32xf32, #tpu.memory_space<vmem>> -> memref<1x32xf32, #tpu.memory_space<vmem>>
    %dma_start3A_258 = arith.constant 0 : i32
    %dma_start3A_259 = tpu.memref_slice %arg4[%squeeze3A_254, %dma_start3A_258] : memref<1000000x32xf32, #tpu.memory_space<hbm>> -> memref<1x32xf32, #tpu.memory_space<hbm>>
    %dma_start3A_260 = arith.constant 10 : i32
    %dma_start3A_261 = arith.constant 0 : i32
    %dma_start3A_262 = tpu.memref_slice %arg10[%dma_start3A_260, %dma_start3A_261] : memref<128x32xf32, #tpu.memory_space<vmem>> -> memref<1x32xf32, #tpu.memory_space<vmem>>
    %dma_start3A_263 = arith.constant 0 : i32
    %dma_start3A_264 = tpu.memref_slice %arg4[%squeeze3A_254, %dma_start3A_263] : memref<1000000x32xf32, #tpu.memory_space<hbm>> -> memref<1x32xf32, #tpu.memory_space<hbm>>
    tpu.enqueue_dma source(%dma_start3A_264 : memref<1x32xf32, #tpu.memory_space<hbm>>) target(%dma_start3A_262 : memref<1x32xf32, #tpu.memory_space<vmem>>) target_semaphore(%arg14 : memref<!tpu.dma_semaphore, #tpu.memory_space<semaphore_mem>>)
    %slice3A_265 = vector.extract_strided_slice %get3A_204 {offsets = [2], sizes = [1], strides = [1]} : vector<8xi32> to vector<1xi32>
    %squeeze3A_266 = vector.extract %slice3A_265[0] : i32 from vector<1xi32>
    %dma_start3A_267 = arith.constant 10 : i32
    %dma_start3A_268 = arith.constant 0 : i32
    %dma_start3A_269 = tpu.memref_slice %arg11[%dma_start3A_267, %dma_start3A_268] : memref<128x32xf32, #tpu.memory_space<vmem>> -> memref<1x32xf32, #tpu.memory_space<vmem>>
    %dma_start3A_270 = arith.constant 0 : i32
    %dma_start3A_271 = tpu.memref_slice %arg5[%squeeze3A_266, %dma_start3A_270] : memref<1000000x32xf32, #tpu.memory_space<hbm>> -> memref<1x32xf32, #tpu.memory_space<hbm>>
    %dma_start3A_272 = arith.constant 10 : i32
    %dma_start3A_273 = arith.constant 0 : i32
    %dma_start3A_274 = tpu.memref_slice %arg11[%dma_start3A_272, %dma_start3A_273] : memref<128x32xf32, #tpu.memory_space<vmem>> -> memref<1x32xf32, #tpu.memory_space<vmem>>
    %dma_start3A_275 = arith.constant 0 : i32
    %dma_start3A_276 = tpu.memref_slice %arg5[%squeeze3A_266, %dma_start3A_275] : memref<1000000x32xf32, #tpu.memory_space<hbm>> -> memref<1x32xf32, #tpu.memory_space<hbm>>
    tpu.enqueue_dma source(%dma_start3A_276 : memref<1x32xf32, #tpu.memory_space<hbm>>) target(%dma_start3A_274 : memref<1x32xf32, #tpu.memory_space<vmem>>) target_semaphore(%arg14 : memref<!tpu.dma_semaphore, #tpu.memory_space<semaphore_mem>>)
    %slice3A_277 = vector.extract_strided_slice %get3A_201 {offsets = [3], sizes = [1], strides = [1]} : vector<8xi32> to vector<1xi32>
    %squeeze3A_278 = vector.extract %slice3A_277[0] : i32 from vector<1xi32>
    %dma_start3A_279 = arith.constant 11 : i32
    %dma_start3A_280 = arith.constant 0 : i32
    %dma_start3A_281 = tpu.memref_slice %arg10[%dma_start3A_279, %dma_start3A_280] : memref<128x32xf32, #tpu.memory_space<vmem>> -> memref<1x32xf32, #tpu.memory_space<vmem>>
    %dma_start3A_282 = arith.constant 0 : i32
    %dma_start3A_283 = tpu.memref_slice %arg4[%squeeze3A_278, %dma_start3A_282] : memref<1000000x32xf32, #tpu.memory_space<hbm>> -> memref<1x32xf32, #tpu.memory_space<hbm>>
    %dma_start3A_284 = arith.constant 11 : i32
    %dma_start3A_285 = arith.constant 0 : i32
    %dma_start3A_286 = tpu.memref_slice %arg10[%dma_start3A_284, %dma_start3A_285] : memref<128x32xf32, #tpu.memory_space<vmem>> -> memref<1x32xf32, #tpu.memory_space<vmem>>
    %dma_start3A_287 = arith.constant 0 : i32
    %dma_start3A_288 = tpu.memref_slice %arg4[%squeeze3A_278, %dma_start3A_287] : memref<1000000x32xf32, #tpu.memory_space<hbm>> -> memref<1x32xf32, #tpu.memory_space<hbm>>
    tpu.enqueue_dma source(%dma_start3A_288 : memref<1x32xf32, #tpu.memory_space<hbm>>) target(%dma_start3A_286 : memref<1x32xf32, #tpu.memory_space<vmem>>) target_semaphore(%arg15 : memref<!tpu.dma_semaphore, #tpu.memory_space<semaphore_mem>>)
    %slice3A_289 = vector.extract_strided_slice %get3A_204 {offsets = [3], sizes = [1], strides = [1]} : vector<8xi32> to vector<1xi32>
    %squeeze3A_290 = vector.extract %slice3A_289[0] : i32 from vector<1xi32>
    %dma_start3A_291 = arith.constant 11 : i32
    %dma_start3A_292 = arith.constant 0 : i32
    %dma_start3A_293 = tpu.memref_slice %arg11[%dma_start3A_291, %dma_start3A_292] : memref<128x32xf32, #tpu.memory_space<vmem>> -> memref<1x32xf32, #tpu.memory_space<vmem>>
    %dma_start3A_294 = arith.constant 0 : i32
    %dma_start3A_295 = tpu.memref_slice %arg5[%squeeze3A_290, %dma_start3A_294] : memref<1000000x32xf32, #tpu.memory_space<hbm>> -> memref<1x32xf32, #tpu.memory_space<hbm>>
    %dma_start3A_296 = arith.constant 11 : i32
    %dma_start3A_297 = arith.constant 0 : i32
    %dma_start3A_298 = tpu.memref_slice %arg11[%dma_start3A_296, %dma_start3A_297] : memref<128x32xf32, #tpu.memory_space<vmem>> -> memref<1x32xf32, #tpu.memory_space<vmem>>
    %dma_start3A_299 = arith.constant 0 : i32
    %dma_start3A_300 = tpu.memref_slice %arg5[%squeeze3A_290, %dma_start3A_299] : memref<1000000x32xf32, #tpu.memory_space<hbm>> -> memref<1x32xf32, #tpu.memory_space<hbm>>
    tpu.enqueue_dma source(%dma_start3A_300 : memref<1x32xf32, #tpu.memory_space<hbm>>) target(%dma_start3A_298 : memref<1x32xf32, #tpu.memory_space<vmem>>) target_semaphore(%arg15 : memref<!tpu.dma_semaphore, #tpu.memory_space<semaphore_mem>>)
    %slice3A_301 = vector.extract_strided_slice %get3A_201 {offsets = [4], sizes = [1], strides = [1]} : vector<8xi32> to vector<1xi32>
    %squeeze3A_302 = vector.extract %slice3A_301[0] : i32 from vector<1xi32>
    %dma_start3A_303 = arith.constant 12 : i32
    %dma_start3A_304 = arith.constant 0 : i32
    %dma_start3A_305 = tpu.memref_slice %arg10[%dma_start3A_303, %dma_start3A_304] : memref<128x32xf32, #tpu.memory_space<vmem>> -> memref<1x32xf32, #tpu.memory_space<vmem>>
    %dma_start3A_306 = arith.constant 0 : i32
    %dma_start3A_307 = tpu.memref_slice %arg4[%squeeze3A_302, %dma_start3A_306] : memref<1000000x32xf32, #tpu.memory_space<hbm>> -> memref<1x32xf32, #tpu.memory_space<hbm>>
    %dma_start3A_308 = arith.constant 12 : i32
    %dma_start3A_309 = arith.constant 0 : i32
    %dma_start3A_310 = tpu.memref_slice %arg10[%dma_start3A_308, %dma_start3A_309] : memref<128x32xf32, #tpu.memory_space<vmem>> -> memref<1x32xf32, #tpu.memory_space<vmem>>
    %dma_start3A_311 = arith.constant 0 : i32
    %dma_start3A_312 = tpu.memref_slice %arg4[%squeeze3A_302, %dma_start3A_311] : memref<1000000x32xf32, #tpu.memory_space<hbm>> -> memref<1x32xf32, #tpu.memory_space<hbm>>
    tpu.enqueue_dma source(%dma_start3A_312 : memref<1x32xf32, #tpu.memory_space<hbm>>) target(%dma_start3A_310 : memref<1x32xf32, #tpu.memory_space<vmem>>) target_semaphore(%arg16 : memref<!tpu.dma_semaphore, #tpu.memory_space<semaphore_mem>>)
    %slice3A_313 = vector.extract_strided_slice %get3A_204 {offsets = [4], sizes = [1], strides = [1]} : vector<8xi32> to vector<1xi32>
    %squeeze3A_314 = vector.extract %slice3A_313[0] : i32 from vector<1xi32>
    %dma_start3A_315 = arith.constant 12 : i32
    %dma_start3A_316 = arith.constant 0 : i32
    %dma_start3A_317 = tpu.memref_slice %arg11[%dma_start3A_315, %dma_start3A_316] : memref<128x32xf32, #tpu.memory_space<vmem>> -> memref<1x32xf32, #tpu.memory_space<vmem>>
    %dma_start3A_318 = arith.constant 0 : i32
    %dma_start3A_319 = tpu.memref_slice %arg5[%squeeze3A_314, %dma_start3A_318] : memref<1000000x32xf32, #tpu.memory_space<hbm>> -> memref<1x32xf32, #tpu.memory_space<hbm>>
    %dma_start3A_320 = arith.constant 12 : i32
    %dma_start3A_321 = arith.constant 0 : i32
    %dma_start3A_322 = tpu.memref_slice %arg11[%dma_start3A_320, %dma_start3A_321] : memref<128x32xf32, #tpu.memory_space<vmem>> -> memref<1x32xf32, #tpu.memory_space<vmem>>
    %dma_start3A_323 = arith.constant 0 : i32
    %dma_start3A_324 = tpu.memref_slice %arg5[%squeeze3A_314, %dma_start3A_323] : memref<1000000x32xf32, #tpu.memory_space<hbm>> -> memref<1x32xf32, #tpu.memory_space<hbm>>
    tpu.enqueue_dma source(%dma_start3A_324 : memref<1x32xf32, #tpu.memory_space<hbm>>) target(%dma_start3A_322 : memref<1x32xf32, #tpu.memory_space<vmem>>) target_semaphore(%arg16 : memref<!tpu.dma_semaphore, #tpu.memory_space<semaphore_mem>>)
    %slice3A_325 = vector.extract_strided_slice %get3A_201 {offsets = [5], sizes = [1], strides = [1]} : vector<8xi32> to vector<1xi32>
    %squeeze3A_326 = vector.extract %slice3A_325[0] : i32 from vector<1xi32>
    %dma_start3A_327 = arith.constant 13 : i32
    %dma_start3A_328 = arith.constant 0 : i32
    %dma_start3A_329 = tpu.memref_slice %arg10[%dma_start3A_327, %dma_start3A_328] : memref<128x32xf32, #tpu.memory_space<vmem>> -> memref<1x32xf32, #tpu.memory_space<vmem>>
    %dma_start3A_330 = arith.constant 0 : i32
    %dma_start3A_331 = tpu.memref_slice %arg4[%squeeze3A_326, %dma_start3A_330] : memref<1000000x32xf32, #tpu.memory_space<hbm>> -> memref<1x32xf32, #tpu.memory_space<hbm>>
    %dma_start3A_332 = arith.constant 13 : i32
    %dma_start3A_333 = arith.constant 0 : i32
    %dma_start3A_334 = tpu.memref_slice %arg10[%dma_start3A_332, %dma_start3A_333] : memref<128x32xf32, #tpu.memory_space<vmem>> -> memref<1x32xf32, #tpu.memory_space<vmem>>
    %dma_start3A_335 = arith.constant 0 : i32
    %dma_start3A_336 = tpu.memref_slice %arg4[%squeeze3A_326, %dma_start3A_335] : memref<1000000x32xf32, #tpu.memory_space<hbm>> -> memref<1x32xf32, #tpu.memory_space<hbm>>
    tpu.enqueue_dma source(%dma_start3A_336 : memref<1x32xf32, #tpu.memory_space<hbm>>) target(%dma_start3A_334 : memref<1x32xf32, #tpu.memory_space<vmem>>) target_semaphore(%arg17 : memref<!tpu.dma_semaphore, #tpu.memory_space<semaphore_mem>>)
    %slice3A_337 = vector.extract_strided_slice %get3A_204 {offsets = [5], sizes = [1], strides = [1]} : vector<8xi32> to vector<1xi32>
    %squeeze3A_338 = vector.extract %slice3A_337[0] : i32 from vector<1xi32>
    %dma_start3A_339 = arith.constant 13 : i32
    %dma_start3A_340 = arith.constant 0 : i32
    %dma_start3A_341 = tpu.memref_slice %arg11[%dma_start3A_339, %dma_start3A_340] : memref<128x32xf32, #tpu.memory_space<vmem>> -> memref<1x32xf32, #tpu.memory_space<vmem>>
    %dma_start3A_342 = arith.constant 0 : i32
    %dma_start3A_343 = tpu.memref_slice %arg5[%squeeze3A_338, %dma_start3A_342] : memref<1000000x32xf32, #tpu.memory_space<hbm>> -> memref<1x32xf32, #tpu.memory_space<hbm>>
    %dma_start3A_344 = arith.constant 13 : i32
    %dma_start3A_345 = arith.constant 0 : i32
    %dma_start3A_346 = tpu.memref_slice %arg11[%dma_start3A_344, %dma_start3A_345] : memref<128x32xf32, #tpu.memory_space<vmem>> -> memref<1x32xf32, #tpu.memory_space<vmem>>
    %dma_start3A_347 = arith.constant 0 : i32
    %dma_start3A_348 = tpu.memref_slice %arg5[%squeeze3A_338, %dma_start3A_347] : memref<1000000x32xf32, #tpu.memory_space<hbm>> -> memref<1x32xf32, #tpu.memory_space<hbm>>
    tpu.enqueue_dma source(%dma_start3A_348 : memref<1x32xf32, #tpu.memory_space<hbm>>) target(%dma_start3A_346 : memref<1x32xf32, #tpu.memory_space<vmem>>) target_semaphore(%arg17 : memref<!tpu.dma_semaphore, #tpu.memory_space<semaphore_mem>>)
    %slice3A_349 = vector.extract_strided_slice %get3A_201 {offsets = [6], sizes = [1], strides = [1]} : vector<8xi32> to vector<1xi32>
    %squeeze3A_350 = vector.extract %slice3A_349[0] : i32 from vector<1xi32>
    %dma_start3A_351 = arith.constant 14 : i32
    %dma_start3A_352 = arith.constant 0 : i32
    %dma_start3A_353 = tpu.memref_slice %arg10[%dma_start3A_351, %dma_start3A_352] : memref<128x32xf32, #tpu.memory_space<vmem>> -> memref<1x32xf32, #tpu.memory_space<vmem>>
    %dma_start3A_354 = arith.constant 0 : i32
    %dma_start3A_355 = tpu.memref_slice %arg4[%squeeze3A_350, %dma_start3A_354] : memref<1000000x32xf32, #tpu.memory_space<hbm>> -> memref<1x32xf32, #tpu.memory_space<hbm>>
    %dma_start3A_356 = arith.constant 14 : i32
    %dma_start3A_357 = arith.constant 0 : i32
    %dma_start3A_358 = tpu.memref_slice %arg10[%dma_start3A_356, %dma_start3A_357] : memref<128x32xf32, #tpu.memory_space<vmem>> -> memref<1x32xf32, #tpu.memory_space<vmem>>
    %dma_start3A_359 = arith.constant 0 : i32
    %dma_start3A_360 = tpu.memref_slice %arg4[%squeeze3A_350, %dma_start3A_359] : memref<1000000x32xf32, #tpu.memory_space<hbm>> -> memref<1x32xf32, #tpu.memory_space<hbm>>
    tpu.enqueue_dma source(%dma_start3A_360 : memref<1x32xf32, #tpu.memory_space<hbm>>) target(%dma_start3A_358 : memref<1x32xf32, #tpu.memory_space<vmem>>) target_semaphore(%arg18 : memref<!tpu.dma_semaphore, #tpu.memory_space<semaphore_mem>>)
    %slice3A_361 = vector.extract_strided_slice %get3A_204 {offsets = [6], sizes = [1], strides = [1]} : vector<8xi32> to vector<1xi32>
    %squeeze3A_362 = vector.extract %slice3A_361[0] : i32 from vector<1xi32>
    %dma_start3A_363 = arith.constant 14 : i32
    %dma_start3A_364 = arith.constant 0 : i32
    %dma_start3A_365 = tpu.memref_slice %arg11[%dma_start3A_363, %dma_start3A_364] : memref<128x32xf32, #tpu.memory_space<vmem>> -> memref<1x32xf32, #tpu.memory_space<vmem>>
    %dma_start3A_366 = arith.constant 0 : i32
    %dma_start3A_367 = tpu.memref_slice %arg5[%squeeze3A_362, %dma_start3A_366] : memref<1000000x32xf32, #tpu.memory_space<hbm>> -> memref<1x32xf32, #tpu.memory_space<hbm>>
    %dma_start3A_368 = arith.constant 14 : i32
    %dma_start3A_369 = arith.constant 0 : i32
    %dma_start3A_370 = tpu.memref_slice %arg11[%dma_start3A_368, %dma_start3A_369] : memref<128x32xf32, #tpu.memory_space<vmem>> -> memref<1x32xf32, #tpu.memory_space<vmem>>
    %dma_start3A_371 = arith.constant 0 : i32
    %dma_start3A_372 = tpu.memref_slice %arg5[%squeeze3A_362, %dma_start3A_371] : memref<1000000x32xf32, #tpu.memory_space<hbm>> -> memref<1x32xf32, #tpu.memory_space<hbm>>
    tpu.enqueue_dma source(%dma_start3A_372 : memref<1x32xf32, #tpu.memory_space<hbm>>) target(%dma_start3A_370 : memref<1x32xf32, #tpu.memory_space<vmem>>) target_semaphore(%arg18 : memref<!tpu.dma_semaphore, #tpu.memory_space<semaphore_mem>>)
    %slice3A_373 = vector.extract_strided_slice %get3A_201 {offsets = [7], sizes = [1], strides = [1]} : vector<8xi32> to vector<1xi32>
    %squeeze3A_374 = vector.extract %slice3A_373[0] : i32 from vector<1xi32>
    %dma_start3A_375 = arith.constant 15 : i32
    %dma_start3A_376 = arith.constant 0 : i32
    %dma_start3A_377 = tpu.memref_slice %arg10[%dma_start3A_375, %dma_start3A_376] : memref<128x32xf32, #tpu.memory_space<vmem>> -> memref<1x32xf32, #tpu.memory_space<vmem>>
    %dma_start3A_378 = arith.constant 0 : i32
    %dma_start3A_379 = tpu.memref_slice %arg4[%squeeze3A_374, %dma_start3A_378] : memref<1000000x32xf32, #tpu.memory_space<hbm>> -> memref<1x32xf32, #tpu.memory_space<hbm>>
    %dma_start3A_380 = arith.constant 15 : i32
    %dma_start3A_381 = arith.constant 0 : i32
    %dma_start3A_382 = tpu.memref_slice %arg10[%dma_start3A_380, %dma_start3A_381] : memref<128x32xf32, #tpu.memory_space<vmem>> -> memref<1x32xf32, #tpu.memory_space<vmem>>
    %dma_start3A_383 = arith.constant 0 : i32
    %dma_start3A_384 = tpu.memref_slice %arg4[%squeeze3A_374, %dma_start3A_383] : memref<1000000x32xf32, #tpu.memory_space<hbm>> -> memref<1x32xf32, #tpu.memory_space<hbm>>
    tpu.enqueue_dma source(%dma_start3A_384 : memref<1x32xf32, #tpu.memory_space<hbm>>) target(%dma_start3A_382 : memref<1x32xf32, #tpu.memory_space<vmem>>) target_semaphore(%arg19 : memref<!tpu.dma_semaphore, #tpu.memory_space<semaphore_mem>>)
    %slice3A_385 = vector.extract_strided_slice %get3A_204 {offsets = [7], sizes = [1], strides = [1]} : vector<8xi32> to vector<1xi32>
    %squeeze3A_386 = vector.extract %slice3A_385[0] : i32 from vector<1xi32>
    %dma_start3A_387 = arith.constant 15 : i32
    %dma_start3A_388 = arith.constant 0 : i32
    %dma_start3A_389 = tpu.memref_slice %arg11[%dma_start3A_387, %dma_start3A_388] : memref<128x32xf32, #tpu.memory_space<vmem>> -> memref<1x32xf32, #tpu.memory_space<vmem>>
    %dma_start3A_390 = arith.constant 0 : i32
    %dma_start3A_391 = tpu.memref_slice %arg5[%squeeze3A_386, %dma_start3A_390] : memref<1000000x32xf32, #tpu.memory_space<hbm>> -> memref<1x32xf32, #tpu.memory_space<hbm>>
    %dma_start3A_392 = arith.constant 15 : i32
    %dma_start3A_393 = arith.constant 0 : i32
    %dma_start3A_394 = tpu.memref_slice %arg11[%dma_start3A_392, %dma_start3A_393] : memref<128x32xf32, #tpu.memory_space<vmem>> -> memref<1x32xf32, #tpu.memory_space<vmem>>
    %dma_start3A_395 = arith.constant 0 : i32
    %dma_start3A_396 = tpu.memref_slice %arg5[%squeeze3A_386, %dma_start3A_395] : memref<1000000x32xf32, #tpu.memory_space<hbm>> -> memref<1x32xf32, #tpu.memory_space<hbm>>
    tpu.enqueue_dma source(%dma_start3A_396 : memref<1x32xf32, #tpu.memory_space<hbm>>) target(%dma_start3A_394 : memref<1x32xf32, #tpu.memory_space<vmem>>) target_semaphore(%arg19 : memref<!tpu.dma_semaphore, #tpu.memory_space<semaphore_mem>>)
    %get3A_397 = arith.constant 16 : index
    %get3A_398 = tpu.vector_load %arg8[%get3A_397] {strides = array<i32>} : memref<128xi32, #tpu.memory_space<vmem>>, vector<8xi32>,
    %get3A_399 = vector.shape_cast %get3A_398 : vector<8xi32> to vector<8xi32>
    %get3A_400 = arith.constant 16 : index
    %get3A_401 = tpu.vector_load %arg9[%get3A_400] {strides = array<i32>} : memref<128xi32, #tpu.memory_space<vmem>>, vector<8xi32>,
    %get3A_402 = vector.shape_cast %get3A_401 : vector<8xi32> to vector<8xi32>
    %slice3A_403 = vector.extract_strided_slice %get3A_399 {offsets = [0], sizes = [1], strides = [1]} : vector<8xi32> to vector<1xi32>
    %squeeze3A_404 = vector.extract %slice3A_403[0] : i32 from vector<1xi32>
    %dma_start3A_405 = arith.constant 16 : i32
    %dma_start3A_406 = arith.constant 0 : i32
    %dma_start3A_407 = tpu.memref_slice %arg10[%dma_start3A_405, %dma_start3A_406] : memref<128x32xf32, #tpu.memory_space<vmem>> -> memref<1x32xf32, #tpu.memory_space<vmem>>
    %dma_start3A_408 = arith.constant 0 : i32
    %dma_start3A_409 = tpu.memref_slice %arg4[%squeeze3A_404, %dma_start3A_408] : memref<1000000x32xf32, #tpu.memory_space<hbm>> -> memref<1x32xf32, #tpu.memory_space<hbm>>
    %dma_start3A_410 = arith.constant 16 : i32
    %dma_start3A_411 = arith.constant 0 : i32
    %dma_start3A_412 = tpu.memref_slice %arg10[%dma_start3A_410, %dma_start3A_411] : memref<128x32xf32, #tpu.memory_space<vmem>> -> memref<1x32xf32, #tpu.memory_space<vmem>>
    %dma_start3A_413 = arith.constant 0 : i32
    %dma_start3A_414 = tpu.memref_slice %arg4[%squeeze3A_404, %dma_start3A_413] : memref<1000000x32xf32, #tpu.memory_space<hbm>> -> memref<1x32xf32, #tpu.memory_space<hbm>>
    tpu.enqueue_dma source(%dma_start3A_414 : memref<1x32xf32, #tpu.memory_space<hbm>>) target(%dma_start3A_412 : memref<1x32xf32, #tpu.memory_space<vmem>>) target_semaphore(%arg12 : memref<!tpu.dma_semaphore, #tpu.memory_space<semaphore_mem>>)
    %slice3A_415 = vector.extract_strided_slice %get3A_402 {offsets = [0], sizes = [1], strides = [1]} : vector<8xi32> to vector<1xi32>
    %squeeze3A_416 = vector.extract %slice3A_415[0] : i32 from vector<1xi32>
    %dma_start3A_417 = arith.constant 16 : i32
    %dma_start3A_418 = arith.constant 0 : i32
    %dma_start3A_419 = tpu.memref_slice %arg11[%dma_start3A_417, %dma_start3A_418] : memref<128x32xf32, #tpu.memory_space<vmem>> -> memref<1x32xf32, #tpu.memory_space<vmem>>
    %dma_start3A_420 = arith.constant 0 : i32
    %dma_start3A_421 = tpu.memref_slice %arg5[%squeeze3A_416, %dma_start3A_420] : memref<1000000x32xf32, #tpu.memory_space<hbm>> -> memref<1x32xf32, #tpu.memory_space<hbm>>
    %dma_start3A_422 = arith.constant 16 : i32
    %dma_start3A_423 = arith.constant 0 : i32
    %dma_start3A_424 = tpu.memref_slice %arg11[%dma_start3A_422, %dma_start3A_423] : memref<128x32xf32, #tpu.memory_space<vmem>> -> memref<1x32xf32, #tpu.memory_space<vmem>>
    %dma_start3A_425 = arith.constant 0 : i32
    %dma_start3A_426 = tpu.memref_slice %arg5[%squeeze3A_416, %dma_start3A_425] : memref<1000000x32xf32, #tpu.memory_space<hbm>> -> memref<1x32xf32, #tpu.memory_space<hbm>>
    tpu.enqueue_dma source(%dma_start3A_426 : memref<1x32xf32, #tpu.memory_space<hbm>>) target(%dma_start3A_424 : memref<1x32xf32, #tpu.memory_space<vmem>>) target_semaphore(%arg12 : memref<!tpu.dma_semaphore, #tpu.memory_space<semaphore_mem>>)
    %slice3A_427 = vector.extract_strided_slice %get3A_399 {offsets = [1], sizes = [1], strides = [1]} : vector<8xi32> to vector<1xi32>
    %squeeze3A_428 = vector.extract %slice3A_427[0] : i32 from vector<1xi32>
    %dma_start3A_429 = arith.constant 17 : i32
    %dma_start3A_430 = arith.constant 0 : i32
    %dma_start3A_431 = tpu.memref_slice %arg10[%dma_start3A_429, %dma_start3A_430] : memref<128x32xf32, #tpu.memory_space<vmem>> -> memref<1x32xf32, #tpu.memory_space<vmem>>
    %dma_start3A_432 = arith.constant 0 : i32
    %dma_start3A_433 = tpu.memref_slice %arg4[%squeeze3A_428, %dma_start3A_432] : memref<1000000x32xf32, #tpu.memory_space<hbm>> -> memref<1x32xf32, #tpu.memory_space<hbm>>
    %dma_start3A_434 = arith.constant 17 : i32
    %dma_start3A_435 = arith.constant 0 : i32
    %dma_start3A_436 = tpu.memref_slice %arg10[%dma_start3A_434, %dma_start3A_435] : memref<128x32xf32, #tpu.memory_space<vmem>> -> memref<1x32xf32, #tpu.memory_space<vmem>>
    %dma_start3A_437 = arith.constant 0 : i32
    %dma_start3A_438 = tpu.memref_slice %arg4[%squeeze3A_428, %dma_start3A_437] : memref<1000000x32xf32, #tpu.memory_space<hbm>> -> memref<1x32xf32, #tpu.memory_space<hbm>>
    tpu.enqueue_dma source(%dma_start3A_438 : memref<1x32xf32, #tpu.memory_space<hbm>>) target(%dma_start3A_436 : memref<1x32xf32, #tpu.memory_space<vmem>>) target_semaphore(%arg13 : memref<!tpu.dma_semaphore, #tpu.memory_space<semaphore_mem>>)
    %slice3A_439 = vector.extract_strided_slice %get3A_402 {offsets = [1], sizes = [1], strides = [1]} : vector<8xi32> to vector<1xi32>
    %squeeze3A_440 = vector.extract %slice3A_439[0] : i32 from vector<1xi32>
    %dma_start3A_441 = arith.constant 17 : i32
    %dma_start3A_442 = arith.constant 0 : i32
    %dma_start3A_443 = tpu.memref_slice %arg11[%dma_start3A_441, %dma_start3A_442] : memref<128x32xf32, #tpu.memory_space<vmem>> -> memref<1x32xf32, #tpu.memory_space<vmem>>
    %dma_start3A_444 = arith.constant 0 : i32
    %dma_start3A_445 = tpu.memref_slice %arg5[%squeeze3A_440, %dma_start3A_444] : memref<1000000x32xf32, #tpu.memory_space<hbm>> -> memref<1x32xf32, #tpu.memory_space<hbm>>
    %dma_start3A_446 = arith.constant 17 : i32
    %dma_start3A_447 = arith.constant 0 : i32
    %dma_start3A_448 = tpu.memref_slice %arg11[%dma_start3A_446, %dma_start3A_447] : memref<128x32xf32, #tpu.memory_space<vmem>> -> memref<1x32xf32, #tpu.memory_space<vmem>>
    %dma_start3A_449 = arith.constant 0 : i32
    %dma_start3A_450 = tpu.memref_slice %arg5[%squeeze3A_440, %dma_start3A_449] : memref<1000000x32xf32, #tpu.memory_space<hbm>> -> memref<1x32xf32, #tpu.memory_space<hbm>>
    tpu.enqueue_dma source(%dma_start3A_450 : memref<1x32xf32, #tpu.memory_space<hbm>>) target(%dma_start3A_448 : memref<1x32xf32, #tpu.memory_space<vmem>>) target_semaphore(%arg13 : memref<!tpu.dma_semaphore, #tpu.memory_space<semaphore_mem>>)
    %slice3A_451 = vector.extract_strided_slice %get3A_399 {offsets = [2], sizes = [1], strides = [1]} : vector<8xi32> to vector<1xi32>
    %squeeze3A_452 = vector.extract %slice3A_451[0] : i32 from vector<1xi32>
    %dma_start3A_453 = arith.constant 18 : i32
    %dma_start3A_454 = arith.constant 0 : i32
    %dma_start3A_455 = tpu.memref_slice %arg10[%dma_start3A_453, %dma_start3A_454] : memref<128x32xf32, #tpu.memory_space<vmem>> -> memref<1x32xf32, #tpu.memory_space<vmem>>
    %dma_start3A_456 = arith.constant 0 : i32
    %dma_start3A_457 = tpu.memref_slice %arg4[%squeeze3A_452, %dma_start3A_456] : memref<1000000x32xf32, #tpu.memory_space<hbm>> -> memref<1x32xf32, #tpu.memory_space<hbm>>
    %dma_start3A_458 = arith.constant 18 : i32
    %dma_start3A_459 = arith.constant 0 : i32
    %dma_start3A_460 = tpu.memref_slice %arg10[%dma_start3A_458, %dma_start3A_459] : memref<128x32xf32, #tpu.memory_space<vmem>> -> memref<1x32xf32, #tpu.memory_space<vmem>>
    %dma_start3A_461 = arith.constant 0 : i32
    %dma_start3A_462 = tpu.memref_slice %arg4[%squeeze3A_452, %dma_start3A_461] : memref<1000000x32xf32, #tpu.memory_space<hbm>> -> memref<1x32xf32, #tpu.memory_space<hbm>>
    tpu.enqueue_dma source(%dma_start3A_462 : memref<1x32xf32, #tpu.memory_space<hbm>>) target(%dma_start3A_460 : memref<1x32xf32, #tpu.memory_space<vmem>>) target_semaphore(%arg14 : memref<!tpu.dma_semaphore, #tpu.memory_space<semaphore_mem>>)
    %slice3A_463 = vector.extract_strided_slice %get3A_402 {offsets = [2], sizes = [1], strides = [1]} : vector<8xi32> to vector<1xi32>
    %squeeze3A_464 = vector.extract %slice3A_463[0] : i32 from vector<1xi32>
    %dma_start3A_465 = arith.constant 18 : i32
    %dma_start3A_466 = arith.constant 0 : i32
    %dma_start3A_467 = tpu.memref_slice %arg11[%dma_start3A_465, %dma_start3A_466] : memref<128x32xf32, #tpu.memory_space<vmem>> -> memref<1x32xf32, #tpu.memory_space<vmem>>
    %dma_start3A_468 = arith.constant 0 : i32
    %dma_start3A_469 = tpu.memref_slice %arg5[%squeeze3A_464, %dma_start3A_468] : memref<1000000x32xf32, #tpu.memory_space<hbm>> -> memref<1x32xf32, #tpu.memory_space<hbm>>
    %dma_start3A_470 = arith.constant 18 : i32
    %dma_start3A_471 = arith.constant 0 : i32
    %dma_start3A_472 = tpu.memref_slice %arg11[%dma_start3A_470, %dma_start3A_471] : memref<128x32xf32, #tpu.memory_space<vmem>> -> memref<1x32xf32, #tpu.memory_space<vmem>>
    %dma_start3A_473 = arith.constant 0 : i32
    %dma_start3A_474 = tpu.memref_slice %arg5[%squeeze3A_464, %dma_start3A_473] : memref<1000000x32xf32, #tpu.memory_space<hbm>> -> memref<1x32xf32, #tpu.memory_space<hbm>>
    tpu.enqueue_dma source(%dma_start3A_474 : memref<1x32xf32, #tpu.memory_space<hbm>>) target(%dma_start3A_472 : memref<1x32xf32, #tpu.memory_space<vmem>>) target_semaphore(%arg14 : memref<!tpu.dma_semaphore, #tpu.memory_space<semaphore_mem>>)
    %slice3A_475 = vector.extract_strided_slice %get3A_399 {offsets = [3], sizes = [1], strides = [1]} : vector<8xi32> to vector<1xi32>
    %squeeze3A_476 = vector.extract %slice3A_475[0] : i32 from vector<1xi32>
    %dma_start3A_477 = arith.constant 19 : i32
    %dma_start3A_478 = arith.constant 0 : i32
    %dma_start3A_479 = tpu.memref_slice %arg10[%dma_start3A_477, %dma_start3A_478] : memref<128x32xf32, #tpu.memory_space<vmem>> -> memref<1x32xf32, #tpu.memory_space<vmem>>
    %dma_start3A_480 = arith.constant 0 : i32
    %dma_start3A_481 = tpu.memref_slice %arg4[%squeeze3A_476, %dma_start3A_480] : memref<1000000x32xf32, #tpu.memory_space<hbm>> -> memref<1x32xf32, #tpu.memory_space<hbm>>
    %dma_start3A_482 = arith.constant 19 : i32
    %dma_start3A_483 = arith.constant 0 : i32
    %dma_start3A_484 = tpu.memref_slice %arg10[%dma_start3A_482, %dma_start3A_483] : memref<128x32xf32, #tpu.memory_space<vmem>> -> memref<1x32xf32, #tpu.memory_space<vmem>>
    %dma_start3A_485 = arith.constant 0 : i32
    %dma_start3A_486 = tpu.memref_slice %arg4[%squeeze3A_476, %dma_start3A_485] : memref<1000000x32xf32, #tpu.memory_space<hbm>> -> memref<1x32xf32, #tpu.memory_space<hbm>>
    tpu.enqueue_dma source(%dma_start3A_486 : memref<1x32xf32, #tpu.memory_space<hbm>>) target(%dma_start3A_484 : memref<1x32xf32, #tpu.memory_space<vmem>>) target_semaphore(%arg15 : memref<!tpu.dma_semaphore, #tpu.memory_space<semaphore_mem>>)
    %slice3A_487 = vector.extract_strided_slice %get3A_402 {offsets = [3], sizes = [1], strides = [1]} : vector<8xi32> to vector<1xi32>
    %squeeze3A_488 = vector.extract %slice3A_487[0] : i32 from vector<1xi32>
    %dma_start3A_489 = arith.constant 19 : i32
    %dma_start3A_490 = arith.constant 0 : i32
    %dma_start3A_491 = tpu.memref_slice %arg11[%dma_start3A_489, %dma_start3A_490] : memref<128x32xf32, #tpu.memory_space<vmem>> -> memref<1x32xf32, #tpu.memory_space<vmem>>
    %dma_start3A_492 = arith.constant 0 : i32
    %dma_start3A_493 = tpu.memref_slice %arg5[%squeeze3A_488, %dma_start3A_492] : memref<1000000x32xf32, #tpu.memory_space<hbm>> -> memref<1x32xf32, #tpu.memory_space<hbm>>
    %dma_start3A_494 = arith.constant 19 : i32
    %dma_start3A_495 = arith.constant 0 : i32
    %dma_start3A_496 = tpu.memref_slice %arg11[%dma_start3A_494, %dma_start3A_495] : memref<128x32xf32, #tpu.memory_space<vmem>> -> memref<1x32xf32, #tpu.memory_space<vmem>>
    %dma_start3A_497 = arith.constant 0 : i32
    %dma_start3A_498 = tpu.memref_slice %arg5[%squeeze3A_488, %dma_start3A_497] : memref<1000000x32xf32, #tpu.memory_space<hbm>> -> memref<1x32xf32, #tpu.memory_space<hbm>>
    tpu.enqueue_dma source(%dma_start3A_498 : memref<1x32xf32, #tpu.memory_space<hbm>>) target(%dma_start3A_496 : memref<1x32xf32, #tpu.memory_space<vmem>>) target_semaphore(%arg15 : memref<!tpu.dma_semaphore, #tpu.memory_space<semaphore_mem>>)
    %slice3A_499 = vector.extract_strided_slice %get3A_399 {offsets = [4], sizes = [1], strides = [1]} : vector<8xi32> to vector<1xi32>
    %squeeze3A_500 = vector.extract %slice3A_499[0] : i32 from vector<1xi32>
    %dma_start3A_501 = arith.constant 20 : i32
    %dma_start3A_502 = arith.constant 0 : i32
    %dma_start3A_503 = tpu.memref_slice %arg10[%dma_start3A_501, %dma_start3A_502] : memref<128x32xf32, #tpu.memory_space<vmem>> -> memref<1x32xf32, #tpu.memory_space<vmem>>
    %dma_start3A_504 = arith.constant 0 : i32
    %dma_start3A_505 = tpu.memref_slice %arg4[%squeeze3A_500, %dma_start3A_504] : memref<1000000x32xf32, #tpu.memory_space<hbm>> -> memref<1x32xf32, #tpu.memory_space<hbm>>
    %dma_start3A_506 = arith.constant 20 : i32
    %dma_start3A_507 = arith.constant 0 : i32
    %dma_start3A_508 = tpu.memref_slice %arg10[%dma_start3A_506, %dma_start3A_507] : memref<128x32xf32, #tpu.memory_space<vmem>> -> memref<1x32xf32, #tpu.memory_space<vmem>>
    %dma_start3A_509 = arith.constant 0 : i32
    %dma_start3A_510 = tpu.memref_slice %arg4[%squeeze3A_500, %dma_start3A_509] : memref<1000000x32xf32, #tpu.memory_space<hbm>> -> memref<1x32xf32, #tpu.memory_space<hbm>>
    tpu.enqueue_dma source(%dma_start3A_510 : memref<1x32xf32, #tpu.memory_space<hbm>>) target(%dma_start3A_508 : memref<1x32xf32, #tpu.memory_space<vmem>>) target_semaphore(%arg16 : memref<!tpu.dma_semaphore, #tpu.memory_space<semaphore_mem>>)
    %slice3A_511 = vector.extract_strided_slice %get3A_402 {offsets = [4], sizes = [1], strides = [1]} : vector<8xi32> to vector<1xi32>
    %squeeze3A_512 = vector.extract %slice3A_511[0] : i32 from vector<1xi32>
    %dma_start3A_513 = arith.constant 20 : i32
    %dma_start3A_514 = arith.constant 0 : i32
    %dma_start3A_515 = tpu.memref_slice %arg11[%dma_start3A_513, %dma_start3A_514] : memref<128x32xf32, #tpu.memory_space<vmem>> -> memref<1x32xf32, #tpu.memory_space<vmem>>
    %dma_start3A_516 = arith.constant 0 : i32
    %dma_start3A_517 = tpu.memref_slice %arg5[%squeeze3A_512, %dma_start3A_516] : memref<1000000x32xf32, #tpu.memory_space<hbm>> -> memref<1x32xf32, #tpu.memory_space<hbm>>
    %dma_start3A_518 = arith.constant 20 : i32
    %dma_start3A_519 = arith.constant 0 : i32
    %dma_start3A_520 = tpu.memref_slice %arg11[%dma_start3A_518, %dma_start3A_519] : memref<128x32xf32, #tpu.memory_space<vmem>> -> memref<1x32xf32, #tpu.memory_space<vmem>>
    %dma_start3A_521 = arith.constant 0 : i32
    %dma_start3A_522 = tpu.memref_slice %arg5[%squeeze3A_512, %dma_start3A_521] : memref<1000000x32xf32, #tpu.memory_space<hbm>> -> memref<1x32xf32, #tpu.memory_space<hbm>>
    tpu.enqueue_dma source(%dma_start3A_522 : memref<1x32xf32, #tpu.memory_space<hbm>>) target(%dma_start3A_520 : memref<1x32xf32, #tpu.memory_space<vmem>>) target_semaphore(%arg16 : memref<!tpu.dma_semaphore, #tpu.memory_space<semaphore_mem>>)
    %slice3A_523 = vector.extract_strided_slice %get3A_399 {offsets = [5], sizes = [1], strides = [1]} : vector<8xi32> to vector<1xi32>
    %squeeze3A_524 = vector.extract %slice3A_523[0] : i32 from vector<1xi32>
    %dma_start3A_525 = arith.constant 21 : i32
    %dma_start3A_526 = arith.constant 0 : i32
    %dma_start3A_527 = tpu.memref_slice %arg10[%dma_start3A_525, %dma_start3A_526] : memref<128x32xf32, #tpu.memory_space<vmem>> -> memref<1x32xf32, #tpu.memory_space<vmem>>
    %dma_start3A_528 = arith.constant 0 : i32
    %dma_start3A_529 = tpu.memref_slice %arg4[%squeeze3A_524, %dma_start3A_528] : memref<1000000x32xf32, #tpu.memory_space<hbm>> -> memref<1x32xf32, #tpu.memory_space<hbm>>
    %dma_start3A_530 = arith.constant 21 : i32
    %dma_start3A_531 = arith.constant 0 : i32
    %dma_start3A_532 = tpu.memref_slice %arg10[%dma_start3A_530, %dma_start3A_531] : memref<128x32xf32, #tpu.memory_space<vmem>> -> memref<1x32xf32, #tpu.memory_space<vmem>>
    %dma_start3A_533 = arith.constant 0 : i32
    %dma_start3A_534 = tpu.memref_slice %arg4[%squeeze3A_524, %dma_start3A_533] : memref<1000000x32xf32, #tpu.memory_space<hbm>> -> memref<1x32xf32, #tpu.memory_space<hbm>>
    tpu.enqueue_dma source(%dma_start3A_534 : memref<1x32xf32, #tpu.memory_space<hbm>>) target(%dma_start3A_532 : memref<1x32xf32, #tpu.memory_space<vmem>>) target_semaphore(%arg17 : memref<!tpu.dma_semaphore, #tpu.memory_space<semaphore_mem>>)
    %slice3A_535 = vector.extract_strided_slice %get3A_402 {offsets = [5], sizes = [1], strides = [1]} : vector<8xi32> to vector<1xi32>
    %squeeze3A_536 = vector.extract %slice3A_535[0] : i32 from vector<1xi32>
    %dma_start3A_537 = arith.constant 21 : i32
    %dma_start3A_538 = arith.constant 0 : i32
    %dma_start3A_539 = tpu.memref_slice %arg11[%dma_start3A_537, %dma_start3A_538] : memref<128x32xf32, #tpu.memory_space<vmem>> -> memref<1x32xf32, #tpu.memory_space<vmem>>
    %dma_start3A_540 = arith.constant 0 : i32
    %dma_start3A_541 = tpu.memref_slice %arg5[%squeeze3A_536, %dma_start3A_540] : memref<1000000x32xf32, #tpu.memory_space<hbm>> -> memref<1x32xf32, #tpu.memory_space<hbm>>
    %dma_start3A_542 = arith.constant 21 : i32
    %dma_start3A_543 = arith.constant 0 : i32
    %dma_start3A_544 = tpu.memref_slice %arg11[%dma_start3A_542, %dma_start3A_543] : memref<128x32xf32, #tpu.memory_space<vmem>> -> memref<1x32xf32, #tpu.memory_space<vmem>>
    %dma_start3A_545 = arith.constant 0 : i32
    %dma_start3A_546 = tpu.memref_slice %arg5[%squeeze3A_536, %dma_start3A_545] : memref<1000000x32xf32, #tpu.memory_space<hbm>> -> memref<1x32xf32, #tpu.memory_space<hbm>>
    tpu.enqueue_dma source(%dma_start3A_546 : memref<1x32xf32, #tpu.memory_space<hbm>>) target(%dma_start3A_544 : memref<1x32xf32, #tpu.memory_space<vmem>>) target_semaphore(%arg17 : memref<!tpu.dma_semaphore, #tpu.memory_space<semaphore_mem>>)
    %slice3A_547 = vector.extract_strided_slice %get3A_399 {offsets = [6], sizes = [1], strides = [1]} : vector<8xi32> to vector<1xi32>
    %squeeze3A_548 = vector.extract %slice3A_547[0] : i32 from vector<1xi32>
    %dma_start3A_549 = arith.constant 22 : i32
    %dma_start3A_550 = arith.constant 0 : i32
    %dma_start3A_551 = tpu.memref_slice %arg10[%dma_start3A_549, %dma_start3A_550] : memref<128x32xf32, #tpu.memory_space<vmem>> -> memref<1x32xf32, #tpu.memory_space<vmem>>
    %dma_start3A_552 = arith.constant 0 : i32
    %dma_start3A_553 = tpu.memref_slice %arg4[%squeeze3A_548, %dma_start3A_552] : memref<1000000x32xf32, #tpu.memory_space<hbm>> -> memref<1x32xf32, #tpu.memory_space<hbm>>
    %dma_start3A_554 = arith.constant 22 : i32
    %dma_start3A_555 = arith.constant 0 : i32
    %dma_start3A_556 = tpu.memref_slice %arg10[%dma_start3A_554, %dma_start3A_555] : memref<128x32xf32, #tpu.memory_space<vmem>> -> memref<1x32xf32, #tpu.memory_space<vmem>>
    %dma_start3A_557 = arith.constant 0 : i32
    %dma_start3A_558 = tpu.memref_slice %arg4[%squeeze3A_548, %dma_start3A_557] : memref<1000000x32xf32, #tpu.memory_space<hbm>> -> memref<1x32xf32, #tpu.memory_space<hbm>>
    tpu.enqueue_dma source(%dma_start3A_558 : memref<1x32xf32, #tpu.memory_space<hbm>>) target(%dma_start3A_556 : memref<1x32xf32, #tpu.memory_space<vmem>>) target_semaphore(%arg18 : memref<!tpu.dma_semaphore, #tpu.memory_space<semaphore_mem>>)
    %slice3A_559 = vector.extract_strided_slice %get3A_402 {offsets = [6], sizes = [1], strides = [1]} : vector<8xi32> to vector<1xi32>
    %squeeze3A_560 = vector.extract %slice3A_559[0] : i32 from vector<1xi32>
    %dma_start3A_561 = arith.constant 22 : i32
    %dma_start3A_562 = arith.constant 0 : i32
    %dma_start3A_563 = tpu.memref_slice %arg11[%dma_start3A_561, %dma_start3A_562] : memref<128x32xf32, #tpu.memory_space<vmem>> -> memref<1x32xf32, #tpu.memory_space<vmem>>
    %dma_start3A_564 = arith.constant 0 : i32
    %dma_start3A_565 = tpu.memref_slice %arg5[%squeeze3A_560, %dma_start3A_564] : memref<1000000x32xf32, #tpu.memory_space<hbm>> -> memref<1x32xf32, #tpu.memory_space<hbm>>
    %dma_start3A_566 = arith.constant 22 : i32
    %dma_start3A_567 = arith.constant 0 : i32
    %dma_start3A_568 = tpu.memref_slice %arg11[%dma_start3A_566, %dma_start3A_567] : memref<128x32xf32, #tpu.memory_space<vmem>> -> memref<1x32xf32, #tpu.memory_space<vmem>>
    %dma_start3A_569 = arith.constant 0 : i32
    %dma_start3A_570 = tpu.memref_slice %arg5[%squeeze3A_560, %dma_start3A_569] : memref<1000000x32xf32, #tpu.memory_space<hbm>> -> memref<1x32xf32, #tpu.memory_space<hbm>>
    tpu.enqueue_dma source(%dma_start3A_570 : memref<1x32xf32, #tpu.memory_space<hbm>>) target(%dma_start3A_568 : memref<1x32xf32, #tpu.memory_space<vmem>>) target_semaphore(%arg18 : memref<!tpu.dma_semaphore, #tpu.memory_space<semaphore_mem>>)
    %slice3A_571 = vector.extract_strided_slice %get3A_399 {offsets = [7], sizes = [1], strides = [1]} : vector<8xi32> to vector<1xi32>
    %squeeze3A_572 = vector.extract %slice3A_571[0] : i32 from vector<1xi32>
    %dma_start3A_573 = arith.constant 23 : i32
    %dma_start3A_574 = arith.constant 0 : i32
    %dma_start3A_575 = tpu.memref_slice %arg10[%dma_start3A_573, %dma_start3A_574] : memref<128x32xf32, #tpu.memory_space<vmem>> -> memref<1x32xf32, #tpu.memory_space<vmem>>
    %dma_start3A_576 = arith.constant 0 : i32
    %dma_start3A_577 = tpu.memref_slice %arg4[%squeeze3A_572, %dma_start3A_576] : memref<1000000x32xf32, #tpu.memory_space<hbm>> -> memref<1x32xf32, #tpu.memory_space<hbm>>
    %dma_start3A_578 = arith.constant 23 : i32
    %dma_start3A_579 = arith.constant 0 : i32
    %dma_start3A_580 = tpu.memref_slice %arg10[%dma_start3A_578, %dma_start3A_579] : memref<128x32xf32, #tpu.memory_space<vmem>> -> memref<1x32xf32, #tpu.memory_space<vmem>>
    %dma_start3A_581 = arith.constant 0 : i32
    %dma_start3A_582 = tpu.memref_slice %arg4[%squeeze3A_572, %dma_start3A_581] : memref<1000000x32xf32, #tpu.memory_space<hbm>> -> memref<1x32xf32, #tpu.memory_space<hbm>>
    tpu.enqueue_dma source(%dma_start3A_582 : memref<1x32xf32, #tpu.memory_space<hbm>>) target(%dma_start3A_580 : memref<1x32xf32, #tpu.memory_space<vmem>>) target_semaphore(%arg19 : memref<!tpu.dma_semaphore, #tpu.memory_space<semaphore_mem>>)
    %slice3A_583 = vector.extract_strided_slice %get3A_402 {offsets = [7], sizes = [1], strides = [1]} : vector<8xi32> to vector<1xi32>
    %squeeze3A_584 = vector.extract %slice3A_583[0] : i32 from vector<1xi32>
    %dma_start3A_585 = arith.constant 23 : i32
    %dma_start3A_586 = arith.constant 0 : i32
    %dma_start3A_587 = tpu.memref_slice %arg11[%dma_start3A_585, %dma_start3A_586] : memref<128x32xf32, #tpu.memory_space<vmem>> -> memref<1x32xf32, #tpu.memory_space<vmem>>
    %dma_start3A_588 = arith.constant 0 : i32
    %dma_start3A_589 = tpu.memref_slice %arg5[%squeeze3A_584, %dma_start3A_588] : memref<1000000x32xf32, #tpu.memory_space<hbm>> -> memref<1x32xf32, #tpu.memory_space<hbm>>
    %dma_start3A_590 = arith.constant 23 : i32
    %dma_start3A_591 = arith.constant 0 : i32
    %dma_start3A_592 = tpu.memref_slice %arg11[%dma_start3A_590, %dma_start3A_591] : memref<128x32xf32, #tpu.memory_space<vmem>> -> memref<1x32xf32, #tpu.memory_space<vmem>>
    %dma_start3A_593 = arith.constant 0 : i32
    %dma_start3A_594 = tpu.memref_slice %arg5[%squeeze3A_584, %dma_start3A_593] : memref<1000000x32xf32, #tpu.memory_space<hbm>> -> memref<1x32xf32, #tpu.memory_space<hbm>>
    tpu.enqueue_dma source(%dma_start3A_594 : memref<1x32xf32, #tpu.memory_space<hbm>>) target(%dma_start3A_592 : memref<1x32xf32, #tpu.memory_space<vmem>>) target_semaphore(%arg19 : memref<!tpu.dma_semaphore, #tpu.memory_space<semaphore_mem>>)
    %get3A_595 = arith.constant 24 : index
    %get3A_596 = tpu.vector_load %arg8[%get3A_595] {strides = array<i32>} : memref<128xi32, #tpu.memory_space<vmem>>, vector<8xi32>,
    %get3A_597 = vector.shape_cast %get3A_596 : vector<8xi32> to vector<8xi32>
    %get3A_598 = arith.constant 24 : index
    %get3A_599 = tpu.vector_load %arg9[%get3A_598] {strides = array<i32>} : memref<128xi32, #tpu.memory_space<vmem>>, vector<8xi32>,
    %get3A_600 = vector.shape_cast %get3A_599 : vector<8xi32> to vector<8xi32>
    %slice3A_601 = vector.extract_strided_slice %get3A_597 {offsets = [0], sizes = [1], strides = [1]} : vector<8xi32> to vector<1xi32>
    %squeeze3A_602 = vector.extract %slice3A_601[0] : i32 from vector<1xi32>
    %dma_start3A_603 = arith.constant 24 : i32
    %dma_start3A_604 = arith.constant 0 : i32
    %dma_start3A_605 = tpu.memref_slice %arg10[%dma_start3A_603, %dma_start3A_604] : memref<128x32xf32, #tpu.memory_space<vmem>> -> memref<1x32xf32, #tpu.memory_space<vmem>>
    %dma_start3A_606 = arith.constant 0 : i32
    %dma_start3A_607 = tpu.memref_slice %arg4[%squeeze3A_602, %dma_start3A_606] : memref<1000000x32xf32, #tpu.memory_space<hbm>> -> memref<1x32xf32, #tpu.memory_space<hbm>>
    %dma_start3A_608 = arith.constant 24 : i32
    %dma_start3A_609 = arith.constant 0 : i32
    %dma_start3A_610 = tpu.memref_slice %arg10[%dma_start3A_608, %dma_start3A_609] : memref<128x32xf32, #tpu.memory_space<vmem>> -> memref<1x32xf32, #tpu.memory_space<vmem>>
    %dma_start3A_611 = arith.constant 0 : i32
    %dma_start3A_612 = tpu.memref_slice %arg4[%squeeze3A_602, %dma_start3A_611] : memref<1000000x32xf32, #tpu.memory_space<hbm>> -> memref<1x32xf32, #tpu.memory_space<hbm>>
    tpu.enqueue_dma source(%dma_start3A_612 : memref<1x32xf32, #tpu.memory_space<hbm>>) target(%dma_start3A_610 : memref<1x32xf32, #tpu.memory_space<vmem>>) target_semaphore(%arg12 : memref<!tpu.dma_semaphore, #tpu.memory_space<semaphore_mem>>)
    %slice3A_613 = vector.extract_strided_slice %get3A_600 {offsets = [0], sizes = [1], strides = [1]} : vector<8xi32> to vector<1xi32>
    %squeeze3A_614 = vector.extract %slice3A_613[0] : i32 from vector<1xi32>
    %dma_start3A_615 = arith.constant 24 : i32
    %dma_start3A_616 = arith.constant 0 : i32
    %dma_start3A_617 = tpu.memref_slice %arg11[%dma_start3A_615, %dma_start3A_616] : memref<128x32xf32, #tpu.memory_space<vmem>> -> memref<1x32xf32, #tpu.memory_space<vmem>>
    %dma_start3A_618 = arith.constant 0 : i32
    %dma_start3A_619 = tpu.memref_slice %arg5[%squeeze3A_614, %dma_start3A_618] : memref<1000000x32xf32, #tpu.memory_space<hbm>> -> memref<1x32xf32, #tpu.memory_space<hbm>>
    %dma_start3A_620 = arith.constant 24 : i32
    %dma_start3A_621 = arith.constant 0 : i32
    %dma_start3A_622 = tpu.memref_slice %arg11[%dma_start3A_620, %dma_start3A_621] : memref<128x32xf32, #tpu.memory_space<vmem>> -> memref<1x32xf32, #tpu.memory_space<vmem>>
    %dma_start3A_623 = arith.constant 0 : i32
    %dma_start3A_624 = tpu.memref_slice %arg5[%squeeze3A_614, %dma_start3A_623] : memref<1000000x32xf32, #tpu.memory_space<hbm>> -> memref<1x32xf32, #tpu.memory_space<hbm>>
    tpu.enqueue_dma source(%dma_start3A_624 : memref<1x32xf32, #tpu.memory_space<hbm>>) target(%dma_start3A_622 : memref<1x32xf32, #tpu.memory_space<vmem>>) target_semaphore(%arg12 : memref<!tpu.dma_semaphore, #tpu.memory_space<semaphore_mem>>)
    %slice3A_625 = vector.extract_strided_slice %get3A_597 {offsets = [1], sizes = [1], strides = [1]} : vector<8xi32> to vector<1xi32>
    %squeeze3A_626 = vector.extract %slice3A_625[0] : i32 from vector<1xi32>
    %dma_start3A_627 = arith.constant 25 : i32
    %dma_start3A_628 = arith.constant 0 : i32
    %dma_start3A_629 = tpu.memref_slice %arg10[%dma_start3A_627, %dma_start3A_628] : memref<128x32xf32, #tpu.memory_space<vmem>> -> memref<1x32xf32, #tpu.memory_space<vmem>>
    %dma_start3A_630 = arith.constant 0 : i32
    %dma_start3A_631 = tpu.memref_slice %arg4[%squeeze3A_626, %dma_start3A_630] : memref<1000000x32xf32, #tpu.memory_space<hbm>> -> memref<1x32xf32, #tpu.memory_space<hbm>>
    %dma_start3A_632 = arith.constant 25 : i32
    %dma_start3A_633 = arith.constant 0 : i32
    %dma_start3A_634 = tpu.memref_slice %arg10[%dma_start3A_632, %dma_start3A_633] : memref<128x32xf32, #tpu.memory_space<vmem>> -> memref<1x32xf32, #tpu.memory_space<vmem>>
    %dma_start3A_635 = arith.constant 0 : i32
    %dma_start3A_636 = tpu.memref_slice %arg4[%squeeze3A_626, %dma_start3A_635] : memref<1000000x32xf32, #tpu.memory_space<hbm>> -> memref<1x32xf32, #tpu.memory_space<hbm>>
    tpu.enqueue_dma source(%dma_start3A_636 : memref<1x32xf32, #tpu.memory_space<hbm>>) target(%dma_start3A_634 : memref<1x32xf32, #tpu.memory_space<vmem>>) target_semaphore(%arg13 : memref<!tpu.dma_semaphore, #tpu.memory_space<semaphore_mem>>)
    %slice3A_637 = vector.extract_strided_slice %get3A_600 {offsets = [1], sizes = [1], strides = [1]} : vector<8xi32> to vector<1xi32>
    %squeeze3A_638 = vector.extract %slice3A_637[0] : i32 from vector<1xi32>
    %dma_start3A_639 = arith.constant 25 : i32
    %dma_start3A_640 = arith.constant 0 : i32
    %dma_start3A_641 = tpu.memref_slice %arg11[%dma_start3A_639, %dma_start3A_640] : memref<128x32xf32, #tpu.memory_space<vmem>> -> memref<1x32xf32, #tpu.memory_space<vmem>>
    %dma_start3A_642 = arith.constant 0 : i32
    %dma_start3A_643 = tpu.memref_slice %arg5[%squeeze3A_638, %dma_start3A_642] : memref<1000000x32xf32, #tpu.memory_space<hbm>> -> memref<1x32xf32, #tpu.memory_space<hbm>>
    %dma_start3A_644 = arith.constant 25 : i32
    %dma_start3A_645 = arith.constant 0 : i32
    %dma_start3A_646 = tpu.memref_slice %arg11[%dma_start3A_644, %dma_start3A_645] : memref<128x32xf32, #tpu.memory_space<vmem>> -> memref<1x32xf32, #tpu.memory_space<vmem>>
    %dma_start3A_647 = arith.constant 0 : i32
    %dma_start3A_648 = tpu.memref_slice %arg5[%squeeze3A_638, %dma_start3A_647] : memref<1000000x32xf32, #tpu.memory_space<hbm>> -> memref<1x32xf32, #tpu.memory_space<hbm>>
    tpu.enqueue_dma source(%dma_start3A_648 : memref<1x32xf32, #tpu.memory_space<hbm>>) target(%dma_start3A_646 : memref<1x32xf32, #tpu.memory_space<vmem>>) target_semaphore(%arg13 : memref<!tpu.dma_semaphore, #tpu.memory_space<semaphore_mem>>)
    %slice3A_649 = vector.extract_strided_slice %get3A_597 {offsets = [2], sizes = [1], strides = [1]} : vector<8xi32> to vector<1xi32>
    %squeeze3A_650 = vector.extract %slice3A_649[0] : i32 from vector<1xi32>
    %dma_start3A_651 = arith.constant 26 : i32
    %dma_start3A_652 = arith.constant 0 : i32
    %dma_start3A_653 = tpu.memref_slice %arg10[%dma_start3A_651, %dma_start3A_652] : memref<128x32xf32, #tpu.memory_space<vmem>> -> memref<1x32xf32, #tpu.memory_space<vmem>>
    %dma_start3A_654 = arith.constant 0 : i32
    %dma_start3A_655 = tpu.memref_slice %arg4[%squeeze3A_650, %dma_start3A_654] : memref<1000000x32xf32, #tpu.memory_space<hbm>> -> memref<1x32xf32, #tpu.memory_space<hbm>>
    %dma_start3A_656 = arith.constant 26 : i32
    %dma_start3A_657 = arith.constant 0 : i32
    %dma_start3A_658 = tpu.memref_slice %arg10[%dma_start3A_656, %dma_start3A_657] : memref<128x32xf32, #tpu.memory_space<vmem>> -> memref<1x32xf32, #tpu.memory_space<vmem>>
    %dma_start3A_659 = arith.constant 0 : i32
    %dma_start3A_660 = tpu.memref_slice %arg4[%squeeze3A_650, %dma_start3A_659] : memref<1000000x32xf32, #tpu.memory_space<hbm>> -> memref<1x32xf32, #tpu.memory_space<hbm>>
    tpu.enqueue_dma source(%dma_start3A_660 : memref<1x32xf32, #tpu.memory_space<hbm>>) target(%dma_start3A_658 : memref<1x32xf32, #tpu.memory_space<vmem>>) target_semaphore(%arg14 : memref<!tpu.dma_semaphore, #tpu.memory_space<semaphore_mem>>)
    %slice3A_661 = vector.extract_strided_slice %get3A_600 {offsets = [2], sizes = [1], strides = [1]} : vector<8xi32> to vector<1xi32>
    %squeeze3A_662 = vector.extract %slice3A_661[0] : i32 from vector<1xi32>
    %dma_start3A_663 = arith.constant 26 : i32
    %dma_start3A_664 = arith.constant 0 : i32
    %dma_start3A_665 = tpu.memref_slice %arg11[%dma_start3A_663, %dma_start3A_664] : memref<128x32xf32, #tpu.memory_space<vmem>> -> memref<1x32xf32, #tpu.memory_space<vmem>>
    %dma_start3A_666 = arith.constant 0 : i32
    %dma_start3A_667 = tpu.memref_slice %arg5[%squeeze3A_662, %dma_start3A_666] : memref<1000000x32xf32, #tpu.memory_space<hbm>> -> memref<1x32xf32, #tpu.memory_space<hbm>>
    %dma_start3A_668 = arith.constant 26 : i32
    %dma_start3A_669 = arith.constant 0 : i32
    %dma_start3A_670 = tpu.memref_slice %arg11[%dma_start3A_668, %dma_start3A_669] : memref<128x32xf32, #tpu.memory_space<vmem>> -> memref<1x32xf32, #tpu.memory_space<vmem>>
    %dma_start3A_671 = arith.constant 0 : i32
    %dma_start3A_672 = tpu.memref_slice %arg5[%squeeze3A_662, %dma_start3A_671] : memref<1000000x32xf32, #tpu.memory_space<hbm>> -> memref<1x32xf32, #tpu.memory_space<hbm>>
    tpu.enqueue_dma source(%dma_start3A_672 : memref<1x32xf32, #tpu.memory_space<hbm>>) target(%dma_start3A_670 : memref<1x32xf32, #tpu.memory_space<vmem>>) target_semaphore(%arg14 : memref<!tpu.dma_semaphore, #tpu.memory_space<semaphore_mem>>)
    %slice3A_673 = vector.extract_strided_slice %get3A_597 {offsets = [3], sizes = [1], strides = [1]} : vector<8xi32> to vector<1xi32>
    %squeeze3A_674 = vector.extract %slice3A_673[0] : i32 from vector<1xi32>
    %dma_start3A_675 = arith.constant 27 : i32
    %dma_start3A_676 = arith.constant 0 : i32
    %dma_start3A_677 = tpu.memref_slice %arg10[%dma_start3A_675, %dma_start3A_676] : memref<128x32xf32, #tpu.memory_space<vmem>> -> memref<1x32xf32, #tpu.memory_space<vmem>>
    %dma_start3A_678 = arith.constant 0 : i32
    %dma_start3A_679 = tpu.memref_slice %arg4[%squeeze3A_674, %dma_start3A_678] : memref<1000000x32xf32, #tpu.memory_space<hbm>> -> memref<1x32xf32, #tpu.memory_space<hbm>>
    %dma_start3A_680 = arith.constant 27 : i32
    %dma_start3A_681 = arith.constant 0 : i32
    %dma_start3A_682 = tpu.memref_slice %arg10[%dma_start3A_680, %dma_start3A_681] : memref<128x32xf32, #tpu.memory_space<vmem>> -> memref<1x32xf32, #tpu.memory_space<vmem>>
    %dma_start3A_683 = arith.constant 0 : i32
    %dma_start3A_684 = tpu.memref_slice %arg4[%squeeze3A_674, %dma_start3A_683] : memref<1000000x32xf32, #tpu.memory_space<hbm>> -> memref<1x32xf32, #tpu.memory_space<hbm>>
    tpu.enqueue_dma source(%dma_start3A_684 : memref<1x32xf32, #tpu.memory_space<hbm>>) target(%dma_start3A_682 : memref<1x32xf32, #tpu.memory_space<vmem>>) target_semaphore(%arg15 : memref<!tpu.dma_semaphore, #tpu.memory_space<semaphore_mem>>)
    %slice3A_685 = vector.extract_strided_slice %get3A_600 {offsets = [3], sizes = [1], strides = [1]} : vector<8xi32> to vector<1xi32>
    %squeeze3A_686 = vector.extract %slice3A_685[0] : i32 from vector<1xi32>
    %dma_start3A_687 = arith.constant 27 : i32
    %dma_start3A_688 = arith.constant 0 : i32
    %dma_start3A_689 = tpu.memref_slice %arg11[%dma_start3A_687, %dma_start3A_688] : memref<128x32xf32, #tpu.memory_space<vmem>> -> memref<1x32xf32, #tpu.memory_space<vmem>>
    %dma_start3A_690 = arith.constant 0 : i32
    %dma_start3A_691 = tpu.memref_slice %arg5[%squeeze3A_686, %dma_start3A_690] : memref<1000000x32xf32, #tpu.memory_space<hbm>> -> memref<1x32xf32, #tpu.memory_space<hbm>>
    %dma_start3A_692 = arith.constant 27 : i32
    %dma_start3A_693 = arith.constant 0 : i32
    %dma_start3A_694 = tpu.memref_slice %arg11[%dma_start3A_692, %dma_start3A_693] : memref<128x32xf32, #tpu.memory_space<vmem>> -> memref<1x32xf32, #tpu.memory_space<vmem>>
    %dma_start3A_695 = arith.constant 0 : i32
    %dma_start3A_696 = tpu.memref_slice %arg5[%squeeze3A_686, %dma_start3A_695] : memref<1000000x32xf32, #tpu.memory_space<hbm>> -> memref<1x32xf32, #tpu.memory_space<hbm>>
    tpu.enqueue_dma source(%dma_start3A_696 : memref<1x32xf32, #tpu.memory_space<hbm>>) target(%dma_start3A_694 : memref<1x32xf32, #tpu.memory_space<vmem>>) target_semaphore(%arg15 : memref<!tpu.dma_semaphore, #tpu.memory_space<semaphore_mem>>)
    %slice3A_697 = vector.extract_strided_slice %get3A_597 {offsets = [4], sizes = [1], strides = [1]} : vector<8xi32> to vector<1xi32>
    %squeeze3A_698 = vector.extract %slice3A_697[0] : i32 from vector<1xi32>
    %dma_start3A_699 = arith.constant 28 : i32
    %dma_start3A_700 = arith.constant 0 : i32
    %dma_start3A_701 = tpu.memref_slice %arg10[%dma_start3A_699, %dma_start3A_700] : memref<128x32xf32, #tpu.memory_space<vmem>> -> memref<1x32xf32, #tpu.memory_space<vmem>>
    %dma_start3A_702 = arith.constant 0 : i32
    %dma_start3A_703 = tpu.memref_slice %arg4[%squeeze3A_698, %dma_start3A_702] : memref<1000000x32xf32, #tpu.memory_space<hbm>> -> memref<1x32xf32, #tpu.memory_space<hbm>>
    %dma_start3A_704 = arith.constant 28 : i32
    %dma_start3A_705 = arith.constant 0 : i32
    %dma_start3A_706 = tpu.memref_slice %arg10[%dma_start3A_704, %dma_start3A_705] : memref<128x32xf32, #tpu.memory_space<vmem>> -> memref<1x32xf32, #tpu.memory_space<vmem>>
    %dma_start3A_707 = arith.constant 0 : i32
    %dma_start3A_708 = tpu.memref_slice %arg4[%squeeze3A_698, %dma_start3A_707] : memref<1000000x32xf32, #tpu.memory_space<hbm>> -> memref<1x32xf32, #tpu.memory_space<hbm>>
    tpu.enqueue_dma source(%dma_start3A_708 : memref<1x32xf32, #tpu.memory_space<hbm>>) target(%dma_start3A_706 : memref<1x32xf32, #tpu.memory_space<vmem>>) target_semaphore(%arg16 : memref<!tpu.dma_semaphore, #tpu.memory_space<semaphore_mem>>)
    %slice3A_709 = vector.extract_strided_slice %get3A_600 {offsets = [4], sizes = [1], strides = [1]} : vector<8xi32> to vector<1xi32>
    %squeeze3A_710 = vector.extract %slice3A_709[0] : i32 from vector<1xi32>
    %dma_start3A_711 = arith.constant 28 : i32
    %dma_start3A_712 = arith.constant 0 : i32
    %dma_start3A_713 = tpu.memref_slice %arg11[%dma_start3A_711, %dma_start3A_712] : memref<128x32xf32, #tpu.memory_space<vmem>> -> memref<1x32xf32, #tpu.memory_space<vmem>>
    %dma_start3A_714 = arith.constant 0 : i32
    %dma_start3A_715 = tpu.memref_slice %arg5[%squeeze3A_710, %dma_start3A_714] : memref<1000000x32xf32, #tpu.memory_space<hbm>> -> memref<1x32xf32, #tpu.memory_space<hbm>>
    %dma_start3A_716 = arith.constant 28 : i32
    %dma_start3A_717 = arith.constant 0 : i32
    %dma_start3A_718 = tpu.memref_slice %arg11[%dma_start3A_716, %dma_start3A_717] : memref<128x32xf32, #tpu.memory_space<vmem>> -> memref<1x32xf32, #tpu.memory_space<vmem>>
    %dma_start3A_719 = arith.constant 0 : i32
    %dma_start3A_720 = tpu.memref_slice %arg5[%squeeze3A_710, %dma_start3A_719] : memref<1000000x32xf32, #tpu.memory_space<hbm>> -> memref<1x32xf32, #tpu.memory_space<hbm>>
    tpu.enqueue_dma source(%dma_start3A_720 : memref<1x32xf32, #tpu.memory_space<hbm>>) target(%dma_start3A_718 : memref<1x32xf32, #tpu.memory_space<vmem>>) target_semaphore(%arg16 : memref<!tpu.dma_semaphore, #tpu.memory_space<semaphore_mem>>)
    %slice3A_721 = vector.extract_strided_slice %get3A_597 {offsets = [5], sizes = [1], strides = [1]} : vector<8xi32> to vector<1xi32>
    %squeeze3A_722 = vector.extract %slice3A_721[0] : i32 from vector<1xi32>
    %dma_start3A_723 = arith.constant 29 : i32
    %dma_start3A_724 = arith.constant 0 : i32
    %dma_start3A_725 = tpu.memref_slice %arg10[%dma_start3A_723, %dma_start3A_724] : memref<128x32xf32, #tpu.memory_space<vmem>> -> memref<1x32xf32, #tpu.memory_space<vmem>>
    %dma_start3A_726 = arith.constant 0 : i32
    %dma_start3A_727 = tpu.memref_slice %arg4[%squeeze3A_722, %dma_start3A_726] : memref<1000000x32xf32, #tpu.memory_space<hbm>> -> memref<1x32xf32, #tpu.memory_space<hbm>>
    %dma_start3A_728 = arith.constant 29 : i32
    %dma_start3A_729 = arith.constant 0 : i32
    %dma_start3A_730 = tpu.memref_slice %arg10[%dma_start3A_728, %dma_start3A_729] : memref<128x32xf32, #tpu.memory_space<vmem>> -> memref<1x32xf32, #tpu.memory_space<vmem>>
    %dma_start3A_731 = arith.constant 0 : i32
    %dma_start3A_732 = tpu.memref_slice %arg4[%squeeze3A_722, %dma_start3A_731] : memref<1000000x32xf32, #tpu.memory_space<hbm>> -> memref<1x32xf32, #tpu.memory_space<hbm>>
    tpu.enqueue_dma source(%dma_start3A_732 : memref<1x32xf32, #tpu.memory_space<hbm>>) target(%dma_start3A_730 : memref<1x32xf32, #tpu.memory_space<vmem>>) target_semaphore(%arg17 : memref<!tpu.dma_semaphore, #tpu.memory_space<semaphore_mem>>)
    %slice3A_733 = vector.extract_strided_slice %get3A_600 {offsets = [5], sizes = [1], strides = [1]} : vector<8xi32> to vector<1xi32>
    %squeeze3A_734 = vector.extract %slice3A_733[0] : i32 from vector<1xi32>
    %dma_start3A_735 = arith.constant 29 : i32
    %dma_start3A_736 = arith.constant 0 : i32
    %dma_start3A_737 = tpu.memref_slice %arg11[%dma_start3A_735, %dma_start3A_736] : memref<128x32xf32, #tpu.memory_space<vmem>> -> memref<1x32xf32, #tpu.memory_space<vmem>>
    %dma_start3A_738 = arith.constant 0 : i32
    %dma_start3A_739 = tpu.memref_slice %arg5[%squeeze3A_734, %dma_start3A_738] : memref<1000000x32xf32, #tpu.memory_space<hbm>> -> memref<1x32xf32, #tpu.memory_space<hbm>>
    %dma_start3A_740 = arith.constant 29 : i32
    %dma_start3A_741 = arith.constant 0 : i32
    %dma_start3A_742 = tpu.memref_slice %arg11[%dma_start3A_740, %dma_start3A_741] : memref<128x32xf32, #tpu.memory_space<vmem>> -> memref<1x32xf32, #tpu.memory_space<vmem>>
    %dma_start3A_743 = arith.constant 0 : i32
    %dma_start3A_744 = tpu.memref_slice %arg5[%squeeze3A_734, %dma_start3A_743] : memref<1000000x32xf32, #tpu.memory_space<hbm>> -> memref<1x32xf32, #tpu.memory_space<hbm>>
    tpu.enqueue_dma source(%dma_start3A_744 : memref<1x32xf32, #tpu.memory_space<hbm>>) target(%dma_start3A_742 : memref<1x32xf32, #tpu.memory_space<vmem>>) target_semaphore(%arg17 : memref<!tpu.dma_semaphore, #tpu.memory_space<semaphore_mem>>)
    %slice3A_745 = vector.extract_strided_slice %get3A_597 {offsets = [6], sizes = [1], strides = [1]} : vector<8xi32> to vector<1xi32>
    %squeeze3A_746 = vector.extract %slice3A_745[0] : i32 from vector<1xi32>
    %dma_start3A_747 = arith.constant 30 : i32
    %dma_start3A_748 = arith.constant 0 : i32
    %dma_start3A_749 = tpu.memref_slice %arg10[%dma_start3A_747, %dma_start3A_748] : memref<128x32xf32, #tpu.memory_space<vmem>> -> memref<1x32xf32, #tpu.memory_space<vmem>>
    %dma_start3A_750 = arith.constant 0 : i32
    %dma_start3A_751 = tpu.memref_slice %arg4[%squeeze3A_746, %dma_start3A_750] : memref<1000000x32xf32, #tpu.memory_space<hbm>> -> memref<1x32xf32, #tpu.memory_space<hbm>>
    %dma_start3A_752 = arith.constant 30 : i32
    %dma_start3A_753 = arith.constant 0 : i32
    %dma_start3A_754 = tpu.memref_slice %arg10[%dma_start3A_752, %dma_start3A_753] : memref<128x32xf32, #tpu.memory_space<vmem>> -> memref<1x32xf32, #tpu.memory_space<vmem>>
    %dma_start3A_755 = arith.constant 0 : i32
    %dma_start3A_756 = tpu.memref_slice %arg4[%squeeze3A_746, %dma_start3A_755] : memref<1000000x32xf32, #tpu.memory_space<hbm>> -> memref<1x32xf32, #tpu.memory_space<hbm>>
    tpu.enqueue_dma source(%dma_start3A_756 : memref<1x32xf32, #tpu.memory_space<hbm>>) target(%dma_start3A_754 : memref<1x32xf32, #tpu.memory_space<vmem>>) target_semaphore(%arg18 : memref<!tpu.dma_semaphore, #tpu.memory_space<semaphore_mem>>)
    %slice3A_757 = vector.extract_strided_slice %get3A_600 {offsets = [6], sizes = [1], strides = [1]} : vector<8xi32> to vector<1xi32>
    %squeeze3A_758 = vector.extract %slice3A_757[0] : i32 from vector<1xi32>
    %dma_start3A_759 = arith.constant 30 : i32
    %dma_start3A_760 = arith.constant 0 : i32
    %dma_start3A_761 = tpu.memref_slice %arg11[%dma_start3A_759, %dma_start3A_760] : memref<128x32xf32, #tpu.memory_space<vmem>> -> memref<1x32xf32, #tpu.memory_space<vmem>>
    %dma_start3A_762 = arith.constant 0 : i32
    %dma_start3A_763 = tpu.memref_slice %arg5[%squeeze3A_758, %dma_start3A_762] : memref<1000000x32xf32, #tpu.memory_space<hbm>> -> memref<1x32xf32, #tpu.memory_space<hbm>>
    %dma_start3A_764 = arith.constant 30 : i32
    %dma_start3A_765 = arith.constant 0 : i32
    %dma_start3A_766 = tpu.memref_slice %arg11[%dma_start3A_764, %dma_start3A_765] : memref<128x32xf32, #tpu.memory_space<vmem>> -> memref<1x32xf32, #tpu.memory_space<vmem>>
    %dma_start3A_767 = arith.constant 0 : i32
    %dma_start3A_768 = tpu.memref_slice %arg5[%squeeze3A_758, %dma_start3A_767] : memref<1000000x32xf32, #tpu.memory_space<hbm>> -> memref<1x32xf32, #tpu.memory_space<hbm>>
    tpu.enqueue_dma source(%dma_start3A_768 : memref<1x32xf32, #tpu.memory_space<hbm>>) target(%dma_start3A_766 : memref<1x32xf32, #tpu.memory_space<vmem>>) target_semaphore(%arg18 : memref<!tpu.dma_semaphore, #tpu.memory_space<semaphore_mem>>)
    %slice3A_769 = vector.extract_strided_slice %get3A_597 {offsets = [7], sizes = [1], strides = [1]} : vector<8xi32> to vector<1xi32>
    %squeeze3A_770 = vector.extract %slice3A_769[0] : i32 from vector<1xi32>
    %dma_start3A_771 = arith.constant 31 : i32
    %dma_start3A_772 = arith.constant 0 : i32
    %dma_start3A_773 = tpu.memref_slice %arg10[%dma_start3A_771, %dma_start3A_772] : memref<128x32xf32, #tpu.memory_space<vmem>> -> memref<1x32xf32, #tpu.memory_space<vmem>>
    %dma_start3A_774 = arith.constant 0 : i32
    %dma_start3A_775 = tpu.memref_slice %arg4[%squeeze3A_770, %dma_start3A_774] : memref<1000000x32xf32, #tpu.memory_space<hbm>> -> memref<1x32xf32, #tpu.memory_space<hbm>>
    %dma_start3A_776 = arith.constant 31 : i32
    %dma_start3A_777 = arith.constant 0 : i32
    %dma_start3A_778 = tpu.memref_slice %arg10[%dma_start3A_776, %dma_start3A_777] : memref<128x32xf32, #tpu.memory_space<vmem>> -> memref<1x32xf32, #tpu.memory_space<vmem>>
    %dma_start3A_779 = arith.constant 0 : i32
    %dma_start3A_780 = tpu.memref_slice %arg4[%squeeze3A_770, %dma_start3A_779] : memref<1000000x32xf32, #tpu.memory_space<hbm>> -> memref<1x32xf32, #tpu.memory_space<hbm>>
    tpu.enqueue_dma source(%dma_start3A_780 : memref<1x32xf32, #tpu.memory_space<hbm>>) target(%dma_start3A_778 : memref<1x32xf32, #tpu.memory_space<vmem>>) target_semaphore(%arg19 : memref<!tpu.dma_semaphore, #tpu.memory_space<semaphore_mem>>)
    %slice3A_781 = vector.extract_strided_slice %get3A_600 {offsets = [7], sizes = [1], strides = [1]} : vector<8xi32> to vector<1xi32>
    %squeeze3A_782 = vector.extract %slice3A_781[0] : i32 from vector<1xi32>
    %dma_start3A_783 = arith.constant 31 : i32
    %dma_start3A_784 = arith.constant 0 : i32
    %dma_start3A_785 = tpu.memref_slice %arg11[%dma_start3A_783, %dma_start3A_784] : memref<128x32xf32, #tpu.memory_space<vmem>> -> memref<1x32xf32, #tpu.memory_space<vmem>>
    %dma_start3A_786 = arith.constant 0 : i32
    %dma_start3A_787 = tpu.memref_slice %arg5[%squeeze3A_782, %dma_start3A_786] : memref<1000000x32xf32, #tpu.memory_space<hbm>> -> memref<1x32xf32, #tpu.memory_space<hbm>>
    %dma_start3A_788 = arith.constant 31 : i32
    %dma_start3A_789 = arith.constant 0 : i32
    %dma_start3A_790 = tpu.memref_slice %arg11[%dma_start3A_788, %dma_start3A_789] : memref<128x32xf32, #tpu.memory_space<vmem>> -> memref<1x32xf32, #tpu.memory_space<vmem>>
    %dma_start3A_791 = arith.constant 0 : i32
    %dma_start3A_792 = tpu.memref_slice %arg5[%squeeze3A_782, %dma_start3A_791] : memref<1000000x32xf32, #tpu.memory_space<hbm>> -> memref<1x32xf32, #tpu.memory_space<hbm>>
    tpu.enqueue_dma source(%dma_start3A_792 : memref<1x32xf32, #tpu.memory_space<hbm>>) target(%dma_start3A_790 : memref<1x32xf32, #tpu.memory_space<vmem>>) target_semaphore(%arg19 : memref<!tpu.dma_semaphore, #tpu.memory_space<semaphore_mem>>)
    %scan3A = arith.constant 0 : i32
    %scan3A_793 = arith.constant 4 : i32
    %scan3A_794 = arith.constant 12 : i32
    %scan3A_795 = arith.addi %scan3A_793, %scan3A_794 : i32
    %scan3A_796 = arith.constant 1 : i32
    %scan3A_797 = scf.for %scan3A_1566 = %scan3A_793 to %scan3A_795 step %scan3A_796 iter_args(%scan3A_1567 = %scan3A) -> (i32)  : i32 {
      %mul3A_1568 = arith.constant 8 : i32
      %mul3A_1569 = arith.muli %scan3A_1566, %mul3A_1568 : i32
      %get3A_1570 = arith.index_cast %mul3A_1569 : i32 to index
      %get3A_1571 = tpu.vector_load %arg8[%get3A_1570] {strides = array<i32>} : memref<128xi32, #tpu.memory_space<vmem>>, vector<8xi32>,
      %get3A_1572 = vector.shape_cast %get3A_1571 : vector<8xi32> to vector<8xi32>
      %get3A_1573 = arith.index_cast %mul3A_1569 : i32 to index
      %get3A_1574 = tpu.vector_load %arg9[%get3A_1573] {strides = array<i32>} : memref<128xi32, #tpu.memory_space<vmem>>, vector<8xi32>,
      %get3A_1575 = vector.shape_cast %get3A_1574 : vector<8xi32> to vector<8xi32>
      %slice3A_1576 = vector.extract_strided_slice %get3A_1572 {offsets = [0], sizes = [1], strides = [1]} : vector<8xi32> to vector<1xi32>
      %squeeze3A_1577 = vector.extract %slice3A_1576[0] : i32 from vector<1xi32>
      %add3A_1578 = arith.constant 0 : i32
      %add3A_1579 = arith.addi %mul3A_1569, %add3A_1578 : i32
      %dma_start3A_1580 = arith.constant 0 : i32
      %dma_start3A_1581 = tpu.memref_slice %arg10[%add3A_1579, %dma_start3A_1580] : memref<128x32xf32, #tpu.memory_space<vmem>> -> memref<1x32xf32, #tpu.memory_space<vmem>>
      %dma_start3A_1582 = arith.constant 0 : i32
      %dma_start3A_1583 = tpu.memref_slice %arg4[%squeeze3A_1577, %dma_start3A_1582] : memref<1000000x32xf32, #tpu.memory_space<hbm>> -> memref<1x32xf32, #tpu.memory_space<hbm>>
      %dma_start3A_1584 = arith.constant 0 : i32
      %dma_start3A_1585 = tpu.memref_slice %arg10[%add3A_1579, %dma_start3A_1584] : memref<128x32xf32, #tpu.memory_space<vmem>> -> memref<1x32xf32, #tpu.memory_space<vmem>>
      %dma_start3A_1586 = arith.constant 0 : i32
      %dma_start3A_1587 = tpu.memref_slice %arg4[%squeeze3A_1577, %dma_start3A_1586] : memref<1000000x32xf32, #tpu.memory_space<hbm>> -> memref<1x32xf32, #tpu.memory_space<hbm>>
      tpu.enqueue_dma source(%dma_start3A_1587 : memref<1x32xf32, #tpu.memory_space<hbm>>) target(%dma_start3A_1585 : memref<1x32xf32, #tpu.memory_space<vmem>>) target_semaphore(%arg12 : memref<!tpu.dma_semaphore, #tpu.memory_space<semaphore_mem>>)
      %slice3A_1588 = vector.extract_strided_slice %get3A_1575 {offsets = [0], sizes = [1], strides = [1]} : vector<8xi32> to vector<1xi32>
      %squeeze3A_1589 = vector.extract %slice3A_1588[0] : i32 from vector<1xi32>
      %add3A_1590 = arith.constant 0 : i32
      %add3A_1591 = arith.addi %mul3A_1569, %add3A_1590 : i32
      %dma_start3A_1592 = arith.constant 0 : i32
      %dma_start3A_1593 = tpu.memref_slice %arg11[%add3A_1591, %dma_start3A_1592] : memref<128x32xf32, #tpu.memory_space<vmem>> -> memref<1x32xf32, #tpu.memory_space<vmem>>
      %dma_start3A_1594 = arith.constant 0 : i32
      %dma_start3A_1595 = tpu.memref_slice %arg5[%squeeze3A_1589, %dma_start3A_1594] : memref<1000000x32xf32, #tpu.memory_space<hbm>> -> memref<1x32xf32, #tpu.memory_space<hbm>>
      %dma_start3A_1596 = arith.constant 0 : i32
      %dma_start3A_1597 = tpu.memref_slice %arg11[%add3A_1591, %dma_start3A_1596] : memref<128x32xf32, #tpu.memory_space<vmem>> -> memref<1x32xf32, #tpu.memory_space<vmem>>
      %dma_start3A_1598 = arith.constant 0 : i32
      %dma_start3A_1599 = tpu.memref_slice %arg5[%squeeze3A_1589, %dma_start3A_1598] : memref<1000000x32xf32, #tpu.memory_space<hbm>> -> memref<1x32xf32, #tpu.memory_space<hbm>>
      tpu.enqueue_dma source(%dma_start3A_1599 : memref<1x32xf32, #tpu.memory_space<hbm>>) target(%dma_start3A_1597 : memref<1x32xf32, #tpu.memory_space<vmem>>) target_semaphore(%arg12 : memref<!tpu.dma_semaphore, #tpu.memory_space<semaphore_mem>>)
      %slice3A_1600 = vector.extract_strided_slice %get3A_1572 {offsets = [1], sizes = [1], strides = [1]} : vector<8xi32> to vector<1xi32>
      %squeeze3A_1601 = vector.extract %slice3A_1600[0] : i32 from vector<1xi32>
      %add3A_1602 = arith.constant 1 : i32
      %add3A_1603 = arith.addi %mul3A_1569, %add3A_1602 : i32
      %dma_start3A_1604 = arith.constant 0 : i32
      %dma_start3A_1605 = tpu.memref_slice %arg10[%add3A_1603, %dma_start3A_1604] : memref<128x32xf32, #tpu.memory_space<vmem>> -> memref<1x32xf32, #tpu.memory_space<vmem>>
      %dma_start3A_1606 = arith.constant 0 : i32
      %dma_start3A_1607 = tpu.memref_slice %arg4[%squeeze3A_1601, %dma_start3A_1606] : memref<1000000x32xf32, #tpu.memory_space<hbm>> -> memref<1x32xf32, #tpu.memory_space<hbm>>
      %dma_start3A_1608 = arith.constant 0 : i32
      %dma_start3A_1609 = tpu.memref_slice %arg10[%add3A_1603, %dma_start3A_1608] : memref<128x32xf32, #tpu.memory_space<vmem>> -> memref<1x32xf32, #tpu.memory_space<vmem>>
      %dma_start3A_1610 = arith.constant 0 : i32
      %dma_start3A_1611 = tpu.memref_slice %arg4[%squeeze3A_1601, %dma_start3A_1610] : memref<1000000x32xf32, #tpu.memory_space<hbm>> -> memref<1x32xf32, #tpu.memory_space<hbm>>
      tpu.enqueue_dma source(%dma_start3A_1611 : memref<1x32xf32, #tpu.memory_space<hbm>>) target(%dma_start3A_1609 : memref<1x32xf32, #tpu.memory_space<vmem>>) target_semaphore(%arg13 : memref<!tpu.dma_semaphore, #tpu.memory_space<semaphore_mem>>)
      %slice3A_1612 = vector.extract_strided_slice %get3A_1575 {offsets = [1], sizes = [1], strides = [1]} : vector<8xi32> to vector<1xi32>
      %squeeze3A_1613 = vector.extract %slice3A_1612[0] : i32 from vector<1xi32>
      %add3A_1614 = arith.constant 1 : i32
      %add3A_1615 = arith.addi %mul3A_1569, %add3A_1614 : i32
      %dma_start3A_1616 = arith.constant 0 : i32
      %dma_start3A_1617 = tpu.memref_slice %arg11[%add3A_1615, %dma_start3A_1616] : memref<128x32xf32, #tpu.memory_space<vmem>> -> memref<1x32xf32, #tpu.memory_space<vmem>>
      %dma_start3A_1618 = arith.constant 0 : i32
      %dma_start3A_1619 = tpu.memref_slice %arg5[%squeeze3A_1613, %dma_start3A_1618] : memref<1000000x32xf32, #tpu.memory_space<hbm>> -> memref<1x32xf32, #tpu.memory_space<hbm>>
      %dma_start3A_1620 = arith.constant 0 : i32
      %dma_start3A_1621 = tpu.memref_slice %arg11[%add3A_1615, %dma_start3A_1620] : memref<128x32xf32, #tpu.memory_space<vmem>> -> memref<1x32xf32, #tpu.memory_space<vmem>>
      %dma_start3A_1622 = arith.constant 0 : i32
      %dma_start3A_1623 = tpu.memref_slice %arg5[%squeeze3A_1613, %dma_start3A_1622] : memref<1000000x32xf32, #tpu.memory_space<hbm>> -> memref<1x32xf32, #tpu.memory_space<hbm>>
      tpu.enqueue_dma source(%dma_start3A_1623 : memref<1x32xf32, #tpu.memory_space<hbm>>) target(%dma_start3A_1621 : memref<1x32xf32, #tpu.memory_space<vmem>>) target_semaphore(%arg13 : memref<!tpu.dma_semaphore, #tpu.memory_space<semaphore_mem>>)
      %slice3A_1624 = vector.extract_strided_slice %get3A_1572 {offsets = [2], sizes = [1], strides = [1]} : vector<8xi32> to vector<1xi32>
      %squeeze3A_1625 = vector.extract %slice3A_1624[0] : i32 from vector<1xi32>
      %add3A_1626 = arith.constant 2 : i32
      %add3A_1627 = arith.addi %mul3A_1569, %add3A_1626 : i32
      %dma_start3A_1628 = arith.constant 0 : i32
      %dma_start3A_1629 = tpu.memref_slice %arg10[%add3A_1627, %dma_start3A_1628] : memref<128x32xf32, #tpu.memory_space<vmem>> -> memref<1x32xf32, #tpu.memory_space<vmem>>
      %dma_start3A_1630 = arith.constant 0 : i32
      %dma_start3A_1631 = tpu.memref_slice %arg4[%squeeze3A_1625, %dma_start3A_1630] : memref<1000000x32xf32, #tpu.memory_space<hbm>> -> memref<1x32xf32, #tpu.memory_space<hbm>>
      %dma_start3A_1632 = arith.constant 0 : i32
      %dma_start3A_1633 = tpu.memref_slice %arg10[%add3A_1627, %dma_start3A_1632] : memref<128x32xf32, #tpu.memory_space<vmem>> -> memref<1x32xf32, #tpu.memory_space<vmem>>
      %dma_start3A_1634 = arith.constant 0 : i32
      %dma_start3A_1635 = tpu.memref_slice %arg4[%squeeze3A_1625, %dma_start3A_1634] : memref<1000000x32xf32, #tpu.memory_space<hbm>> -> memref<1x32xf32, #tpu.memory_space<hbm>>
      tpu.enqueue_dma source(%dma_start3A_1635 : memref<1x32xf32, #tpu.memory_space<hbm>>) target(%dma_start3A_1633 : memref<1x32xf32, #tpu.memory_space<vmem>>) target_semaphore(%arg14 : memref<!tpu.dma_semaphore, #tpu.memory_space<semaphore_mem>>)
      %slice3A_1636 = vector.extract_strided_slice %get3A_1575 {offsets = [2], sizes = [1], strides = [1]} : vector<8xi32> to vector<1xi32>
      %squeeze3A_1637 = vector.extract %slice3A_1636[0] : i32 from vector<1xi32>
      %add3A_1638 = arith.constant 2 : i32
      %add3A_1639 = arith.addi %mul3A_1569, %add3A_1638 : i32
      %dma_start3A_1640 = arith.constant 0 : i32
      %dma_start3A_1641 = tpu.memref_slice %arg11[%add3A_1639, %dma_start3A_1640] : memref<128x32xf32, #tpu.memory_space<vmem>> -> memref<1x32xf32, #tpu.memory_space<vmem>>
      %dma_start3A_1642 = arith.constant 0 : i32
      %dma_start3A_1643 = tpu.memref_slice %arg5[%squeeze3A_1637, %dma_start3A_1642] : memref<1000000x32xf32, #tpu.memory_space<hbm>> -> memref<1x32xf32, #tpu.memory_space<hbm>>
      %dma_start3A_1644 = arith.constant 0 : i32
      %dma_start3A_1645 = tpu.memref_slice %arg11[%add3A_1639, %dma_start3A_1644] : memref<128x32xf32, #tpu.memory_space<vmem>> -> memref<1x32xf32, #tpu.memory_space<vmem>>
      %dma_start3A_1646 = arith.constant 0 : i32
      %dma_start3A_1647 = tpu.memref_slice %arg5[%squeeze3A_1637, %dma_start3A_1646] : memref<1000000x32xf32, #tpu.memory_space<hbm>> -> memref<1x32xf32, #tpu.memory_space<hbm>>
      tpu.enqueue_dma source(%dma_start3A_1647 : memref<1x32xf32, #tpu.memory_space<hbm>>) target(%dma_start3A_1645 : memref<1x32xf32, #tpu.memory_space<vmem>>) target_semaphore(%arg14 : memref<!tpu.dma_semaphore, #tpu.memory_space<semaphore_mem>>)
      %slice3A_1648 = vector.extract_strided_slice %get3A_1572 {offsets = [3], sizes = [1], strides = [1]} : vector<8xi32> to vector<1xi32>
      %squeeze3A_1649 = vector.extract %slice3A_1648[0] : i32 from vector<1xi32>
      %add3A_1650 = arith.constant 3 : i32
      %add3A_1651 = arith.addi %mul3A_1569, %add3A_1650 : i32
      %dma_start3A_1652 = arith.constant 0 : i32
      %dma_start3A_1653 = tpu.memref_slice %arg10[%add3A_1651, %dma_start3A_1652] : memref<128x32xf32, #tpu.memory_space<vmem>> -> memref<1x32xf32, #tpu.memory_space<vmem>>
      %dma_start3A_1654 = arith.constant 0 : i32
      %dma_start3A_1655 = tpu.memref_slice %arg4[%squeeze3A_1649, %dma_start3A_1654] : memref<1000000x32xf32, #tpu.memory_space<hbm>> -> memref<1x32xf32, #tpu.memory_space<hbm>>
      %dma_start3A_1656 = arith.constant 0 : i32
      %dma_start3A_1657 = tpu.memref_slice %arg10[%add3A_1651, %dma_start3A_1656] : memref<128x32xf32, #tpu.memory_space<vmem>> -> memref<1x32xf32, #tpu.memory_space<vmem>>
      %dma_start3A_1658 = arith.constant 0 : i32
      %dma_start3A_1659 = tpu.memref_slice %arg4[%squeeze3A_1649, %dma_start3A_1658] : memref<1000000x32xf32, #tpu.memory_space<hbm>> -> memref<1x32xf32, #tpu.memory_space<hbm>>
      tpu.enqueue_dma source(%dma_start3A_1659 : memref<1x32xf32, #tpu.memory_space<hbm>>) target(%dma_start3A_1657 : memref<1x32xf32, #tpu.memory_space<vmem>>) target_semaphore(%arg15 : memref<!tpu.dma_semaphore, #tpu.memory_space<semaphore_mem>>)
      %slice3A_1660 = vector.extract_strided_slice %get3A_1575 {offsets = [3], sizes = [1], strides = [1]} : vector<8xi32> to vector<1xi32>
      %squeeze3A_1661 = vector.extract %slice3A_1660[0] : i32 from vector<1xi32>
      %add3A_1662 = arith.constant 3 : i32
      %add3A_1663 = arith.addi %mul3A_1569, %add3A_1662 : i32
      %dma_start3A_1664 = arith.constant 0 : i32
      %dma_start3A_1665 = tpu.memref_slice %arg11[%add3A_1663, %dma_start3A_1664] : memref<128x32xf32, #tpu.memory_space<vmem>> -> memref<1x32xf32, #tpu.memory_space<vmem>>
      %dma_start3A_1666 = arith.constant 0 : i32
      %dma_start3A_1667 = tpu.memref_slice %arg5[%squeeze3A_1661, %dma_start3A_1666] : memref<1000000x32xf32, #tpu.memory_space<hbm>> -> memref<1x32xf32, #tpu.memory_space<hbm>>
      %dma_start3A_1668 = arith.constant 0 : i32
      %dma_start3A_1669 = tpu.memref_slice %arg11[%add3A_1663, %dma_start3A_1668] : memref<128x32xf32, #tpu.memory_space<vmem>> -> memref<1x32xf32, #tpu.memory_space<vmem>>
      %dma_start3A_1670 = arith.constant 0 : i32
      %dma_start3A_1671 = tpu.memref_slice %arg5[%squeeze3A_1661, %dma_start3A_1670] : memref<1000000x32xf32, #tpu.memory_space<hbm>> -> memref<1x32xf32, #tpu.memory_space<hbm>>
      tpu.enqueue_dma source(%dma_start3A_1671 : memref<1x32xf32, #tpu.memory_space<hbm>>) target(%dma_start3A_1669 : memref<1x32xf32, #tpu.memory_space<vmem>>) target_semaphore(%arg15 : memref<!tpu.dma_semaphore, #tpu.memory_space<semaphore_mem>>)
      %slice3A_1672 = vector.extract_strided_slice %get3A_1572 {offsets = [4], sizes = [1], strides = [1]} : vector<8xi32> to vector<1xi32>
      %squeeze3A_1673 = vector.extract %slice3A_1672[0] : i32 from vector<1xi32>
      %add3A_1674 = arith.constant 4 : i32
      %add3A_1675 = arith.addi %mul3A_1569, %add3A_1674 : i32
      %dma_start3A_1676 = arith.constant 0 : i32
      %dma_start3A_1677 = tpu.memref_slice %arg10[%add3A_1675, %dma_start3A_1676] : memref<128x32xf32, #tpu.memory_space<vmem>> -> memref<1x32xf32, #tpu.memory_space<vmem>>
      %dma_start3A_1678 = arith.constant 0 : i32
      %dma_start3A_1679 = tpu.memref_slice %arg4[%squeeze3A_1673, %dma_start3A_1678] : memref<1000000x32xf32, #tpu.memory_space<hbm>> -> memref<1x32xf32, #tpu.memory_space<hbm>>
      %dma_start3A_1680 = arith.constant 0 : i32
      %dma_start3A_1681 = tpu.memref_slice %arg10[%add3A_1675, %dma_start3A_1680] : memref<128x32xf32, #tpu.memory_space<vmem>> -> memref<1x32xf32, #tpu.memory_space<vmem>>
      %dma_start3A_1682 = arith.constant 0 : i32
      %dma_start3A_1683 = tpu.memref_slice %arg4[%squeeze3A_1673, %dma_start3A_1682] : memref<1000000x32xf32, #tpu.memory_space<hbm>> -> memref<1x32xf32, #tpu.memory_space<hbm>>
      tpu.enqueue_dma source(%dma_start3A_1683 : memref<1x32xf32, #tpu.memory_space<hbm>>) target(%dma_start3A_1681 : memref<1x32xf32, #tpu.memory_space<vmem>>) target_semaphore(%arg16 : memref<!tpu.dma_semaphore, #tpu.memory_space<semaphore_mem>>)
      %slice3A_1684 = vector.extract_strided_slice %get3A_1575 {offsets = [4], sizes = [1], strides = [1]} : vector<8xi32> to vector<1xi32>
      %squeeze3A_1685 = vector.extract %slice3A_1684[0] : i32 from vector<1xi32>
      %add3A_1686 = arith.constant 4 : i32
      %add3A_1687 = arith.addi %mul3A_1569, %add3A_1686 : i32
      %dma_start3A_1688 = arith.constant 0 : i32
      %dma_start3A_1689 = tpu.memref_slice %arg11[%add3A_1687, %dma_start3A_1688] : memref<128x32xf32, #tpu.memory_space<vmem>> -> memref<1x32xf32, #tpu.memory_space<vmem>>
      %dma_start3A_1690 = arith.constant 0 : i32
      %dma_start3A_1691 = tpu.memref_slice %arg5[%squeeze3A_1685, %dma_start3A_1690] : memref<1000000x32xf32, #tpu.memory_space<hbm>> -> memref<1x32xf32, #tpu.memory_space<hbm>>
      %dma_start3A_1692 = arith.constant 0 : i32
      %dma_start3A_1693 = tpu.memref_slice %arg11[%add3A_1687, %dma_start3A_1692] : memref<128x32xf32, #tpu.memory_space<vmem>> -> memref<1x32xf32, #tpu.memory_space<vmem>>
      %dma_start3A_1694 = arith.constant 0 : i32
      %dma_start3A_1695 = tpu.memref_slice %arg5[%squeeze3A_1685, %dma_start3A_1694] : memref<1000000x32xf32, #tpu.memory_space<hbm>> -> memref<1x32xf32, #tpu.memory_space<hbm>>
      tpu.enqueue_dma source(%dma_start3A_1695 : memref<1x32xf32, #tpu.memory_space<hbm>>) target(%dma_start3A_1693 : memref<1x32xf32, #tpu.memory_space<vmem>>) target_semaphore(%arg16 : memref<!tpu.dma_semaphore, #tpu.memory_space<semaphore_mem>>)
      %slice3A_1696 = vector.extract_strided_slice %get3A_1572 {offsets = [5], sizes = [1], strides = [1]} : vector<8xi32> to vector<1xi32>
      %squeeze3A_1697 = vector.extract %slice3A_1696[0] : i32 from vector<1xi32>
      %add3A_1698 = arith.constant 5 : i32
      %add3A_1699 = arith.addi %mul3A_1569, %add3A_1698 : i32
      %dma_start3A_1700 = arith.constant 0 : i32
      %dma_start3A_1701 = tpu.memref_slice %arg10[%add3A_1699, %dma_start3A_1700] : memref<128x32xf32, #tpu.memory_space<vmem>> -> memref<1x32xf32, #tpu.memory_space<vmem>>
      %dma_start3A_1702 = arith.constant 0 : i32
      %dma_start3A_1703 = tpu.memref_slice %arg4[%squeeze3A_1697, %dma_start3A_1702] : memref<1000000x32xf32, #tpu.memory_space<hbm>> -> memref<1x32xf32, #tpu.memory_space<hbm>>
      %dma_start3A_1704 = arith.constant 0 : i32
      %dma_start3A_1705 = tpu.memref_slice %arg10[%add3A_1699, %dma_start3A_1704] : memref<128x32xf32, #tpu.memory_space<vmem>> -> memref<1x32xf32, #tpu.memory_space<vmem>>
      %dma_start3A_1706 = arith.constant 0 : i32
      %dma_start3A_1707 = tpu.memref_slice %arg4[%squeeze3A_1697, %dma_start3A_1706] : memref<1000000x32xf32, #tpu.memory_space<hbm>> -> memref<1x32xf32, #tpu.memory_space<hbm>>
      tpu.enqueue_dma source(%dma_start3A_1707 : memref<1x32xf32, #tpu.memory_space<hbm>>) target(%dma_start3A_1705 : memref<1x32xf32, #tpu.memory_space<vmem>>) target_semaphore(%arg17 : memref<!tpu.dma_semaphore, #tpu.memory_space<semaphore_mem>>)
      %slice3A_1708 = vector.extract_strided_slice %get3A_1575 {offsets = [5], sizes = [1], strides = [1]} : vector<8xi32> to vector<1xi32>
      %squeeze3A_1709 = vector.extract %slice3A_1708[0] : i32 from vector<1xi32>
      %add3A_1710 = arith.constant 5 : i32
      %add3A_1711 = arith.addi %mul3A_1569, %add3A_1710 : i32
      %dma_start3A_1712 = arith.constant 0 : i32
      %dma_start3A_1713 = tpu.memref_slice %arg11[%add3A_1711, %dma_start3A_1712] : memref<128x32xf32, #tpu.memory_space<vmem>> -> memref<1x32xf32, #tpu.memory_space<vmem>>
      %dma_start3A_1714 = arith.constant 0 : i32
      %dma_start3A_1715 = tpu.memref_slice %arg5[%squeeze3A_1709, %dma_start3A_1714] : memref<1000000x32xf32, #tpu.memory_space<hbm>> -> memref<1x32xf32, #tpu.memory_space<hbm>>
      %dma_start3A_1716 = arith.constant 0 : i32
      %dma_start3A_1717 = tpu.memref_slice %arg11[%add3A_1711, %dma_start3A_1716] : memref<128x32xf32, #tpu.memory_space<vmem>> -> memref<1x32xf32, #tpu.memory_space<vmem>>
      %dma_start3A_1718 = arith.constant 0 : i32
      %dma_start3A_1719 = tpu.memref_slice %arg5[%squeeze3A_1709, %dma_start3A_1718] : memref<1000000x32xf32, #tpu.memory_space<hbm>> -> memref<1x32xf32, #tpu.memory_space<hbm>>
      tpu.enqueue_dma source(%dma_start3A_1719 : memref<1x32xf32, #tpu.memory_space<hbm>>) target(%dma_start3A_1717 : memref<1x32xf32, #tpu.memory_space<vmem>>) target_semaphore(%arg17 : memref<!tpu.dma_semaphore, #tpu.memory_space<semaphore_mem>>)
      %slice3A_1720 = vector.extract_strided_slice %get3A_1572 {offsets = [6], sizes = [1], strides = [1]} : vector<8xi32> to vector<1xi32>
      %squeeze3A_1721 = vector.extract %slice3A_1720[0] : i32 from vector<1xi32>
      %add3A_1722 = arith.constant 6 : i32
      %add3A_1723 = arith.addi %mul3A_1569, %add3A_1722 : i32
      %dma_start3A_1724 = arith.constant 0 : i32
      %dma_start3A_1725 = tpu.memref_slice %arg10[%add3A_1723, %dma_start3A_1724] : memref<128x32xf32, #tpu.memory_space<vmem>> -> memref<1x32xf32, #tpu.memory_space<vmem>>
      %dma_start3A_1726 = arith.constant 0 : i32
      %dma_start3A_1727 = tpu.memref_slice %arg4[%squeeze3A_1721, %dma_start3A_1726] : memref<1000000x32xf32, #tpu.memory_space<hbm>> -> memref<1x32xf32, #tpu.memory_space<hbm>>
      %dma_start3A_1728 = arith.constant 0 : i32
      %dma_start3A_1729 = tpu.memref_slice %arg10[%add3A_1723, %dma_start3A_1728] : memref<128x32xf32, #tpu.memory_space<vmem>> -> memref<1x32xf32, #tpu.memory_space<vmem>>
      %dma_start3A_1730 = arith.constant 0 : i32
      %dma_start3A_1731 = tpu.memref_slice %arg4[%squeeze3A_1721, %dma_start3A_1730] : memref<1000000x32xf32, #tpu.memory_space<hbm>> -> memref<1x32xf32, #tpu.memory_space<hbm>>
      tpu.enqueue_dma source(%dma_start3A_1731 : memref<1x32xf32, #tpu.memory_space<hbm>>) target(%dma_start3A_1729 : memref<1x32xf32, #tpu.memory_space<vmem>>) target_semaphore(%arg18 : memref<!tpu.dma_semaphore, #tpu.memory_space<semaphore_mem>>)
      %slice3A_1732 = vector.extract_strided_slice %get3A_1575 {offsets = [6], sizes = [1], strides = [1]} : vector<8xi32> to vector<1xi32>
      %squeeze3A_1733 = vector.extract %slice3A_1732[0] : i32 from vector<1xi32>
      %add3A_1734 = arith.constant 6 : i32
      %add3A_1735 = arith.addi %mul3A_1569, %add3A_1734 : i32
      %dma_start3A_1736 = arith.constant 0 : i32
      %dma_start3A_1737 = tpu.memref_slice %arg11[%add3A_1735, %dma_start3A_1736] : memref<128x32xf32, #tpu.memory_space<vmem>> -> memref<1x32xf32, #tpu.memory_space<vmem>>
      %dma_start3A_1738 = arith.constant 0 : i32
      %dma_start3A_1739 = tpu.memref_slice %arg5[%squeeze3A_1733, %dma_start3A_1738] : memref<1000000x32xf32, #tpu.memory_space<hbm>> -> memref<1x32xf32, #tpu.memory_space<hbm>>
      %dma_start3A_1740 = arith.constant 0 : i32
      %dma_start3A_1741 = tpu.memref_slice %arg11[%add3A_1735, %dma_start3A_1740] : memref<128x32xf32, #tpu.memory_space<vmem>> -> memref<1x32xf32, #tpu.memory_space<vmem>>
      %dma_start3A_1742 = arith.constant 0 : i32
      %dma_start3A_1743 = tpu.memref_slice %arg5[%squeeze3A_1733, %dma_start3A_1742] : memref<1000000x32xf32, #tpu.memory_space<hbm>> -> memref<1x32xf32, #tpu.memory_space<hbm>>
      tpu.enqueue_dma source(%dma_start3A_1743 : memref<1x32xf32, #tpu.memory_space<hbm>>) target(%dma_start3A_1741 : memref<1x32xf32, #tpu.memory_space<vmem>>) target_semaphore(%arg18 : memref<!tpu.dma_semaphore, #tpu.memory_space<semaphore_mem>>)
      %slice3A_1744 = vector.extract_strided_slice %get3A_1572 {offsets = [7], sizes = [1], strides = [1]} : vector<8xi32> to vector<1xi32>
      %squeeze3A_1745 = vector.extract %slice3A_1744[0] : i32 from vector<1xi32>
      %add3A_1746 = arith.constant 7 : i32
      %add3A_1747 = arith.addi %mul3A_1569, %add3A_1746 : i32
      %dma_start3A_1748 = arith.constant 0 : i32
      %dma_start3A_1749 = tpu.memref_slice %arg10[%add3A_1747, %dma_start3A_1748] : memref<128x32xf32, #tpu.memory_space<vmem>> -> memref<1x32xf32, #tpu.memory_space<vmem>>
      %dma_start3A_1750 = arith.constant 0 : i32
      %dma_start3A_1751 = tpu.memref_slice %arg4[%squeeze3A_1745, %dma_start3A_1750] : memref<1000000x32xf32, #tpu.memory_space<hbm>> -> memref<1x32xf32, #tpu.memory_space<hbm>>
      %dma_start3A_1752 = arith.constant 0 : i32
      %dma_start3A_1753 = tpu.memref_slice %arg10[%add3A_1747, %dma_start3A_1752] : memref<128x32xf32, #tpu.memory_space<vmem>> -> memref<1x32xf32, #tpu.memory_space<vmem>>
      %dma_start3A_1754 = arith.constant 0 : i32
      %dma_start3A_1755 = tpu.memref_slice %arg4[%squeeze3A_1745, %dma_start3A_1754] : memref<1000000x32xf32, #tpu.memory_space<hbm>> -> memref<1x32xf32, #tpu.memory_space<hbm>>
      tpu.enqueue_dma source(%dma_start3A_1755 : memref<1x32xf32, #tpu.memory_space<hbm>>) target(%dma_start3A_1753 : memref<1x32xf32, #tpu.memory_space<vmem>>) target_semaphore(%arg19 : memref<!tpu.dma_semaphore, #tpu.memory_space<semaphore_mem>>)
      %slice3A_1756 = vector.extract_strided_slice %get3A_1575 {offsets = [7], sizes = [1], strides = [1]} : vector<8xi32> to vector<1xi32>
      %squeeze3A_1757 = vector.extract %slice3A_1756[0] : i32 from vector<1xi32>
      %add3A_1758 = arith.constant 7 : i32
      %add3A_1759 = arith.addi %mul3A_1569, %add3A_1758 : i32
      %dma_start3A_1760 = arith.constant 0 : i32
      %dma_start3A_1761 = tpu.memref_slice %arg11[%add3A_1759, %dma_start3A_1760] : memref<128x32xf32, #tpu.memory_space<vmem>> -> memref<1x32xf32, #tpu.memory_space<vmem>>
      %dma_start3A_1762 = arith.constant 0 : i32
      %dma_start3A_1763 = tpu.memref_slice %arg5[%squeeze3A_1757, %dma_start3A_1762] : memref<1000000x32xf32, #tpu.memory_space<hbm>> -> memref<1x32xf32, #tpu.memory_space<hbm>>
      %dma_start3A_1764 = arith.constant 0 : i32
      %dma_start3A_1765 = tpu.memref_slice %arg11[%add3A_1759, %dma_start3A_1764] : memref<128x32xf32, #tpu.memory_space<vmem>> -> memref<1x32xf32, #tpu.memory_space<vmem>>
      %dma_start3A_1766 = arith.constant 0 : i32
      %dma_start3A_1767 = tpu.memref_slice %arg5[%squeeze3A_1757, %dma_start3A_1766] : memref<1000000x32xf32, #tpu.memory_space<hbm>> -> memref<1x32xf32, #tpu.memory_space<hbm>>
      tpu.enqueue_dma source(%dma_start3A_1767 : memref<1x32xf32, #tpu.memory_space<hbm>>) target(%dma_start3A_1765 : memref<1x32xf32, #tpu.memory_space<vmem>>) target_semaphore(%arg19 : memref<!tpu.dma_semaphore, #tpu.memory_space<semaphore_mem>>)
      %sub3A = arith.constant 4 : i32
      %sub3A_1768 = arith.subi %scan3A_1566, %sub3A : i32
      %mul3A_1769 = arith.constant 8 : i32
      %mul3A_1770 = arith.muli %sub3A_1768, %mul3A_1769 : i32
      %add3A_1771 = arith.constant 0 : i32
      %add3A_1772 = arith.addi %mul3A_1770, %add3A_1771 : i32
      %dma_wait3A_1773 = arith.constant 0 : i32
      %dma_wait3A_1774 = tpu.memref_slice %arg10[%add3A_1772, %dma_wait3A_1773] : memref<128x32xf32, #tpu.memory_space<vmem>> -> memref<1x32xf32, #tpu.memory_space<vmem>>
      %dma_wait3A_1775 = arith.constant 0 : i32
      %dma_wait3A_1776 = arith.constant 0 : i32
      %dma_wait3A_1777 = tpu.memref_slice %arg4[%dma_wait3A_1775, %dma_wait3A_1776] : memref<1000000x32xf32, #tpu.memory_space<hbm>> -> memref<1x32xf32, #tpu.memory_space<hbm>>
      %dma_wait3A_1778 = arith.constant 0 : i32
      %dma_wait3A_1779 = tpu.memref_slice %arg10[%add3A_1772, %dma_wait3A_1778] : memref<128x32xf32, #tpu.memory_space<vmem>> -> memref<1x32xf32, #tpu.memory_space<vmem>>
      %dma_wait3A_1780 = arith.constant 0 : i32
      %dma_wait3A_1781 = arith.constant 0 : i32
      %dma_wait3A_1782 = tpu.memref_slice %arg4[%dma_wait3A_1780, %dma_wait3A_1781] : memref<1000000x32xf32, #tpu.memory_space<hbm>> -> memref<1x32xf32, #tpu.memory_space<hbm>>
      tpu.wait_dma2 semaphore(%arg12 : memref<!tpu.dma_semaphore, #tpu.memory_space<semaphore_mem>>) src(%dma_wait3A_1782 : memref<1x32xf32, #tpu.memory_space<hbm>>) dst(%dma_wait3A_1779 : memref<1x32xf32, #tpu.memory_space<vmem>>)
      %add3A_1783 = arith.constant 0 : i32
      %add3A_1784 = arith.addi %mul3A_1770, %add3A_1783 : i32
      %dma_wait3A_1785 = arith.constant 0 : i32
      %dma_wait3A_1786 = tpu.memref_slice %arg11[%add3A_1784, %dma_wait3A_1785] : memref<128x32xf32, #tpu.memory_space<vmem>> -> memref<1x32xf32, #tpu.memory_space<vmem>>
      %dma_wait3A_1787 = arith.constant 0 : i32
      %dma_wait3A_1788 = arith.constant 0 : i32
      %dma_wait3A_1789 = tpu.memref_slice %arg5[%dma_wait3A_1787, %dma_wait3A_1788] : memref<1000000x32xf32, #tpu.memory_space<hbm>> -> memref<1x32xf32, #tpu.memory_space<hbm>>
      %dma_wait3A_1790 = arith.constant 0 : i32
      %dma_wait3A_1791 = tpu.memref_slice %arg11[%add3A_1784, %dma_wait3A_1790] : memref<128x32xf32, #tpu.memory_space<vmem>> -> memref<1x32xf32, #tpu.memory_space<vmem>>
      %dma_wait3A_1792 = arith.constant 0 : i32
      %dma_wait3A_1793 = arith.constant 0 : i32
      %dma_wait3A_1794 = tpu.memref_slice %arg5[%dma_wait3A_1792, %dma_wait3A_1793] : memref<1000000x32xf32, #tpu.memory_space<hbm>> -> memref<1x32xf32, #tpu.memory_space<hbm>>
      tpu.wait_dma2 semaphore(%arg12 : memref<!tpu.dma_semaphore, #tpu.memory_space<semaphore_mem>>) src(%dma_wait3A_1794 : memref<1x32xf32, #tpu.memory_space<hbm>>) dst(%dma_wait3A_1791 : memref<1x32xf32, #tpu.memory_space<vmem>>)
      %add3A_1795 = arith.constant 1 : i32
      %add3A_1796 = arith.addi %mul3A_1770, %add3A_1795 : i32
      %dma_wait3A_1797 = arith.constant 0 : i32
      %dma_wait3A_1798 = tpu.memref_slice %arg10[%add3A_1796, %dma_wait3A_1797] : memref<128x32xf32, #tpu.memory_space<vmem>> -> memref<1x32xf32, #tpu.memory_space<vmem>>
      %dma_wait3A_1799 = arith.constant 0 : i32
      %dma_wait3A_1800 = arith.constant 0 : i32
      %dma_wait3A_1801 = tpu.memref_slice %arg4[%dma_wait3A_1799, %dma_wait3A_1800] : memref<1000000x32xf32, #tpu.memory_space<hbm>> -> memref<1x32xf32, #tpu.memory_space<hbm>>
      %dma_wait3A_1802 = arith.constant 0 : i32
      %dma_wait3A_1803 = tpu.memref_slice %arg10[%add3A_1796, %dma_wait3A_1802] : memref<128x32xf32, #tpu.memory_space<vmem>> -> memref<1x32xf32, #tpu.memory_space<vmem>>
      %dma_wait3A_1804 = arith.constant 0 : i32
      %dma_wait3A_1805 = arith.constant 0 : i32
      %dma_wait3A_1806 = tpu.memref_slice %arg4[%dma_wait3A_1804, %dma_wait3A_1805] : memref<1000000x32xf32, #tpu.memory_space<hbm>> -> memref<1x32xf32, #tpu.memory_space<hbm>>
      tpu.wait_dma2 semaphore(%arg13 : memref<!tpu.dma_semaphore, #tpu.memory_space<semaphore_mem>>) src(%dma_wait3A_1806 : memref<1x32xf32, #tpu.memory_space<hbm>>) dst(%dma_wait3A_1803 : memref<1x32xf32, #tpu.memory_space<vmem>>)
      %add3A_1807 = arith.constant 1 : i32
      %add3A_1808 = arith.addi %mul3A_1770, %add3A_1807 : i32
      %dma_wait3A_1809 = arith.constant 0 : i32
      %dma_wait3A_1810 = tpu.memref_slice %arg11[%add3A_1808, %dma_wait3A_1809] : memref<128x32xf32, #tpu.memory_space<vmem>> -> memref<1x32xf32, #tpu.memory_space<vmem>>
      %dma_wait3A_1811 = arith.constant 0 : i32
      %dma_wait3A_1812 = arith.constant 0 : i32
      %dma_wait3A_1813 = tpu.memref_slice %arg5[%dma_wait3A_1811, %dma_wait3A_1812] : memref<1000000x32xf32, #tpu.memory_space<hbm>> -> memref<1x32xf32, #tpu.memory_space<hbm>>
      %dma_wait3A_1814 = arith.constant 0 : i32
      %dma_wait3A_1815 = tpu.memref_slice %arg11[%add3A_1808, %dma_wait3A_1814] : memref<128x32xf32, #tpu.memory_space<vmem>> -> memref<1x32xf32, #tpu.memory_space<vmem>>
      %dma_wait3A_1816 = arith.constant 0 : i32
      %dma_wait3A_1817 = arith.constant 0 : i32
      %dma_wait3A_1818 = tpu.memref_slice %arg5[%dma_wait3A_1816, %dma_wait3A_1817] : memref<1000000x32xf32, #tpu.memory_space<hbm>> -> memref<1x32xf32, #tpu.memory_space<hbm>>
      tpu.wait_dma2 semaphore(%arg13 : memref<!tpu.dma_semaphore, #tpu.memory_space<semaphore_mem>>) src(%dma_wait3A_1818 : memref<1x32xf32, #tpu.memory_space<hbm>>) dst(%dma_wait3A_1815 : memref<1x32xf32, #tpu.memory_space<vmem>>)
      %add3A_1819 = arith.constant 2 : i32
      %add3A_1820 = arith.addi %mul3A_1770, %add3A_1819 : i32
      %dma_wait3A_1821 = arith.constant 0 : i32
      %dma_wait3A_1822 = tpu.memref_slice %arg10[%add3A_1820, %dma_wait3A_1821] : memref<128x32xf32, #tpu.memory_space<vmem>> -> memref<1x32xf32, #tpu.memory_space<vmem>>
      %dma_wait3A_1823 = arith.constant 0 : i32
      %dma_wait3A_1824 = arith.constant 0 : i32
      %dma_wait3A_1825 = tpu.memref_slice %arg4[%dma_wait3A_1823, %dma_wait3A_1824] : memref<1000000x32xf32, #tpu.memory_space<hbm>> -> memref<1x32xf32, #tpu.memory_space<hbm>>
      %dma_wait3A_1826 = arith.constant 0 : i32
      %dma_wait3A_1827 = tpu.memref_slice %arg10[%add3A_1820, %dma_wait3A_1826] : memref<128x32xf32, #tpu.memory_space<vmem>> -> memref<1x32xf32, #tpu.memory_space<vmem>>
      %dma_wait3A_1828 = arith.constant 0 : i32
      %dma_wait3A_1829 = arith.constant 0 : i32
      %dma_wait3A_1830 = tpu.memref_slice %arg4[%dma_wait3A_1828, %dma_wait3A_1829] : memref<1000000x32xf32, #tpu.memory_space<hbm>> -> memref<1x32xf32, #tpu.memory_space<hbm>>
      tpu.wait_dma2 semaphore(%arg14 : memref<!tpu.dma_semaphore, #tpu.memory_space<semaphore_mem>>) src(%dma_wait3A_1830 : memref<1x32xf32, #tpu.memory_space<hbm>>) dst(%dma_wait3A_1827 : memref<1x32xf32, #tpu.memory_space<vmem>>)
      %add3A_1831 = arith.constant 2 : i32
      %add3A_1832 = arith.addi %mul3A_1770, %add3A_1831 : i32
      %dma_wait3A_1833 = arith.constant 0 : i32
      %dma_wait3A_1834 = tpu.memref_slice %arg11[%add3A_1832, %dma_wait3A_1833] : memref<128x32xf32, #tpu.memory_space<vmem>> -> memref<1x32xf32, #tpu.memory_space<vmem>>
      %dma_wait3A_1835 = arith.constant 0 : i32
      %dma_wait3A_1836 = arith.constant 0 : i32
      %dma_wait3A_1837 = tpu.memref_slice %arg5[%dma_wait3A_1835, %dma_wait3A_1836] : memref<1000000x32xf32, #tpu.memory_space<hbm>> -> memref<1x32xf32, #tpu.memory_space<hbm>>
      %dma_wait3A_1838 = arith.constant 0 : i32
      %dma_wait3A_1839 = tpu.memref_slice %arg11[%add3A_1832, %dma_wait3A_1838] : memref<128x32xf32, #tpu.memory_space<vmem>> -> memref<1x32xf32, #tpu.memory_space<vmem>>
      %dma_wait3A_1840 = arith.constant 0 : i32
      %dma_wait3A_1841 = arith.constant 0 : i32
      %dma_wait3A_1842 = tpu.memref_slice %arg5[%dma_wait3A_1840, %dma_wait3A_1841] : memref<1000000x32xf32, #tpu.memory_space<hbm>> -> memref<1x32xf32, #tpu.memory_space<hbm>>
      tpu.wait_dma2 semaphore(%arg14 : memref<!tpu.dma_semaphore, #tpu.memory_space<semaphore_mem>>) src(%dma_wait3A_1842 : memref<1x32xf32, #tpu.memory_space<hbm>>) dst(%dma_wait3A_1839 : memref<1x32xf32, #tpu.memory_space<vmem>>)
      %add3A_1843 = arith.constant 3 : i32
      %add3A_1844 = arith.addi %mul3A_1770, %add3A_1843 : i32
      %dma_wait3A_1845 = arith.constant 0 : i32
      %dma_wait3A_1846 = tpu.memref_slice %arg10[%add3A_1844, %dma_wait3A_1845] : memref<128x32xf32, #tpu.memory_space<vmem>> -> memref<1x32xf32, #tpu.memory_space<vmem>>
      %dma_wait3A_1847 = arith.constant 0 : i32
      %dma_wait3A_1848 = arith.constant 0 : i32
      %dma_wait3A_1849 = tpu.memref_slice %arg4[%dma_wait3A_1847, %dma_wait3A_1848] : memref<1000000x32xf32, #tpu.memory_space<hbm>> -> memref<1x32xf32, #tpu.memory_space<hbm>>
      %dma_wait3A_1850 = arith.constant 0 : i32
      %dma_wait3A_1851 = tpu.memref_slice %arg10[%add3A_1844, %dma_wait3A_1850] : memref<128x32xf32, #tpu.memory_space<vmem>> -> memref<1x32xf32, #tpu.memory_space<vmem>>
      %dma_wait3A_1852 = arith.constant 0 : i32
      %dma_wait3A_1853 = arith.constant 0 : i32
      %dma_wait3A_1854 = tpu.memref_slice %arg4[%dma_wait3A_1852, %dma_wait3A_1853] : memref<1000000x32xf32, #tpu.memory_space<hbm>> -> memref<1x32xf32, #tpu.memory_space<hbm>>
      tpu.wait_dma2 semaphore(%arg15 : memref<!tpu.dma_semaphore, #tpu.memory_space<semaphore_mem>>) src(%dma_wait3A_1854 : memref<1x32xf32, #tpu.memory_space<hbm>>) dst(%dma_wait3A_1851 : memref<1x32xf32, #tpu.memory_space<vmem>>)
      %add3A_1855 = arith.constant 3 : i32
      %add3A_1856 = arith.addi %mul3A_1770, %add3A_1855 : i32
      %dma_wait3A_1857 = arith.constant 0 : i32
      %dma_wait3A_1858 = tpu.memref_slice %arg11[%add3A_1856, %dma_wait3A_1857] : memref<128x32xf32, #tpu.memory_space<vmem>> -> memref<1x32xf32, #tpu.memory_space<vmem>>
      %dma_wait3A_1859 = arith.constant 0 : i32
      %dma_wait3A_1860 = arith.constant 0 : i32
      %dma_wait3A_1861 = tpu.memref_slice %arg5[%dma_wait3A_1859, %dma_wait3A_1860] : memref<1000000x32xf32, #tpu.memory_space<hbm>> -> memref<1x32xf32, #tpu.memory_space<hbm>>
      %dma_wait3A_1862 = arith.constant 0 : i32
      %dma_wait3A_1863 = tpu.memref_slice %arg11[%add3A_1856, %dma_wait3A_1862] : memref<128x32xf32, #tpu.memory_space<vmem>> -> memref<1x32xf32, #tpu.memory_space<vmem>>
      %dma_wait3A_1864 = arith.constant 0 : i32
      %dma_wait3A_1865 = arith.constant 0 : i32
      %dma_wait3A_1866 = tpu.memref_slice %arg5[%dma_wait3A_1864, %dma_wait3A_1865] : memref<1000000x32xf32, #tpu.memory_space<hbm>> -> memref<1x32xf32, #tpu.memory_space<hbm>>
      tpu.wait_dma2 semaphore(%arg15 : memref<!tpu.dma_semaphore, #tpu.memory_space<semaphore_mem>>) src(%dma_wait3A_1866 : memref<1x32xf32, #tpu.memory_space<hbm>>) dst(%dma_wait3A_1863 : memref<1x32xf32, #tpu.memory_space<vmem>>)
      %add3A_1867 = arith.constant 4 : i32
      %add3A_1868 = arith.addi %mul3A_1770, %add3A_1867 : i32
      %dma_wait3A_1869 = arith.constant 0 : i32
      %dma_wait3A_1870 = tpu.memref_slice %arg10[%add3A_1868, %dma_wait3A_1869] : memref<128x32xf32, #tpu.memory_space<vmem>> -> memref<1x32xf32, #tpu.memory_space<vmem>>
      %dma_wait3A_1871 = arith.constant 0 : i32
      %dma_wait3A_1872 = arith.constant 0 : i32
      %dma_wait3A_1873 = tpu.memref_slice %arg4[%dma_wait3A_1871, %dma_wait3A_1872] : memref<1000000x32xf32, #tpu.memory_space<hbm>> -> memref<1x32xf32, #tpu.memory_space<hbm>>
      %dma_wait3A_1874 = arith.constant 0 : i32
      %dma_wait3A_1875 = tpu.memref_slice %arg10[%add3A_1868, %dma_wait3A_1874] : memref<128x32xf32, #tpu.memory_space<vmem>> -> memref<1x32xf32, #tpu.memory_space<vmem>>
      %dma_wait3A_1876 = arith.constant 0 : i32
      %dma_wait3A_1877 = arith.constant 0 : i32
      %dma_wait3A_1878 = tpu.memref_slice %arg4[%dma_wait3A_1876, %dma_wait3A_1877] : memref<1000000x32xf32, #tpu.memory_space<hbm>> -> memref<1x32xf32, #tpu.memory_space<hbm>>
      tpu.wait_dma2 semaphore(%arg16 : memref<!tpu.dma_semaphore, #tpu.memory_space<semaphore_mem>>) src(%dma_wait3A_1878 : memref<1x32xf32, #tpu.memory_space<hbm>>) dst(%dma_wait3A_1875 : memref<1x32xf32, #tpu.memory_space<vmem>>)
      %add3A_1879 = arith.constant 4 : i32
      %add3A_1880 = arith.addi %mul3A_1770, %add3A_1879 : i32
      %dma_wait3A_1881 = arith.constant 0 : i32
      %dma_wait3A_1882 = tpu.memref_slice %arg11[%add3A_1880, %dma_wait3A_1881] : memref<128x32xf32, #tpu.memory_space<vmem>> -> memref<1x32xf32, #tpu.memory_space<vmem>>
      %dma_wait3A_1883 = arith.constant 0 : i32
      %dma_wait3A_1884 = arith.constant 0 : i32
      %dma_wait3A_1885 = tpu.memref_slice %arg5[%dma_wait3A_1883, %dma_wait3A_1884] : memref<1000000x32xf32, #tpu.memory_space<hbm>> -> memref<1x32xf32, #tpu.memory_space<hbm>>
      %dma_wait3A_1886 = arith.constant 0 : i32
      %dma_wait3A_1887 = tpu.memref_slice %arg11[%add3A_1880, %dma_wait3A_1886] : memref<128x32xf32, #tpu.memory_space<vmem>> -> memref<1x32xf32, #tpu.memory_space<vmem>>
      %dma_wait3A_1888 = arith.constant 0 : i32
      %dma_wait3A_1889 = arith.constant 0 : i32
      %dma_wait3A_1890 = tpu.memref_slice %arg5[%dma_wait3A_1888, %dma_wait3A_1889] : memref<1000000x32xf32, #tpu.memory_space<hbm>> -> memref<1x32xf32, #tpu.memory_space<hbm>>
      tpu.wait_dma2 semaphore(%arg16 : memref<!tpu.dma_semaphore, #tpu.memory_space<semaphore_mem>>) src(%dma_wait3A_1890 : memref<1x32xf32, #tpu.memory_space<hbm>>) dst(%dma_wait3A_1887 : memref<1x32xf32, #tpu.memory_space<vmem>>)
      %add3A_1891 = arith.constant 5 : i32
      %add3A_1892 = arith.addi %mul3A_1770, %add3A_1891 : i32
      %dma_wait3A_1893 = arith.constant 0 : i32
      %dma_wait3A_1894 = tpu.memref_slice %arg10[%add3A_1892, %dma_wait3A_1893] : memref<128x32xf32, #tpu.memory_space<vmem>> -> memref<1x32xf32, #tpu.memory_space<vmem>>
      %dma_wait3A_1895 = arith.constant 0 : i32
      %dma_wait3A_1896 = arith.constant 0 : i32
      %dma_wait3A_1897 = tpu.memref_slice %arg4[%dma_wait3A_1895, %dma_wait3A_1896] : memref<1000000x32xf32, #tpu.memory_space<hbm>> -> memref<1x32xf32, #tpu.memory_space<hbm>>
      %dma_wait3A_1898 = arith.constant 0 : i32
      %dma_wait3A_1899 = tpu.memref_slice %arg10[%add3A_1892, %dma_wait3A_1898] : memref<128x32xf32, #tpu.memory_space<vmem>> -> memref<1x32xf32, #tpu.memory_space<vmem>>
      %dma_wait3A_1900 = arith.constant 0 : i32
      %dma_wait3A_1901 = arith.constant 0 : i32
      %dma_wait3A_1902 = tpu.memref_slice %arg4[%dma_wait3A_1900, %dma_wait3A_1901] : memref<1000000x32xf32, #tpu.memory_space<hbm>> -> memref<1x32xf32, #tpu.memory_space<hbm>>
      tpu.wait_dma2 semaphore(%arg17 : memref<!tpu.dma_semaphore, #tpu.memory_space<semaphore_mem>>) src(%dma_wait3A_1902 : memref<1x32xf32, #tpu.memory_space<hbm>>) dst(%dma_wait3A_1899 : memref<1x32xf32, #tpu.memory_space<vmem>>)
      %add3A_1903 = arith.constant 5 : i32
      %add3A_1904 = arith.addi %mul3A_1770, %add3A_1903 : i32
      %dma_wait3A_1905 = arith.constant 0 : i32
      %dma_wait3A_1906 = tpu.memref_slice %arg11[%add3A_1904, %dma_wait3A_1905] : memref<128x32xf32, #tpu.memory_space<vmem>> -> memref<1x32xf32, #tpu.memory_space<vmem>>
      %dma_wait3A_1907 = arith.constant 0 : i32
      %dma_wait3A_1908 = arith.constant 0 : i32
      %dma_wait3A_1909 = tpu.memref_slice %arg5[%dma_wait3A_1907, %dma_wait3A_1908] : memref<1000000x32xf32, #tpu.memory_space<hbm>> -> memref<1x32xf32, #tpu.memory_space<hbm>>
      %dma_wait3A_1910 = arith.constant 0 : i32
      %dma_wait3A_1911 = tpu.memref_slice %arg11[%add3A_1904, %dma_wait3A_1910] : memref<128x32xf32, #tpu.memory_space<vmem>> -> memref<1x32xf32, #tpu.memory_space<vmem>>
      %dma_wait3A_1912 = arith.constant 0 : i32
      %dma_wait3A_1913 = arith.constant 0 : i32
      %dma_wait3A_1914 = tpu.memref_slice %arg5[%dma_wait3A_1912, %dma_wait3A_1913] : memref<1000000x32xf32, #tpu.memory_space<hbm>> -> memref<1x32xf32, #tpu.memory_space<hbm>>
      tpu.wait_dma2 semaphore(%arg17 : memref<!tpu.dma_semaphore, #tpu.memory_space<semaphore_mem>>) src(%dma_wait3A_1914 : memref<1x32xf32, #tpu.memory_space<hbm>>) dst(%dma_wait3A_1911 : memref<1x32xf32, #tpu.memory_space<vmem>>)
      %add3A_1915 = arith.constant 6 : i32
      %add3A_1916 = arith.addi %mul3A_1770, %add3A_1915 : i32
      %dma_wait3A_1917 = arith.constant 0 : i32
      %dma_wait3A_1918 = tpu.memref_slice %arg10[%add3A_1916, %dma_wait3A_1917] : memref<128x32xf32, #tpu.memory_space<vmem>> -> memref<1x32xf32, #tpu.memory_space<vmem>>
      %dma_wait3A_1919 = arith.constant 0 : i32
      %dma_wait3A_1920 = arith.constant 0 : i32
      %dma_wait3A_1921 = tpu.memref_slice %arg4[%dma_wait3A_1919, %dma_wait3A_1920] : memref<1000000x32xf32, #tpu.memory_space<hbm>> -> memref<1x32xf32, #tpu.memory_space<hbm>>
      %dma_wait3A_1922 = arith.constant 0 : i32
      %dma_wait3A_1923 = tpu.memref_slice %arg10[%add3A_1916, %dma_wait3A_1922] : memref<128x32xf32, #tpu.memory_space<vmem>> -> memref<1x32xf32, #tpu.memory_space<vmem>>
      %dma_wait3A_1924 = arith.constant 0 : i32
      %dma_wait3A_1925 = arith.constant 0 : i32
      %dma_wait3A_1926 = tpu.memref_slice %arg4[%dma_wait3A_1924, %dma_wait3A_1925] : memref<1000000x32xf32, #tpu.memory_space<hbm>> -> memref<1x32xf32, #tpu.memory_space<hbm>>
      tpu.wait_dma2 semaphore(%arg18 : memref<!tpu.dma_semaphore, #tpu.memory_space<semaphore_mem>>) src(%dma_wait3A_1926 : memref<1x32xf32, #tpu.memory_space<hbm>>) dst(%dma_wait3A_1923 : memref<1x32xf32, #tpu.memory_space<vmem>>)
      %add3A_1927 = arith.constant 6 : i32
      %add3A_1928 = arith.addi %mul3A_1770, %add3A_1927 : i32
      %dma_wait3A_1929 = arith.constant 0 : i32
      %dma_wait3A_1930 = tpu.memref_slice %arg11[%add3A_1928, %dma_wait3A_1929] : memref<128x32xf32, #tpu.memory_space<vmem>> -> memref<1x32xf32, #tpu.memory_space<vmem>>
      %dma_wait3A_1931 = arith.constant 0 : i32
      %dma_wait3A_1932 = arith.constant 0 : i32
      %dma_wait3A_1933 = tpu.memref_slice %arg5[%dma_wait3A_1931, %dma_wait3A_1932] : memref<1000000x32xf32, #tpu.memory_space<hbm>> -> memref<1x32xf32, #tpu.memory_space<hbm>>
      %dma_wait3A_1934 = arith.constant 0 : i32
      %dma_wait3A_1935 = tpu.memref_slice %arg11[%add3A_1928, %dma_wait3A_1934] : memref<128x32xf32, #tpu.memory_space<vmem>> -> memref<1x32xf32, #tpu.memory_space<vmem>>
      %dma_wait3A_1936 = arith.constant 0 : i32
      %dma_wait3A_1937 = arith.constant 0 : i32
      %dma_wait3A_1938 = tpu.memref_slice %arg5[%dma_wait3A_1936, %dma_wait3A_1937] : memref<1000000x32xf32, #tpu.memory_space<hbm>> -> memref<1x32xf32, #tpu.memory_space<hbm>>
      tpu.wait_dma2 semaphore(%arg18 : memref<!tpu.dma_semaphore, #tpu.memory_space<semaphore_mem>>) src(%dma_wait3A_1938 : memref<1x32xf32, #tpu.memory_space<hbm>>) dst(%dma_wait3A_1935 : memref<1x32xf32, #tpu.memory_space<vmem>>)
      %add3A_1939 = arith.constant 7 : i32
      %add3A_1940 = arith.addi %mul3A_1770, %add3A_1939 : i32
      %dma_wait3A_1941 = arith.constant 0 : i32
      %dma_wait3A_1942 = tpu.memref_slice %arg10[%add3A_1940, %dma_wait3A_1941] : memref<128x32xf32, #tpu.memory_space<vmem>> -> memref<1x32xf32, #tpu.memory_space<vmem>>
      %dma_wait3A_1943 = arith.constant 0 : i32
      %dma_wait3A_1944 = arith.constant 0 : i32
      %dma_wait3A_1945 = tpu.memref_slice %arg4[%dma_wait3A_1943, %dma_wait3A_1944] : memref<1000000x32xf32, #tpu.memory_space<hbm>> -> memref<1x32xf32, #tpu.memory_space<hbm>>
      %dma_wait3A_1946 = arith.constant 0 : i32
      %dma_wait3A_1947 = tpu.memref_slice %arg10[%add3A_1940, %dma_wait3A_1946] : memref<128x32xf32, #tpu.memory_space<vmem>> -> memref<1x32xf32, #tpu.memory_space<vmem>>
      %dma_wait3A_1948 = arith.constant 0 : i32
      %dma_wait3A_1949 = arith.constant 0 : i32
      %dma_wait3A_1950 = tpu.memref_slice %arg4[%dma_wait3A_1948, %dma_wait3A_1949] : memref<1000000x32xf32, #tpu.memory_space<hbm>> -> memref<1x32xf32, #tpu.memory_space<hbm>>
      tpu.wait_dma2 semaphore(%arg19 : memref<!tpu.dma_semaphore, #tpu.memory_space<semaphore_mem>>) src(%dma_wait3A_1950 : memref<1x32xf32, #tpu.memory_space<hbm>>) dst(%dma_wait3A_1947 : memref<1x32xf32, #tpu.memory_space<vmem>>)
      %add3A_1951 = arith.constant 7 : i32
      %add3A_1952 = arith.addi %mul3A_1770, %add3A_1951 : i32
      %dma_wait3A_1953 = arith.constant 0 : i32
      %dma_wait3A_1954 = tpu.memref_slice %arg11[%add3A_1952, %dma_wait3A_1953] : memref<128x32xf32, #tpu.memory_space<vmem>> -> memref<1x32xf32, #tpu.memory_space<vmem>>
      %dma_wait3A_1955 = arith.constant 0 : i32
      %dma_wait3A_1956 = arith.constant 0 : i32
      %dma_wait3A_1957 = tpu.memref_slice %arg5[%dma_wait3A_1955, %dma_wait3A_1956] : memref<1000000x32xf32, #tpu.memory_space<hbm>> -> memref<1x32xf32, #tpu.memory_space<hbm>>
      %dma_wait3A_1958 = arith.constant 0 : i32
      %dma_wait3A_1959 = tpu.memref_slice %arg11[%add3A_1952, %dma_wait3A_1958] : memref<128x32xf32, #tpu.memory_space<vmem>> -> memref<1x32xf32, #tpu.memory_space<vmem>>
      %dma_wait3A_1960 = arith.constant 0 : i32
      %dma_wait3A_1961 = arith.constant 0 : i32
      %dma_wait3A_1962 = tpu.memref_slice %arg5[%dma_wait3A_1960, %dma_wait3A_1961] : memref<1000000x32xf32, #tpu.memory_space<hbm>> -> memref<1x32xf32, #tpu.memory_space<hbm>>
      tpu.wait_dma2 semaphore(%arg19 : memref<!tpu.dma_semaphore, #tpu.memory_space<semaphore_mem>>) src(%dma_wait3A_1962 : memref<1x32xf32, #tpu.memory_space<hbm>>) dst(%dma_wait3A_1959 : memref<1x32xf32, #tpu.memory_space<vmem>>)
      %scan3A_1963 = arith.constant 0 : i32
      scf.yield %scan3A_1963 : i32
    }
    %scan3A_798 = arith.constant 12 : i32
    %dma_wait3A = arith.constant 96 : i32
    %dma_wait3A_799 = arith.constant 0 : i32
    %dma_wait3A_800 = tpu.memref_slice %arg10[%dma_wait3A, %dma_wait3A_799] : memref<128x32xf32, #tpu.memory_space<vmem>> -> memref<1x32xf32, #tpu.memory_space<vmem>>
    %dma_wait3A_801 = arith.constant 0 : i32
    %dma_wait3A_802 = arith.constant 0 : i32
    %dma_wait3A_803 = tpu.memref_slice %arg4[%dma_wait3A_801, %dma_wait3A_802] : memref<1000000x32xf32, #tpu.memory_space<hbm>> -> memref<1x32xf32, #tpu.memory_space<hbm>>
    %dma_wait3A_804 = arith.constant 96 : i32
    %dma_wait3A_805 = arith.constant 0 : i32
    %dma_wait3A_806 = tpu.memref_slice %arg10[%dma_wait3A_804, %dma_wait3A_805] : memref<128x32xf32, #tpu.memory_space<vmem>> -> memref<1x32xf32, #tpu.memory_space<vmem>>
    %dma_wait3A_807 = arith.constant 0 : i32
    %dma_wait3A_808 = arith.constant 0 : i32
    %dma_wait3A_809 = tpu.memref_slice %arg4[%dma_wait3A_807, %dma_wait3A_808] : memref<1000000x32xf32, #tpu.memory_space<hbm>> -> memref<1x32xf32, #tpu.memory_space<hbm>>
    tpu.wait_dma2 semaphore(%arg12 : memref<!tpu.dma_semaphore, #tpu.memory_space<semaphore_mem>>) src(%dma_wait3A_809 : memref<1x32xf32, #tpu.memory_space<hbm>>) dst(%dma_wait3A_806 : memref<1x32xf32, #tpu.memory_space<vmem>>)
    %dma_wait3A_810 = arith.constant 96 : i32
    %dma_wait3A_811 = arith.constant 0 : i32
    %dma_wait3A_812 = tpu.memref_slice %arg11[%dma_wait3A_810, %dma_wait3A_811] : memref<128x32xf32, #tpu.memory_space<vmem>> -> memref<1x32xf32, #tpu.memory_space<vmem>>
    %dma_wait3A_813 = arith.constant 0 : i32
    %dma_wait3A_814 = arith.constant 0 : i32
    %dma_wait3A_815 = tpu.memref_slice %arg5[%dma_wait3A_813, %dma_wait3A_814] : memref<1000000x32xf32, #tpu.memory_space<hbm>> -> memref<1x32xf32, #tpu.memory_space<hbm>>
    %dma_wait3A_816 = arith.constant 96 : i32
    %dma_wait3A_817 = arith.constant 0 : i32
    %dma_wait3A_818 = tpu.memref_slice %arg11[%dma_wait3A_816, %dma_wait3A_817] : memref<128x32xf32, #tpu.memory_space<vmem>> -> memref<1x32xf32, #tpu.memory_space<vmem>>
    %dma_wait3A_819 = arith.constant 0 : i32
    %dma_wait3A_820 = arith.constant 0 : i32
    %dma_wait3A_821 = tpu.memref_slice %arg5[%dma_wait3A_819, %dma_wait3A_820] : memref<1000000x32xf32, #tpu.memory_space<hbm>> -> memref<1x32xf32, #tpu.memory_space<hbm>>
    tpu.wait_dma2 semaphore(%arg12 : memref<!tpu.dma_semaphore, #tpu.memory_space<semaphore_mem>>) src(%dma_wait3A_821 : memref<1x32xf32, #tpu.memory_space<hbm>>) dst(%dma_wait3A_818 : memref<1x32xf32, #tpu.memory_space<vmem>>)
    %dma_wait3A_822 = arith.constant 97 : i32
    %dma_wait3A_823 = arith.constant 0 : i32
    %dma_wait3A_824 = tpu.memref_slice %arg10[%dma_wait3A_822, %dma_wait3A_823] : memref<128x32xf32, #tpu.memory_space<vmem>> -> memref<1x32xf32, #tpu.memory_space<vmem>>
    %dma_wait3A_825 = arith.constant 0 : i32
    %dma_wait3A_826 = arith.constant 0 : i32
    %dma_wait3A_827 = tpu.memref_slice %arg4[%dma_wait3A_825, %dma_wait3A_826] : memref<1000000x32xf32, #tpu.memory_space<hbm>> -> memref<1x32xf32, #tpu.memory_space<hbm>>
    %dma_wait3A_828 = arith.constant 97 : i32
    %dma_wait3A_829 = arith.constant 0 : i32
    %dma_wait3A_830 = tpu.memref_slice %arg10[%dma_wait3A_828, %dma_wait3A_829] : memref<128x32xf32, #tpu.memory_space<vmem>> -> memref<1x32xf32, #tpu.memory_space<vmem>>
    %dma_wait3A_831 = arith.constant 0 : i32
    %dma_wait3A_832 = arith.constant 0 : i32
    %dma_wait3A_833 = tpu.memref_slice %arg4[%dma_wait3A_831, %dma_wait3A_832] : memref<1000000x32xf32, #tpu.memory_space<hbm>> -> memref<1x32xf32, #tpu.memory_space<hbm>>
    tpu.wait_dma2 semaphore(%arg13 : memref<!tpu.dma_semaphore, #tpu.memory_space<semaphore_mem>>) src(%dma_wait3A_833 : memref<1x32xf32, #tpu.memory_space<hbm>>) dst(%dma_wait3A_830 : memref<1x32xf32, #tpu.memory_space<vmem>>)
    %dma_wait3A_834 = arith.constant 97 : i32
    %dma_wait3A_835 = arith.constant 0 : i32
    %dma_wait3A_836 = tpu.memref_slice %arg11[%dma_wait3A_834, %dma_wait3A_835] : memref<128x32xf32, #tpu.memory_space<vmem>> -> memref<1x32xf32, #tpu.memory_space<vmem>>
    %dma_wait3A_837 = arith.constant 0 : i32
    %dma_wait3A_838 = arith.constant 0 : i32
    %dma_wait3A_839 = tpu.memref_slice %arg5[%dma_wait3A_837, %dma_wait3A_838] : memref<1000000x32xf32, #tpu.memory_space<hbm>> -> memref<1x32xf32, #tpu.memory_space<hbm>>
    %dma_wait3A_840 = arith.constant 97 : i32
    %dma_wait3A_841 = arith.constant 0 : i32
    %dma_wait3A_842 = tpu.memref_slice %arg11[%dma_wait3A_840, %dma_wait3A_841] : memref<128x32xf32, #tpu.memory_space<vmem>> -> memref<1x32xf32, #tpu.memory_space<vmem>>
    %dma_wait3A_843 = arith.constant 0 : i32
    %dma_wait3A_844 = arith.constant 0 : i32
    %dma_wait3A_845 = tpu.memref_slice %arg5[%dma_wait3A_843, %dma_wait3A_844] : memref<1000000x32xf32, #tpu.memory_space<hbm>> -> memref<1x32xf32, #tpu.memory_space<hbm>>
    tpu.wait_dma2 semaphore(%arg13 : memref<!tpu.dma_semaphore, #tpu.memory_space<semaphore_mem>>) src(%dma_wait3A_845 : memref<1x32xf32, #tpu.memory_space<hbm>>) dst(%dma_wait3A_842 : memref<1x32xf32, #tpu.memory_space<vmem>>)
    %dma_wait3A_846 = arith.constant 98 : i32
    %dma_wait3A_847 = arith.constant 0 : i32
    %dma_wait3A_848 = tpu.memref_slice %arg10[%dma_wait3A_846, %dma_wait3A_847] : memref<128x32xf32, #tpu.memory_space<vmem>> -> memref<1x32xf32, #tpu.memory_space<vmem>>
    %dma_wait3A_849 = arith.constant 0 : i32
    %dma_wait3A_850 = arith.constant 0 : i32
    %dma_wait3A_851 = tpu.memref_slice %arg4[%dma_wait3A_849, %dma_wait3A_850] : memref<1000000x32xf32, #tpu.memory_space<hbm>> -> memref<1x32xf32, #tpu.memory_space<hbm>>
    %dma_wait3A_852 = arith.constant 98 : i32
    %dma_wait3A_853 = arith.constant 0 : i32
    %dma_wait3A_854 = tpu.memref_slice %arg10[%dma_wait3A_852, %dma_wait3A_853] : memref<128x32xf32, #tpu.memory_space<vmem>> -> memref<1x32xf32, #tpu.memory_space<vmem>>
    %dma_wait3A_855 = arith.constant 0 : i32
    %dma_wait3A_856 = arith.constant 0 : i32
    %dma_wait3A_857 = tpu.memref_slice %arg4[%dma_wait3A_855, %dma_wait3A_856] : memref<1000000x32xf32, #tpu.memory_space<hbm>> -> memref<1x32xf32, #tpu.memory_space<hbm>>
    tpu.wait_dma2 semaphore(%arg14 : memref<!tpu.dma_semaphore, #tpu.memory_space<semaphore_mem>>) src(%dma_wait3A_857 : memref<1x32xf32, #tpu.memory_space<hbm>>) dst(%dma_wait3A_854 : memref<1x32xf32, #tpu.memory_space<vmem>>)
    %dma_wait3A_858 = arith.constant 98 : i32
    %dma_wait3A_859 = arith.constant 0 : i32
    %dma_wait3A_860 = tpu.memref_slice %arg11[%dma_wait3A_858, %dma_wait3A_859] : memref<128x32xf32, #tpu.memory_space<vmem>> -> memref<1x32xf32, #tpu.memory_space<vmem>>
    %dma_wait3A_861 = arith.constant 0 : i32
    %dma_wait3A_862 = arith.constant 0 : i32
    %dma_wait3A_863 = tpu.memref_slice %arg5[%dma_wait3A_861, %dma_wait3A_862] : memref<1000000x32xf32, #tpu.memory_space<hbm>> -> memref<1x32xf32, #tpu.memory_space<hbm>>
    %dma_wait3A_864 = arith.constant 98 : i32
    %dma_wait3A_865 = arith.constant 0 : i32
    %dma_wait3A_866 = tpu.memref_slice %arg11[%dma_wait3A_864, %dma_wait3A_865] : memref<128x32xf32, #tpu.memory_space<vmem>> -> memref<1x32xf32, #tpu.memory_space<vmem>>
    %dma_wait3A_867 = arith.constant 0 : i32
    %dma_wait3A_868 = arith.constant 0 : i32
    %dma_wait3A_869 = tpu.memref_slice %arg5[%dma_wait3A_867, %dma_wait3A_868] : memref<1000000x32xf32, #tpu.memory_space<hbm>> -> memref<1x32xf32, #tpu.memory_space<hbm>>
    tpu.wait_dma2 semaphore(%arg14 : memref<!tpu.dma_semaphore, #tpu.memory_space<semaphore_mem>>) src(%dma_wait3A_869 : memref<1x32xf32, #tpu.memory_space<hbm>>) dst(%dma_wait3A_866 : memref<1x32xf32, #tpu.memory_space<vmem>>)
    %dma_wait3A_870 = arith.constant 99 : i32
    %dma_wait3A_871 = arith.constant 0 : i32
    %dma_wait3A_872 = tpu.memref_slice %arg10[%dma_wait3A_870, %dma_wait3A_871] : memref<128x32xf32, #tpu.memory_space<vmem>> -> memref<1x32xf32, #tpu.memory_space<vmem>>
    %dma_wait3A_873 = arith.constant 0 : i32
    %dma_wait3A_874 = arith.constant 0 : i32
    %dma_wait3A_875 = tpu.memref_slice %arg4[%dma_wait3A_873, %dma_wait3A_874] : memref<1000000x32xf32, #tpu.memory_space<hbm>> -> memref<1x32xf32, #tpu.memory_space<hbm>>
    %dma_wait3A_876 = arith.constant 99 : i32
    %dma_wait3A_877 = arith.constant 0 : i32
    %dma_wait3A_878 = tpu.memref_slice %arg10[%dma_wait3A_876, %dma_wait3A_877] : memref<128x32xf32, #tpu.memory_space<vmem>> -> memref<1x32xf32, #tpu.memory_space<vmem>>
    %dma_wait3A_879 = arith.constant 0 : i32
    %dma_wait3A_880 = arith.constant 0 : i32
    %dma_wait3A_881 = tpu.memref_slice %arg4[%dma_wait3A_879, %dma_wait3A_880] : memref<1000000x32xf32, #tpu.memory_space<hbm>> -> memref<1x32xf32, #tpu.memory_space<hbm>>
    tpu.wait_dma2 semaphore(%arg15 : memref<!tpu.dma_semaphore, #tpu.memory_space<semaphore_mem>>) src(%dma_wait3A_881 : memref<1x32xf32, #tpu.memory_space<hbm>>) dst(%dma_wait3A_878 : memref<1x32xf32, #tpu.memory_space<vmem>>)
    %dma_wait3A_882 = arith.constant 99 : i32
    %dma_wait3A_883 = arith.constant 0 : i32
    %dma_wait3A_884 = tpu.memref_slice %arg11[%dma_wait3A_882, %dma_wait3A_883] : memref<128x32xf32, #tpu.memory_space<vmem>> -> memref<1x32xf32, #tpu.memory_space<vmem>>
    %dma_wait3A_885 = arith.constant 0 : i32
    %dma_wait3A_886 = arith.constant 0 : i32
    %dma_wait3A_887 = tpu.memref_slice %arg5[%dma_wait3A_885, %dma_wait3A_886] : memref<1000000x32xf32, #tpu.memory_space<hbm>> -> memref<1x32xf32, #tpu.memory_space<hbm>>
    %dma_wait3A_888 = arith.constant 99 : i32
    %dma_wait3A_889 = arith.constant 0 : i32
    %dma_wait3A_890 = tpu.memref_slice %arg11[%dma_wait3A_888, %dma_wait3A_889] : memref<128x32xf32, #tpu.memory_space<vmem>> -> memref<1x32xf32, #tpu.memory_space<vmem>>
    %dma_wait3A_891 = arith.constant 0 : i32
    %dma_wait3A_892 = arith.constant 0 : i32
    %dma_wait3A_893 = tpu.memref_slice %arg5[%dma_wait3A_891, %dma_wait3A_892] : memref<1000000x32xf32, #tpu.memory_space<hbm>> -> memref<1x32xf32, #tpu.memory_space<hbm>>
    tpu.wait_dma2 semaphore(%arg15 : memref<!tpu.dma_semaphore, #tpu.memory_space<semaphore_mem>>) src(%dma_wait3A_893 : memref<1x32xf32, #tpu.memory_space<hbm>>) dst(%dma_wait3A_890 : memref<1x32xf32, #tpu.memory_space<vmem>>)
    %dma_wait3A_894 = arith.constant 100 : i32
    %dma_wait3A_895 = arith.constant 0 : i32
    %dma_wait3A_896 = tpu.memref_slice %arg10[%dma_wait3A_894, %dma_wait3A_895] : memref<128x32xf32, #tpu.memory_space<vmem>> -> memref<1x32xf32, #tpu.memory_space<vmem>>
    %dma_wait3A_897 = arith.constant 0 : i32
    %dma_wait3A_898 = arith.constant 0 : i32
    %dma_wait3A_899 = tpu.memref_slice %arg4[%dma_wait3A_897, %dma_wait3A_898] : memref<1000000x32xf32, #tpu.memory_space<hbm>> -> memref<1x32xf32, #tpu.memory_space<hbm>>
    %dma_wait3A_900 = arith.constant 100 : i32
    %dma_wait3A_901 = arith.constant 0 : i32
    %dma_wait3A_902 = tpu.memref_slice %arg10[%dma_wait3A_900, %dma_wait3A_901] : memref<128x32xf32, #tpu.memory_space<vmem>> -> memref<1x32xf32, #tpu.memory_space<vmem>>
    %dma_wait3A_903 = arith.constant 0 : i32
    %dma_wait3A_904 = arith.constant 0 : i32
    %dma_wait3A_905 = tpu.memref_slice %arg4[%dma_wait3A_903, %dma_wait3A_904] : memref<1000000x32xf32, #tpu.memory_space<hbm>> -> memref<1x32xf32, #tpu.memory_space<hbm>>
    tpu.wait_dma2 semaphore(%arg16 : memref<!tpu.dma_semaphore, #tpu.memory_space<semaphore_mem>>) src(%dma_wait3A_905 : memref<1x32xf32, #tpu.memory_space<hbm>>) dst(%dma_wait3A_902 : memref<1x32xf32, #tpu.memory_space<vmem>>)
    %dma_wait3A_906 = arith.constant 100 : i32
    %dma_wait3A_907 = arith.constant 0 : i32
    %dma_wait3A_908 = tpu.memref_slice %arg11[%dma_wait3A_906, %dma_wait3A_907] : memref<128x32xf32, #tpu.memory_space<vmem>> -> memref<1x32xf32, #tpu.memory_space<vmem>>
    %dma_wait3A_909 = arith.constant 0 : i32
    %dma_wait3A_910 = arith.constant 0 : i32
    %dma_wait3A_911 = tpu.memref_slice %arg5[%dma_wait3A_909, %dma_wait3A_910] : memref<1000000x32xf32, #tpu.memory_space<hbm>> -> memref<1x32xf32, #tpu.memory_space<hbm>>
    %dma_wait3A_912 = arith.constant 100 : i32
    %dma_wait3A_913 = arith.constant 0 : i32
    %dma_wait3A_914 = tpu.memref_slice %arg11[%dma_wait3A_912, %dma_wait3A_913] : memref<128x32xf32, #tpu.memory_space<vmem>> -> memref<1x32xf32, #tpu.memory_space<vmem>>
    %dma_wait3A_915 = arith.constant 0 : i32
    %dma_wait3A_916 = arith.constant 0 : i32
    %dma_wait3A_917 = tpu.memref_slice %arg5[%dma_wait3A_915, %dma_wait3A_916] : memref<1000000x32xf32, #tpu.memory_space<hbm>> -> memref<1x32xf32, #tpu.memory_space<hbm>>
    tpu.wait_dma2 semaphore(%arg16 : memref<!tpu.dma_semaphore, #tpu.memory_space<semaphore_mem>>) src(%dma_wait3A_917 : memref<1x32xf32, #tpu.memory_space<hbm>>) dst(%dma_wait3A_914 : memref<1x32xf32, #tpu.memory_space<vmem>>)
    %dma_wait3A_918 = arith.constant 101 : i32
    %dma_wait3A_919 = arith.constant 0 : i32
    %dma_wait3A_920 = tpu.memref_slice %arg10[%dma_wait3A_918, %dma_wait3A_919] : memref<128x32xf32, #tpu.memory_space<vmem>> -> memref<1x32xf32, #tpu.memory_space<vmem>>
    %dma_wait3A_921 = arith.constant 0 : i32
    %dma_wait3A_922 = arith.constant 0 : i32
    %dma_wait3A_923 = tpu.memref_slice %arg4[%dma_wait3A_921, %dma_wait3A_922] : memref<1000000x32xf32, #tpu.memory_space<hbm>> -> memref<1x32xf32, #tpu.memory_space<hbm>>
    %dma_wait3A_924 = arith.constant 101 : i32
    %dma_wait3A_925 = arith.constant 0 : i32
    %dma_wait3A_926 = tpu.memref_slice %arg10[%dma_wait3A_924, %dma_wait3A_925] : memref<128x32xf32, #tpu.memory_space<vmem>> -> memref<1x32xf32, #tpu.memory_space<vmem>>
    %dma_wait3A_927 = arith.constant 0 : i32
    %dma_wait3A_928 = arith.constant 0 : i32
    %dma_wait3A_929 = tpu.memref_slice %arg4[%dma_wait3A_927, %dma_wait3A_928] : memref<1000000x32xf32, #tpu.memory_space<hbm>> -> memref<1x32xf32, #tpu.memory_space<hbm>>
    tpu.wait_dma2 semaphore(%arg17 : memref<!tpu.dma_semaphore, #tpu.memory_space<semaphore_mem>>) src(%dma_wait3A_929 : memref<1x32xf32, #tpu.memory_space<hbm>>) dst(%dma_wait3A_926 : memref<1x32xf32, #tpu.memory_space<vmem>>)
    %dma_wait3A_930 = arith.constant 101 : i32
    %dma_wait3A_931 = arith.constant 0 : i32
    %dma_wait3A_932 = tpu.memref_slice %arg11[%dma_wait3A_930, %dma_wait3A_931] : memref<128x32xf32, #tpu.memory_space<vmem>> -> memref<1x32xf32, #tpu.memory_space<vmem>>
    %dma_wait3A_933 = arith.constant 0 : i32
    %dma_wait3A_934 = arith.constant 0 : i32
    %dma_wait3A_935 = tpu.memref_slice %arg5[%dma_wait3A_933, %dma_wait3A_934] : memref<1000000x32xf32, #tpu.memory_space<hbm>> -> memref<1x32xf32, #tpu.memory_space<hbm>>
    %dma_wait3A_936 = arith.constant 101 : i32
    %dma_wait3A_937 = arith.constant 0 : i32
    %dma_wait3A_938 = tpu.memref_slice %arg11[%dma_wait3A_936, %dma_wait3A_937] : memref<128x32xf32, #tpu.memory_space<vmem>> -> memref<1x32xf32, #tpu.memory_space<vmem>>
    %dma_wait3A_939 = arith.constant 0 : i32
    %dma_wait3A_940 = arith.constant 0 : i32
    %dma_wait3A_941 = tpu.memref_slice %arg5[%dma_wait3A_939, %dma_wait3A_940] : memref<1000000x32xf32, #tpu.memory_space<hbm>> -> memref<1x32xf32, #tpu.memory_space<hbm>>
    tpu.wait_dma2 semaphore(%arg17 : memref<!tpu.dma_semaphore, #tpu.memory_space<semaphore_mem>>) src(%dma_wait3A_941 : memref<1x32xf32, #tpu.memory_space<hbm>>) dst(%dma_wait3A_938 : memref<1x32xf32, #tpu.memory_space<vmem>>)
    %dma_wait3A_942 = arith.constant 102 : i32
    %dma_wait3A_943 = arith.constant 0 : i32
    %dma_wait3A_944 = tpu.memref_slice %arg10[%dma_wait3A_942, %dma_wait3A_943] : memref<128x32xf32, #tpu.memory_space<vmem>> -> memref<1x32xf32, #tpu.memory_space<vmem>>
    %dma_wait3A_945 = arith.constant 0 : i32
    %dma_wait3A_946 = arith.constant 0 : i32
    %dma_wait3A_947 = tpu.memref_slice %arg4[%dma_wait3A_945, %dma_wait3A_946] : memref<1000000x32xf32, #tpu.memory_space<hbm>> -> memref<1x32xf32, #tpu.memory_space<hbm>>
    %dma_wait3A_948 = arith.constant 102 : i32
    %dma_wait3A_949 = arith.constant 0 : i32
    %dma_wait3A_950 = tpu.memref_slice %arg10[%dma_wait3A_948, %dma_wait3A_949] : memref<128x32xf32, #tpu.memory_space<vmem>> -> memref<1x32xf32, #tpu.memory_space<vmem>>
    %dma_wait3A_951 = arith.constant 0 : i32
    %dma_wait3A_952 = arith.constant 0 : i32
    %dma_wait3A_953 = tpu.memref_slice %arg4[%dma_wait3A_951, %dma_wait3A_952] : memref<1000000x32xf32, #tpu.memory_space<hbm>> -> memref<1x32xf32, #tpu.memory_space<hbm>>
    tpu.wait_dma2 semaphore(%arg18 : memref<!tpu.dma_semaphore, #tpu.memory_space<semaphore_mem>>) src(%dma_wait3A_953 : memref<1x32xf32, #tpu.memory_space<hbm>>) dst(%dma_wait3A_950 : memref<1x32xf32, #tpu.memory_space<vmem>>)
    %dma_wait3A_954 = arith.constant 102 : i32
    %dma_wait3A_955 = arith.constant 0 : i32
    %dma_wait3A_956 = tpu.memref_slice %arg11[%dma_wait3A_954, %dma_wait3A_955] : memref<128x32xf32, #tpu.memory_space<vmem>> -> memref<1x32xf32, #tpu.memory_space<vmem>>
    %dma_wait3A_957 = arith.constant 0 : i32
    %dma_wait3A_958 = arith.constant 0 : i32
    %dma_wait3A_959 = tpu.memref_slice %arg5[%dma_wait3A_957, %dma_wait3A_958] : memref<1000000x32xf32, #tpu.memory_space<hbm>> -> memref<1x32xf32, #tpu.memory_space<hbm>>
    %dma_wait3A_960 = arith.constant 102 : i32
    %dma_wait3A_961 = arith.constant 0 : i32
    %dma_wait3A_962 = tpu.memref_slice %arg11[%dma_wait3A_960, %dma_wait3A_961] : memref<128x32xf32, #tpu.memory_space<vmem>> -> memref<1x32xf32, #tpu.memory_space<vmem>>
    %dma_wait3A_963 = arith.constant 0 : i32
    %dma_wait3A_964 = arith.constant 0 : i32
    %dma_wait3A_965 = tpu.memref_slice %arg5[%dma_wait3A_963, %dma_wait3A_964] : memref<1000000x32xf32, #tpu.memory_space<hbm>> -> memref<1x32xf32, #tpu.memory_space<hbm>>
    tpu.wait_dma2 semaphore(%arg18 : memref<!tpu.dma_semaphore, #tpu.memory_space<semaphore_mem>>) src(%dma_wait3A_965 : memref<1x32xf32, #tpu.memory_space<hbm>>) dst(%dma_wait3A_962 : memref<1x32xf32, #tpu.memory_space<vmem>>)
    %dma_wait3A_966 = arith.constant 103 : i32
    %dma_wait3A_967 = arith.constant 0 : i32
    %dma_wait3A_968 = tpu.memref_slice %arg10[%dma_wait3A_966, %dma_wait3A_967] : memref<128x32xf32, #tpu.memory_space<vmem>> -> memref<1x32xf32, #tpu.memory_space<vmem>>
    %dma_wait3A_969 = arith.constant 0 : i32
    %dma_wait3A_970 = arith.constant 0 : i32
    %dma_wait3A_971 = tpu.memref_slice %arg4[%dma_wait3A_969, %dma_wait3A_970] : memref<1000000x32xf32, #tpu.memory_space<hbm>> -> memref<1x32xf32, #tpu.memory_space<hbm>>
    %dma_wait3A_972 = arith.constant 103 : i32
    %dma_wait3A_973 = arith.constant 0 : i32
    %dma_wait3A_974 = tpu.memref_slice %arg10[%dma_wait3A_972, %dma_wait3A_973] : memref<128x32xf32, #tpu.memory_space<vmem>> -> memref<1x32xf32, #tpu.memory_space<vmem>>
    %dma_wait3A_975 = arith.constant 0 : i32
    %dma_wait3A_976 = arith.constant 0 : i32
    %dma_wait3A_977 = tpu.memref_slice %arg4[%dma_wait3A_975, %dma_wait3A_976] : memref<1000000x32xf32, #tpu.memory_space<hbm>> -> memref<1x32xf32, #tpu.memory_space<hbm>>
    tpu.wait_dma2 semaphore(%arg19 : memref<!tpu.dma_semaphore, #tpu.memory_space<semaphore_mem>>) src(%dma_wait3A_977 : memref<1x32xf32, #tpu.memory_space<hbm>>) dst(%dma_wait3A_974 : memref<1x32xf32, #tpu.memory_space<vmem>>)
    %dma_wait3A_978 = arith.constant 103 : i32
    %dma_wait3A_979 = arith.constant 0 : i32
    %dma_wait3A_980 = tpu.memref_slice %arg11[%dma_wait3A_978, %dma_wait3A_979] : memref<128x32xf32, #tpu.memory_space<vmem>> -> memref<1x32xf32, #tpu.memory_space<vmem>>
    %dma_wait3A_981 = arith.constant 0 : i32
    %dma_wait3A_982 = arith.constant 0 : i32
    %dma_wait3A_983 = tpu.memref_slice %arg5[%dma_wait3A_981, %dma_wait3A_982] : memref<1000000x32xf32, #tpu.memory_space<hbm>> -> memref<1x32xf32, #tpu.memory_space<hbm>>
    %dma_wait3A_984 = arith.constant 103 : i32
    %dma_wait3A_985 = arith.constant 0 : i32
    %dma_wait3A_986 = tpu.memref_slice %arg11[%dma_wait3A_984, %dma_wait3A_985] : memref<128x32xf32, #tpu.memory_space<vmem>> -> memref<1x32xf32, #tpu.memory_space<vmem>>
    %dma_wait3A_987 = arith.constant 0 : i32
    %dma_wait3A_988 = arith.constant 0 : i32
    %dma_wait3A_989 = tpu.memref_slice %arg5[%dma_wait3A_987, %dma_wait3A_988] : memref<1000000x32xf32, #tpu.memory_space<hbm>> -> memref<1x32xf32, #tpu.memory_space<hbm>>
    tpu.wait_dma2 semaphore(%arg19 : memref<!tpu.dma_semaphore, #tpu.memory_space<semaphore_mem>>) src(%dma_wait3A_989 : memref<1x32xf32, #tpu.memory_space<hbm>>) dst(%dma_wait3A_986 : memref<1x32xf32, #tpu.memory_space<vmem>>)
    %dma_wait3A_990 = arith.constant 104 : i32
    %dma_wait3A_991 = arith.constant 0 : i32
    %dma_wait3A_992 = tpu.memref_slice %arg10[%dma_wait3A_990, %dma_wait3A_991] : memref<128x32xf32, #tpu.memory_space<vmem>> -> memref<1x32xf32, #tpu.memory_space<vmem>>
    %dma_wait3A_993 = arith.constant 0 : i32
    %dma_wait3A_994 = arith.constant 0 : i32
    %dma_wait3A_995 = tpu.memref_slice %arg4[%dma_wait3A_993, %dma_wait3A_994] : memref<1000000x32xf32, #tpu.memory_space<hbm>> -> memref<1x32xf32, #tpu.memory_space<hbm>>
    %dma_wait3A_996 = arith.constant 104 : i32
    %dma_wait3A_997 = arith.constant 0 : i32
    %dma_wait3A_998 = tpu.memref_slice %arg10[%dma_wait3A_996, %dma_wait3A_997] : memref<128x32xf32, #tpu.memory_space<vmem>> -> memref<1x32xf32, #tpu.memory_space<vmem>>
    %dma_wait3A_999 = arith.constant 0 : i32
    %dma_wait3A_1000 = arith.constant 0 : i32
    %dma_wait3A_1001 = tpu.memref_slice %arg4[%dma_wait3A_999, %dma_wait3A_1000] : memref<1000000x32xf32, #tpu.memory_space<hbm>> -> memref<1x32xf32, #tpu.memory_space<hbm>>
    tpu.wait_dma2 semaphore(%arg12 : memref<!tpu.dma_semaphore, #tpu.memory_space<semaphore_mem>>) src(%dma_wait3A_1001 : memref<1x32xf32, #tpu.memory_space<hbm>>) dst(%dma_wait3A_998 : memref<1x32xf32, #tpu.memory_space<vmem>>)
    %dma_wait3A_1002 = arith.constant 104 : i32
    %dma_wait3A_1003 = arith.constant 0 : i32
    %dma_wait3A_1004 = tpu.memref_slice %arg11[%dma_wait3A_1002, %dma_wait3A_1003] : memref<128x32xf32, #tpu.memory_space<vmem>> -> memref<1x32xf32, #tpu.memory_space<vmem>>
    %dma_wait3A_1005 = arith.constant 0 : i32
    %dma_wait3A_1006 = arith.constant 0 : i32
    %dma_wait3A_1007 = tpu.memref_slice %arg5[%dma_wait3A_1005, %dma_wait3A_1006] : memref<1000000x32xf32, #tpu.memory_space<hbm>> -> memref<1x32xf32, #tpu.memory_space<hbm>>
    %dma_wait3A_1008 = arith.constant 104 : i32
    %dma_wait3A_1009 = arith.constant 0 : i32
    %dma_wait3A_1010 = tpu.memref_slice %arg11[%dma_wait3A_1008, %dma_wait3A_1009] : memref<128x32xf32, #tpu.memory_space<vmem>> -> memref<1x32xf32, #tpu.memory_space<vmem>>
    %dma_wait3A_1011 = arith.constant 0 : i32
    %dma_wait3A_1012 = arith.constant 0 : i32
    %dma_wait3A_1013 = tpu.memref_slice %arg5[%dma_wait3A_1011, %dma_wait3A_1012] : memref<1000000x32xf32, #tpu.memory_space<hbm>> -> memref<1x32xf32, #tpu.memory_space<hbm>>
    tpu.wait_dma2 semaphore(%arg12 : memref<!tpu.dma_semaphore, #tpu.memory_space<semaphore_mem>>) src(%dma_wait3A_1013 : memref<1x32xf32, #tpu.memory_space<hbm>>) dst(%dma_wait3A_1010 : memref<1x32xf32, #tpu.memory_space<vmem>>)
    %dma_wait3A_1014 = arith.constant 105 : i32
    %dma_wait3A_1015 = arith.constant 0 : i32
    %dma_wait3A_1016 = tpu.memref_slice %arg10[%dma_wait3A_1014, %dma_wait3A_1015] : memref<128x32xf32, #tpu.memory_space<vmem>> -> memref<1x32xf32, #tpu.memory_space<vmem>>
    %dma_wait3A_1017 = arith.constant 0 : i32
    %dma_wait3A_1018 = arith.constant 0 : i32
    %dma_wait3A_1019 = tpu.memref_slice %arg4[%dma_wait3A_1017, %dma_wait3A_1018] : memref<1000000x32xf32, #tpu.memory_space<hbm>> -> memref<1x32xf32, #tpu.memory_space<hbm>>
    %dma_wait3A_1020 = arith.constant 105 : i32
    %dma_wait3A_1021 = arith.constant 0 : i32
    %dma_wait3A_1022 = tpu.memref_slice %arg10[%dma_wait3A_1020, %dma_wait3A_1021] : memref<128x32xf32, #tpu.memory_space<vmem>> -> memref<1x32xf32, #tpu.memory_space<vmem>>
    %dma_wait3A_1023 = arith.constant 0 : i32
    %dma_wait3A_1024 = arith.constant 0 : i32
    %dma_wait3A_1025 = tpu.memref_slice %arg4[%dma_wait3A_1023, %dma_wait3A_1024] : memref<1000000x32xf32, #tpu.memory_space<hbm>> -> memref<1x32xf32, #tpu.memory_space<hbm>>
    tpu.wait_dma2 semaphore(%arg13 : memref<!tpu.dma_semaphore, #tpu.memory_space<semaphore_mem>>) src(%dma_wait3A_1025 : memref<1x32xf32, #tpu.memory_space<hbm>>) dst(%dma_wait3A_1022 : memref<1x32xf32, #tpu.memory_space<vmem>>)
    %dma_wait3A_1026 = arith.constant 105 : i32
    %dma_wait3A_1027 = arith.constant 0 : i32
    %dma_wait3A_1028 = tpu.memref_slice %arg11[%dma_wait3A_1026, %dma_wait3A_1027] : memref<128x32xf32, #tpu.memory_space<vmem>> -> memref<1x32xf32, #tpu.memory_space<vmem>>
    %dma_wait3A_1029 = arith.constant 0 : i32
    %dma_wait3A_1030 = arith.constant 0 : i32
    %dma_wait3A_1031 = tpu.memref_slice %arg5[%dma_wait3A_1029, %dma_wait3A_1030] : memref<1000000x32xf32, #tpu.memory_space<hbm>> -> memref<1x32xf32, #tpu.memory_space<hbm>>
    %dma_wait3A_1032 = arith.constant 105 : i32
    %dma_wait3A_1033 = arith.constant 0 : i32
    %dma_wait3A_1034 = tpu.memref_slice %arg11[%dma_wait3A_1032, %dma_wait3A_1033] : memref<128x32xf32, #tpu.memory_space<vmem>> -> memref<1x32xf32, #tpu.memory_space<vmem>>
    %dma_wait3A_1035 = arith.constant 0 : i32
    %dma_wait3A_1036 = arith.constant 0 : i32
    %dma_wait3A_1037 = tpu.memref_slice %arg5[%dma_wait3A_1035, %dma_wait3A_1036] : memref<1000000x32xf32, #tpu.memory_space<hbm>> -> memref<1x32xf32, #tpu.memory_space<hbm>>
    tpu.wait_dma2 semaphore(%arg13 : memref<!tpu.dma_semaphore, #tpu.memory_space<semaphore_mem>>) src(%dma_wait3A_1037 : memref<1x32xf32, #tpu.memory_space<hbm>>) dst(%dma_wait3A_1034 : memref<1x32xf32, #tpu.memory_space<vmem>>)
    %dma_wait3A_1038 = arith.constant 106 : i32
    %dma_wait3A_1039 = arith.constant 0 : i32
    %dma_wait3A_1040 = tpu.memref_slice %arg10[%dma_wait3A_1038, %dma_wait3A_1039] : memref<128x32xf32, #tpu.memory_space<vmem>> -> memref<1x32xf32, #tpu.memory_space<vmem>>
    %dma_wait3A_1041 = arith.constant 0 : i32
    %dma_wait3A_1042 = arith.constant 0 : i32
    %dma_wait3A_1043 = tpu.memref_slice %arg4[%dma_wait3A_1041, %dma_wait3A_1042] : memref<1000000x32xf32, #tpu.memory_space<hbm>> -> memref<1x32xf32, #tpu.memory_space<hbm>>
    %dma_wait3A_1044 = arith.constant 106 : i32
    %dma_wait3A_1045 = arith.constant 0 : i32
    %dma_wait3A_1046 = tpu.memref_slice %arg10[%dma_wait3A_1044, %dma_wait3A_1045] : memref<128x32xf32, #tpu.memory_space<vmem>> -> memref<1x32xf32, #tpu.memory_space<vmem>>
    %dma_wait3A_1047 = arith.constant 0 : i32
    %dma_wait3A_1048 = arith.constant 0 : i32
    %dma_wait3A_1049 = tpu.memref_slice %arg4[%dma_wait3A_1047, %dma_wait3A_1048] : memref<1000000x32xf32, #tpu.memory_space<hbm>> -> memref<1x32xf32, #tpu.memory_space<hbm>>
    tpu.wait_dma2 semaphore(%arg14 : memref<!tpu.dma_semaphore, #tpu.memory_space<semaphore_mem>>) src(%dma_wait3A_1049 : memref<1x32xf32, #tpu.memory_space<hbm>>) dst(%dma_wait3A_1046 : memref<1x32xf32, #tpu.memory_space<vmem>>)
    %dma_wait3A_1050 = arith.constant 106 : i32
    %dma_wait3A_1051 = arith.constant 0 : i32
    %dma_wait3A_1052 = tpu.memref_slice %arg11[%dma_wait3A_1050, %dma_wait3A_1051] : memref<128x32xf32, #tpu.memory_space<vmem>> -> memref<1x32xf32, #tpu.memory_space<vmem>>
    %dma_wait3A_1053 = arith.constant 0 : i32
    %dma_wait3A_1054 = arith.constant 0 : i32
    %dma_wait3A_1055 = tpu.memref_slice %arg5[%dma_wait3A_1053, %dma_wait3A_1054] : memref<1000000x32xf32, #tpu.memory_space<hbm>> -> memref<1x32xf32, #tpu.memory_space<hbm>>
    %dma_wait3A_1056 = arith.constant 106 : i32
    %dma_wait3A_1057 = arith.constant 0 : i32
    %dma_wait3A_1058 = tpu.memref_slice %arg11[%dma_wait3A_1056, %dma_wait3A_1057] : memref<128x32xf32, #tpu.memory_space<vmem>> -> memref<1x32xf32, #tpu.memory_space<vmem>>
    %dma_wait3A_1059 = arith.constant 0 : i32
    %dma_wait3A_1060 = arith.constant 0 : i32
    %dma_wait3A_1061 = tpu.memref_slice %arg5[%dma_wait3A_1059, %dma_wait3A_1060] : memref<1000000x32xf32, #tpu.memory_space<hbm>> -> memref<1x32xf32, #tpu.memory_space<hbm>>
    tpu.wait_dma2 semaphore(%arg14 : memref<!tpu.dma_semaphore, #tpu.memory_space<semaphore_mem>>) src(%dma_wait3A_1061 : memref<1x32xf32, #tpu.memory_space<hbm>>) dst(%dma_wait3A_1058 : memref<1x32xf32, #tpu.memory_space<vmem>>)
    %dma_wait3A_1062 = arith.constant 107 : i32
    %dma_wait3A_1063 = arith.constant 0 : i32
    %dma_wait3A_1064 = tpu.memref_slice %arg10[%dma_wait3A_1062, %dma_wait3A_1063] : memref<128x32xf32, #tpu.memory_space<vmem>> -> memref<1x32xf32, #tpu.memory_space<vmem>>
    %dma_wait3A_1065 = arith.constant 0 : i32
    %dma_wait3A_1066 = arith.constant 0 : i32
    %dma_wait3A_1067 = tpu.memref_slice %arg4[%dma_wait3A_1065, %dma_wait3A_1066] : memref<1000000x32xf32, #tpu.memory_space<hbm>> -> memref<1x32xf32, #tpu.memory_space<hbm>>
    %dma_wait3A_1068 = arith.constant 107 : i32
    %dma_wait3A_1069 = arith.constant 0 : i32
    %dma_wait3A_1070 = tpu.memref_slice %arg10[%dma_wait3A_1068, %dma_wait3A_1069] : memref<128x32xf32, #tpu.memory_space<vmem>> -> memref<1x32xf32, #tpu.memory_space<vmem>>
    %dma_wait3A_1071 = arith.constant 0 : i32
    %dma_wait3A_1072 = arith.constant 0 : i32
    %dma_wait3A_1073 = tpu.memref_slice %arg4[%dma_wait3A_1071, %dma_wait3A_1072] : memref<1000000x32xf32, #tpu.memory_space<hbm>> -> memref<1x32xf32, #tpu.memory_space<hbm>>
    tpu.wait_dma2 semaphore(%arg15 : memref<!tpu.dma_semaphore, #tpu.memory_space<semaphore_mem>>) src(%dma_wait3A_1073 : memref<1x32xf32, #tpu.memory_space<hbm>>) dst(%dma_wait3A_1070 : memref<1x32xf32, #tpu.memory_space<vmem>>)
    %dma_wait3A_1074 = arith.constant 107 : i32
    %dma_wait3A_1075 = arith.constant 0 : i32
    %dma_wait3A_1076 = tpu.memref_slice %arg11[%dma_wait3A_1074, %dma_wait3A_1075] : memref<128x32xf32, #tpu.memory_space<vmem>> -> memref<1x32xf32, #tpu.memory_space<vmem>>
    %dma_wait3A_1077 = arith.constant 0 : i32
    %dma_wait3A_1078 = arith.constant 0 : i32
    %dma_wait3A_1079 = tpu.memref_slice %arg5[%dma_wait3A_1077, %dma_wait3A_1078] : memref<1000000x32xf32, #tpu.memory_space<hbm>> -> memref<1x32xf32, #tpu.memory_space<hbm>>
    %dma_wait3A_1080 = arith.constant 107 : i32
    %dma_wait3A_1081 = arith.constant 0 : i32
    %dma_wait3A_1082 = tpu.memref_slice %arg11[%dma_wait3A_1080, %dma_wait3A_1081] : memref<128x32xf32, #tpu.memory_space<vmem>> -> memref<1x32xf32, #tpu.memory_space<vmem>>
    %dma_wait3A_1083 = arith.constant 0 : i32
    %dma_wait3A_1084 = arith.constant 0 : i32
    %dma_wait3A_1085 = tpu.memref_slice %arg5[%dma_wait3A_1083, %dma_wait3A_1084] : memref<1000000x32xf32, #tpu.memory_space<hbm>> -> memref<1x32xf32, #tpu.memory_space<hbm>>
    tpu.wait_dma2 semaphore(%arg15 : memref<!tpu.dma_semaphore, #tpu.memory_space<semaphore_mem>>) src(%dma_wait3A_1085 : memref<1x32xf32, #tpu.memory_space<hbm>>) dst(%dma_wait3A_1082 : memref<1x32xf32, #tpu.memory_space<vmem>>)
    %dma_wait3A_1086 = arith.constant 108 : i32
    %dma_wait3A_1087 = arith.constant 0 : i32
    %dma_wait3A_1088 = tpu.memref_slice %arg10[%dma_wait3A_1086, %dma_wait3A_1087] : memref<128x32xf32, #tpu.memory_space<vmem>> -> memref<1x32xf32, #tpu.memory_space<vmem>>
    %dma_wait3A_1089 = arith.constant 0 : i32
    %dma_wait3A_1090 = arith.constant 0 : i32
    %dma_wait3A_1091 = tpu.memref_slice %arg4[%dma_wait3A_1089, %dma_wait3A_1090] : memref<1000000x32xf32, #tpu.memory_space<hbm>> -> memref<1x32xf32, #tpu.memory_space<hbm>>
    %dma_wait3A_1092 = arith.constant 108 : i32
    %dma_wait3A_1093 = arith.constant 0 : i32
    %dma_wait3A_1094 = tpu.memref_slice %arg10[%dma_wait3A_1092, %dma_wait3A_1093] : memref<128x32xf32, #tpu.memory_space<vmem>> -> memref<1x32xf32, #tpu.memory_space<vmem>>
    %dma_wait3A_1095 = arith.constant 0 : i32
    %dma_wait3A_1096 = arith.constant 0 : i32
    %dma_wait3A_1097 = tpu.memref_slice %arg4[%dma_wait3A_1095, %dma_wait3A_1096] : memref<1000000x32xf32, #tpu.memory_space<hbm>> -> memref<1x32xf32, #tpu.memory_space<hbm>>
    tpu.wait_dma2 semaphore(%arg16 : memref<!tpu.dma_semaphore, #tpu.memory_space<semaphore_mem>>) src(%dma_wait3A_1097 : memref<1x32xf32, #tpu.memory_space<hbm>>) dst(%dma_wait3A_1094 : memref<1x32xf32, #tpu.memory_space<vmem>>)
    %dma_wait3A_1098 = arith.constant 108 : i32
    %dma_wait3A_1099 = arith.constant 0 : i32
    %dma_wait3A_1100 = tpu.memref_slice %arg11[%dma_wait3A_1098, %dma_wait3A_1099] : memref<128x32xf32, #tpu.memory_space<vmem>> -> memref<1x32xf32, #tpu.memory_space<vmem>>
    %dma_wait3A_1101 = arith.constant 0 : i32
    %dma_wait3A_1102 = arith.constant 0 : i32
    %dma_wait3A_1103 = tpu.memref_slice %arg5[%dma_wait3A_1101, %dma_wait3A_1102] : memref<1000000x32xf32, #tpu.memory_space<hbm>> -> memref<1x32xf32, #tpu.memory_space<hbm>>
    %dma_wait3A_1104 = arith.constant 108 : i32
    %dma_wait3A_1105 = arith.constant 0 : i32
    %dma_wait3A_1106 = tpu.memref_slice %arg11[%dma_wait3A_1104, %dma_wait3A_1105] : memref<128x32xf32, #tpu.memory_space<vmem>> -> memref<1x32xf32, #tpu.memory_space<vmem>>
    %dma_wait3A_1107 = arith.constant 0 : i32
    %dma_wait3A_1108 = arith.constant 0 : i32
    %dma_wait3A_1109 = tpu.memref_slice %arg5[%dma_wait3A_1107, %dma_wait3A_1108] : memref<1000000x32xf32, #tpu.memory_space<hbm>> -> memref<1x32xf32, #tpu.memory_space<hbm>>
    tpu.wait_dma2 semaphore(%arg16 : memref<!tpu.dma_semaphore, #tpu.memory_space<semaphore_mem>>) src(%dma_wait3A_1109 : memref<1x32xf32, #tpu.memory_space<hbm>>) dst(%dma_wait3A_1106 : memref<1x32xf32, #tpu.memory_space<vmem>>)
    %dma_wait3A_1110 = arith.constant 109 : i32
    %dma_wait3A_1111 = arith.constant 0 : i32
    %dma_wait3A_1112 = tpu.memref_slice %arg10[%dma_wait3A_1110, %dma_wait3A_1111] : memref<128x32xf32, #tpu.memory_space<vmem>> -> memref<1x32xf32, #tpu.memory_space<vmem>>
    %dma_wait3A_1113 = arith.constant 0 : i32
    %dma_wait3A_1114 = arith.constant 0 : i32
    %dma_wait3A_1115 = tpu.memref_slice %arg4[%dma_wait3A_1113, %dma_wait3A_1114] : memref<1000000x32xf32, #tpu.memory_space<hbm>> -> memref<1x32xf32, #tpu.memory_space<hbm>>
    %dma_wait3A_1116 = arith.constant 109 : i32
    %dma_wait3A_1117 = arith.constant 0 : i32
    %dma_wait3A_1118 = tpu.memref_slice %arg10[%dma_wait3A_1116, %dma_wait3A_1117] : memref<128x32xf32, #tpu.memory_space<vmem>> -> memref<1x32xf32, #tpu.memory_space<vmem>>
    %dma_wait3A_1119 = arith.constant 0 : i32
    %dma_wait3A_1120 = arith.constant 0 : i32
    %dma_wait3A_1121 = tpu.memref_slice %arg4[%dma_wait3A_1119, %dma_wait3A_1120] : memref<1000000x32xf32, #tpu.memory_space<hbm>> -> memref<1x32xf32, #tpu.memory_space<hbm>>
    tpu.wait_dma2 semaphore(%arg17 : memref<!tpu.dma_semaphore, #tpu.memory_space<semaphore_mem>>) src(%dma_wait3A_1121 : memref<1x32xf32, #tpu.memory_space<hbm>>) dst(%dma_wait3A_1118 : memref<1x32xf32, #tpu.memory_space<vmem>>)
    %dma_wait3A_1122 = arith.constant 109 : i32
    %dma_wait3A_1123 = arith.constant 0 : i32
    %dma_wait3A_1124 = tpu.memref_slice %arg11[%dma_wait3A_1122, %dma_wait3A_1123] : memref<128x32xf32, #tpu.memory_space<vmem>> -> memref<1x32xf32, #tpu.memory_space<vmem>>
    %dma_wait3A_1125 = arith.constant 0 : i32
    %dma_wait3A_1126 = arith.constant 0 : i32
    %dma_wait3A_1127 = tpu.memref_slice %arg5[%dma_wait3A_1125, %dma_wait3A_1126] : memref<1000000x32xf32, #tpu.memory_space<hbm>> -> memref<1x32xf32, #tpu.memory_space<hbm>>
    %dma_wait3A_1128 = arith.constant 109 : i32
    %dma_wait3A_1129 = arith.constant 0 : i32
    %dma_wait3A_1130 = tpu.memref_slice %arg11[%dma_wait3A_1128, %dma_wait3A_1129] : memref<128x32xf32, #tpu.memory_space<vmem>> -> memref<1x32xf32, #tpu.memory_space<vmem>>
    %dma_wait3A_1131 = arith.constant 0 : i32
    %dma_wait3A_1132 = arith.constant 0 : i32
    %dma_wait3A_1133 = tpu.memref_slice %arg5[%dma_wait3A_1131, %dma_wait3A_1132] : memref<1000000x32xf32, #tpu.memory_space<hbm>> -> memref<1x32xf32, #tpu.memory_space<hbm>>
    tpu.wait_dma2 semaphore(%arg17 : memref<!tpu.dma_semaphore, #tpu.memory_space<semaphore_mem>>) src(%dma_wait3A_1133 : memref<1x32xf32, #tpu.memory_space<hbm>>) dst(%dma_wait3A_1130 : memref<1x32xf32, #tpu.memory_space<vmem>>)
    %dma_wait3A_1134 = arith.constant 110 : i32
    %dma_wait3A_1135 = arith.constant 0 : i32
    %dma_wait3A_1136 = tpu.memref_slice %arg10[%dma_wait3A_1134, %dma_wait3A_1135] : memref<128x32xf32, #tpu.memory_space<vmem>> -> memref<1x32xf32, #tpu.memory_space<vmem>>
    %dma_wait3A_1137 = arith.constant 0 : i32
    %dma_wait3A_1138 = arith.constant 0 : i32
    %dma_wait3A_1139 = tpu.memref_slice %arg4[%dma_wait3A_1137, %dma_wait3A_1138] : memref<1000000x32xf32, #tpu.memory_space<hbm>> -> memref<1x32xf32, #tpu.memory_space<hbm>>
    %dma_wait3A_1140 = arith.constant 110 : i32
    %dma_wait3A_1141 = arith.constant 0 : i32
    %dma_wait3A_1142 = tpu.memref_slice %arg10[%dma_wait3A_1140, %dma_wait3A_1141] : memref<128x32xf32, #tpu.memory_space<vmem>> -> memref<1x32xf32, #tpu.memory_space<vmem>>
    %dma_wait3A_1143 = arith.constant 0 : i32
    %dma_wait3A_1144 = arith.constant 0 : i32
    %dma_wait3A_1145 = tpu.memref_slice %arg4[%dma_wait3A_1143, %dma_wait3A_1144] : memref<1000000x32xf32, #tpu.memory_space<hbm>> -> memref<1x32xf32, #tpu.memory_space<hbm>>
    tpu.wait_dma2 semaphore(%arg18 : memref<!tpu.dma_semaphore, #tpu.memory_space<semaphore_mem>>) src(%dma_wait3A_1145 : memref<1x32xf32, #tpu.memory_space<hbm>>) dst(%dma_wait3A_1142 : memref<1x32xf32, #tpu.memory_space<vmem>>)
    %dma_wait3A_1146 = arith.constant 110 : i32
    %dma_wait3A_1147 = arith.constant 0 : i32
    %dma_wait3A_1148 = tpu.memref_slice %arg11[%dma_wait3A_1146, %dma_wait3A_1147] : memref<128x32xf32, #tpu.memory_space<vmem>> -> memref<1x32xf32, #tpu.memory_space<vmem>>
    %dma_wait3A_1149 = arith.constant 0 : i32
    %dma_wait3A_1150 = arith.constant 0 : i32
    %dma_wait3A_1151 = tpu.memref_slice %arg5[%dma_wait3A_1149, %dma_wait3A_1150] : memref<1000000x32xf32, #tpu.memory_space<hbm>> -> memref<1x32xf32, #tpu.memory_space<hbm>>
    %dma_wait3A_1152 = arith.constant 110 : i32
    %dma_wait3A_1153 = arith.constant 0 : i32
    %dma_wait3A_1154 = tpu.memref_slice %arg11[%dma_wait3A_1152, %dma_wait3A_1153] : memref<128x32xf32, #tpu.memory_space<vmem>> -> memref<1x32xf32, #tpu.memory_space<vmem>>
    %dma_wait3A_1155 = arith.constant 0 : i32
    %dma_wait3A_1156 = arith.constant 0 : i32
    %dma_wait3A_1157 = tpu.memref_slice %arg5[%dma_wait3A_1155, %dma_wait3A_1156] : memref<1000000x32xf32, #tpu.memory_space<hbm>> -> memref<1x32xf32, #tpu.memory_space<hbm>>
    tpu.wait_dma2 semaphore(%arg18 : memref<!tpu.dma_semaphore, #tpu.memory_space<semaphore_mem>>) src(%dma_wait3A_1157 : memref<1x32xf32, #tpu.memory_space<hbm>>) dst(%dma_wait3A_1154 : memref<1x32xf32, #tpu.memory_space<vmem>>)
    %dma_wait3A_1158 = arith.constant 111 : i32
    %dma_wait3A_1159 = arith.constant 0 : i32
    %dma_wait3A_1160 = tpu.memref_slice %arg10[%dma_wait3A_1158, %dma_wait3A_1159] : memref<128x32xf32, #tpu.memory_space<vmem>> -> memref<1x32xf32, #tpu.memory_space<vmem>>
    %dma_wait3A_1161 = arith.constant 0 : i32
    %dma_wait3A_1162 = arith.constant 0 : i32
    %dma_wait3A_1163 = tpu.memref_slice %arg4[%dma_wait3A_1161, %dma_wait3A_1162] : memref<1000000x32xf32, #tpu.memory_space<hbm>> -> memref<1x32xf32, #tpu.memory_space<hbm>>
    %dma_wait3A_1164 = arith.constant 111 : i32
    %dma_wait3A_1165 = arith.constant 0 : i32
    %dma_wait3A_1166 = tpu.memref_slice %arg10[%dma_wait3A_1164, %dma_wait3A_1165] : memref<128x32xf32, #tpu.memory_space<vmem>> -> memref<1x32xf32, #tpu.memory_space<vmem>>
    %dma_wait3A_1167 = arith.constant 0 : i32
    %dma_wait3A_1168 = arith.constant 0 : i32
    %dma_wait3A_1169 = tpu.memref_slice %arg4[%dma_wait3A_1167, %dma_wait3A_1168] : memref<1000000x32xf32, #tpu.memory_space<hbm>> -> memref<1x32xf32, #tpu.memory_space<hbm>>
    tpu.wait_dma2 semaphore(%arg19 : memref<!tpu.dma_semaphore, #tpu.memory_space<semaphore_mem>>) src(%dma_wait3A_1169 : memref<1x32xf32, #tpu.memory_space<hbm>>) dst(%dma_wait3A_1166 : memref<1x32xf32, #tpu.memory_space<vmem>>)
    %dma_wait3A_1170 = arith.constant 111 : i32
    %dma_wait3A_1171 = arith.constant 0 : i32
    %dma_wait3A_1172 = tpu.memref_slice %arg11[%dma_wait3A_1170, %dma_wait3A_1171] : memref<128x32xf32, #tpu.memory_space<vmem>> -> memref<1x32xf32, #tpu.memory_space<vmem>>
    %dma_wait3A_1173 = arith.constant 0 : i32
    %dma_wait3A_1174 = arith.constant 0 : i32
    %dma_wait3A_1175 = tpu.memref_slice %arg5[%dma_wait3A_1173, %dma_wait3A_1174] : memref<1000000x32xf32, #tpu.memory_space<hbm>> -> memref<1x32xf32, #tpu.memory_space<hbm>>
    %dma_wait3A_1176 = arith.constant 111 : i32
    %dma_wait3A_1177 = arith.constant 0 : i32
    %dma_wait3A_1178 = tpu.memref_slice %arg11[%dma_wait3A_1176, %dma_wait3A_1177] : memref<128x32xf32, #tpu.memory_space<vmem>> -> memref<1x32xf32, #tpu.memory_space<vmem>>
    %dma_wait3A_1179 = arith.constant 0 : i32
    %dma_wait3A_1180 = arith.constant 0 : i32
    %dma_wait3A_1181 = tpu.memref_slice %arg5[%dma_wait3A_1179, %dma_wait3A_1180] : memref<1000000x32xf32, #tpu.memory_space<hbm>> -> memref<1x32xf32, #tpu.memory_space<hbm>>
    tpu.wait_dma2 semaphore(%arg19 : memref<!tpu.dma_semaphore, #tpu.memory_space<semaphore_mem>>) src(%dma_wait3A_1181 : memref<1x32xf32, #tpu.memory_space<hbm>>) dst(%dma_wait3A_1178 : memref<1x32xf32, #tpu.memory_space<vmem>>)
    %dma_wait3A_1182 = arith.constant 112 : i32
    %dma_wait3A_1183 = arith.constant 0 : i32
    %dma_wait3A_1184 = tpu.memref_slice %arg10[%dma_wait3A_1182, %dma_wait3A_1183] : memref<128x32xf32, #tpu.memory_space<vmem>> -> memref<1x32xf32, #tpu.memory_space<vmem>>
    %dma_wait3A_1185 = arith.constant 0 : i32
    %dma_wait3A_1186 = arith.constant 0 : i32
    %dma_wait3A_1187 = tpu.memref_slice %arg4[%dma_wait3A_1185, %dma_wait3A_1186] : memref<1000000x32xf32, #tpu.memory_space<hbm>> -> memref<1x32xf32, #tpu.memory_space<hbm>>
    %dma_wait3A_1188 = arith.constant 112 : i32
    %dma_wait3A_1189 = arith.constant 0 : i32
    %dma_wait3A_1190 = tpu.memref_slice %arg10[%dma_wait3A_1188, %dma_wait3A_1189] : memref<128x32xf32, #tpu.memory_space<vmem>> -> memref<1x32xf32, #tpu.memory_space<vmem>>
    %dma_wait3A_1191 = arith.constant 0 : i32
    %dma_wait3A_1192 = arith.constant 0 : i32
    %dma_wait3A_1193 = tpu.memref_slice %arg4[%dma_wait3A_1191, %dma_wait3A_1192] : memref<1000000x32xf32, #tpu.memory_space<hbm>> -> memref<1x32xf32, #tpu.memory_space<hbm>>
    tpu.wait_dma2 semaphore(%arg12 : memref<!tpu.dma_semaphore, #tpu.memory_space<semaphore_mem>>) src(%dma_wait3A_1193 : memref<1x32xf32, #tpu.memory_space<hbm>>) dst(%dma_wait3A_1190 : memref<1x32xf32, #tpu.memory_space<vmem>>)
    %dma_wait3A_1194 = arith.constant 112 : i32
    %dma_wait3A_1195 = arith.constant 0 : i32
    %dma_wait3A_1196 = tpu.memref_slice %arg11[%dma_wait3A_1194, %dma_wait3A_1195] : memref<128x32xf32, #tpu.memory_space<vmem>> -> memref<1x32xf32, #tpu.memory_space<vmem>>
    %dma_wait3A_1197 = arith.constant 0 : i32
    %dma_wait3A_1198 = arith.constant 0 : i32
    %dma_wait3A_1199 = tpu.memref_slice %arg5[%dma_wait3A_1197, %dma_wait3A_1198] : memref<1000000x32xf32, #tpu.memory_space<hbm>> -> memref<1x32xf32, #tpu.memory_space<hbm>>
    %dma_wait3A_1200 = arith.constant 112 : i32
    %dma_wait3A_1201 = arith.constant 0 : i32
    %dma_wait3A_1202 = tpu.memref_slice %arg11[%dma_wait3A_1200, %dma_wait3A_1201] : memref<128x32xf32, #tpu.memory_space<vmem>> -> memref<1x32xf32, #tpu.memory_space<vmem>>
    %dma_wait3A_1203 = arith.constant 0 : i32
    %dma_wait3A_1204 = arith.constant 0 : i32
    %dma_wait3A_1205 = tpu.memref_slice %arg5[%dma_wait3A_1203, %dma_wait3A_1204] : memref<1000000x32xf32, #tpu.memory_space<hbm>> -> memref<1x32xf32, #tpu.memory_space<hbm>>
    tpu.wait_dma2 semaphore(%arg12 : memref<!tpu.dma_semaphore, #tpu.memory_space<semaphore_mem>>) src(%dma_wait3A_1205 : memref<1x32xf32, #tpu.memory_space<hbm>>) dst(%dma_wait3A_1202 : memref<1x32xf32, #tpu.memory_space<vmem>>)
    %dma_wait3A_1206 = arith.constant 113 : i32
    %dma_wait3A_1207 = arith.constant 0 : i32
    %dma_wait3A_1208 = tpu.memref_slice %arg10[%dma_wait3A_1206, %dma_wait3A_1207] : memref<128x32xf32, #tpu.memory_space<vmem>> -> memref<1x32xf32, #tpu.memory_space<vmem>>
    %dma_wait3A_1209 = arith.constant 0 : i32
    %dma_wait3A_1210 = arith.constant 0 : i32
    %dma_wait3A_1211 = tpu.memref_slice %arg4[%dma_wait3A_1209, %dma_wait3A_1210] : memref<1000000x32xf32, #tpu.memory_space<hbm>> -> memref<1x32xf32, #tpu.memory_space<hbm>>
    %dma_wait3A_1212 = arith.constant 113 : i32
    %dma_wait3A_1213 = arith.constant 0 : i32
    %dma_wait3A_1214 = tpu.memref_slice %arg10[%dma_wait3A_1212, %dma_wait3A_1213] : memref<128x32xf32, #tpu.memory_space<vmem>> -> memref<1x32xf32, #tpu.memory_space<vmem>>
    %dma_wait3A_1215 = arith.constant 0 : i32
    %dma_wait3A_1216 = arith.constant 0 : i32
    %dma_wait3A_1217 = tpu.memref_slice %arg4[%dma_wait3A_1215, %dma_wait3A_1216] : memref<1000000x32xf32, #tpu.memory_space<hbm>> -> memref<1x32xf32, #tpu.memory_space<hbm>>
    tpu.wait_dma2 semaphore(%arg13 : memref<!tpu.dma_semaphore, #tpu.memory_space<semaphore_mem>>) src(%dma_wait3A_1217 : memref<1x32xf32, #tpu.memory_space<hbm>>) dst(%dma_wait3A_1214 : memref<1x32xf32, #tpu.memory_space<vmem>>)
    %dma_wait3A_1218 = arith.constant 113 : i32
    %dma_wait3A_1219 = arith.constant 0 : i32
    %dma_wait3A_1220 = tpu.memref_slice %arg11[%dma_wait3A_1218, %dma_wait3A_1219] : memref<128x32xf32, #tpu.memory_space<vmem>> -> memref<1x32xf32, #tpu.memory_space<vmem>>
    %dma_wait3A_1221 = arith.constant 0 : i32
    %dma_wait3A_1222 = arith.constant 0 : i32
    %dma_wait3A_1223 = tpu.memref_slice %arg5[%dma_wait3A_1221, %dma_wait3A_1222] : memref<1000000x32xf32, #tpu.memory_space<hbm>> -> memref<1x32xf32, #tpu.memory_space<hbm>>
    %dma_wait3A_1224 = arith.constant 113 : i32
    %dma_wait3A_1225 = arith.constant 0 : i32
    %dma_wait3A_1226 = tpu.memref_slice %arg11[%dma_wait3A_1224, %dma_wait3A_1225] : memref<128x32xf32, #tpu.memory_space<vmem>> -> memref<1x32xf32, #tpu.memory_space<vmem>>
    %dma_wait3A_1227 = arith.constant 0 : i32
    %dma_wait3A_1228 = arith.constant 0 : i32
    %dma_wait3A_1229 = tpu.memref_slice %arg5[%dma_wait3A_1227, %dma_wait3A_1228] : memref<1000000x32xf32, #tpu.memory_space<hbm>> -> memref<1x32xf32, #tpu.memory_space<hbm>>
    tpu.wait_dma2 semaphore(%arg13 : memref<!tpu.dma_semaphore, #tpu.memory_space<semaphore_mem>>) src(%dma_wait3A_1229 : memref<1x32xf32, #tpu.memory_space<hbm>>) dst(%dma_wait3A_1226 : memref<1x32xf32, #tpu.memory_space<vmem>>)
    %dma_wait3A_1230 = arith.constant 114 : i32
    %dma_wait3A_1231 = arith.constant 0 : i32
    %dma_wait3A_1232 = tpu.memref_slice %arg10[%dma_wait3A_1230, %dma_wait3A_1231] : memref<128x32xf32, #tpu.memory_space<vmem>> -> memref<1x32xf32, #tpu.memory_space<vmem>>
    %dma_wait3A_1233 = arith.constant 0 : i32
    %dma_wait3A_1234 = arith.constant 0 : i32
    %dma_wait3A_1235 = tpu.memref_slice %arg4[%dma_wait3A_1233, %dma_wait3A_1234] : memref<1000000x32xf32, #tpu.memory_space<hbm>> -> memref<1x32xf32, #tpu.memory_space<hbm>>
    %dma_wait3A_1236 = arith.constant 114 : i32
    %dma_wait3A_1237 = arith.constant 0 : i32
    %dma_wait3A_1238 = tpu.memref_slice %arg10[%dma_wait3A_1236, %dma_wait3A_1237] : memref<128x32xf32, #tpu.memory_space<vmem>> -> memref<1x32xf32, #tpu.memory_space<vmem>>
    %dma_wait3A_1239 = arith.constant 0 : i32
    %dma_wait3A_1240 = arith.constant 0 : i32
    %dma_wait3A_1241 = tpu.memref_slice %arg4[%dma_wait3A_1239, %dma_wait3A_1240] : memref<1000000x32xf32, #tpu.memory_space<hbm>> -> memref<1x32xf32, #tpu.memory_space<hbm>>
    tpu.wait_dma2 semaphore(%arg14 : memref<!tpu.dma_semaphore, #tpu.memory_space<semaphore_mem>>) src(%dma_wait3A_1241 : memref<1x32xf32, #tpu.memory_space<hbm>>) dst(%dma_wait3A_1238 : memref<1x32xf32, #tpu.memory_space<vmem>>)
    %dma_wait3A_1242 = arith.constant 114 : i32
    %dma_wait3A_1243 = arith.constant 0 : i32
    %dma_wait3A_1244 = tpu.memref_slice %arg11[%dma_wait3A_1242, %dma_wait3A_1243] : memref<128x32xf32, #tpu.memory_space<vmem>> -> memref<1x32xf32, #tpu.memory_space<vmem>>
    %dma_wait3A_1245 = arith.constant 0 : i32
    %dma_wait3A_1246 = arith.constant 0 : i32
    %dma_wait3A_1247 = tpu.memref_slice %arg5[%dma_wait3A_1245, %dma_wait3A_1246] : memref<1000000x32xf32, #tpu.memory_space<hbm>> -> memref<1x32xf32, #tpu.memory_space<hbm>>
    %dma_wait3A_1248 = arith.constant 114 : i32
    %dma_wait3A_1249 = arith.constant 0 : i32
    %dma_wait3A_1250 = tpu.memref_slice %arg11[%dma_wait3A_1248, %dma_wait3A_1249] : memref<128x32xf32, #tpu.memory_space<vmem>> -> memref<1x32xf32, #tpu.memory_space<vmem>>
    %dma_wait3A_1251 = arith.constant 0 : i32
    %dma_wait3A_1252 = arith.constant 0 : i32
    %dma_wait3A_1253 = tpu.memref_slice %arg5[%dma_wait3A_1251, %dma_wait3A_1252] : memref<1000000x32xf32, #tpu.memory_space<hbm>> -> memref<1x32xf32, #tpu.memory_space<hbm>>
    tpu.wait_dma2 semaphore(%arg14 : memref<!tpu.dma_semaphore, #tpu.memory_space<semaphore_mem>>) src(%dma_wait3A_1253 : memref<1x32xf32, #tpu.memory_space<hbm>>) dst(%dma_wait3A_1250 : memref<1x32xf32, #tpu.memory_space<vmem>>)
    %dma_wait3A_1254 = arith.constant 115 : i32
    %dma_wait3A_1255 = arith.constant 0 : i32
    %dma_wait3A_1256 = tpu.memref_slice %arg10[%dma_wait3A_1254, %dma_wait3A_1255] : memref<128x32xf32, #tpu.memory_space<vmem>> -> memref<1x32xf32, #tpu.memory_space<vmem>>
    %dma_wait3A_1257 = arith.constant 0 : i32
    %dma_wait3A_1258 = arith.constant 0 : i32
    %dma_wait3A_1259 = tpu.memref_slice %arg4[%dma_wait3A_1257, %dma_wait3A_1258] : memref<1000000x32xf32, #tpu.memory_space<hbm>> -> memref<1x32xf32, #tpu.memory_space<hbm>>
    %dma_wait3A_1260 = arith.constant 115 : i32
    %dma_wait3A_1261 = arith.constant 0 : i32
    %dma_wait3A_1262 = tpu.memref_slice %arg10[%dma_wait3A_1260, %dma_wait3A_1261] : memref<128x32xf32, #tpu.memory_space<vmem>> -> memref<1x32xf32, #tpu.memory_space<vmem>>
    %dma_wait3A_1263 = arith.constant 0 : i32
    %dma_wait3A_1264 = arith.constant 0 : i32
    %dma_wait3A_1265 = tpu.memref_slice %arg4[%dma_wait3A_1263, %dma_wait3A_1264] : memref<1000000x32xf32, #tpu.memory_space<hbm>> -> memref<1x32xf32, #tpu.memory_space<hbm>>
    tpu.wait_dma2 semaphore(%arg15 : memref<!tpu.dma_semaphore, #tpu.memory_space<semaphore_mem>>) src(%dma_wait3A_1265 : memref<1x32xf32, #tpu.memory_space<hbm>>) dst(%dma_wait3A_1262 : memref<1x32xf32, #tpu.memory_space<vmem>>)
    %dma_wait3A_1266 = arith.constant 115 : i32
    %dma_wait3A_1267 = arith.constant 0 : i32
    %dma_wait3A_1268 = tpu.memref_slice %arg11[%dma_wait3A_1266, %dma_wait3A_1267] : memref<128x32xf32, #tpu.memory_space<vmem>> -> memref<1x32xf32, #tpu.memory_space<vmem>>
    %dma_wait3A_1269 = arith.constant 0 : i32
    %dma_wait3A_1270 = arith.constant 0 : i32
    %dma_wait3A_1271 = tpu.memref_slice %arg5[%dma_wait3A_1269, %dma_wait3A_1270] : memref<1000000x32xf32, #tpu.memory_space<hbm>> -> memref<1x32xf32, #tpu.memory_space<hbm>>
    %dma_wait3A_1272 = arith.constant 115 : i32
    %dma_wait3A_1273 = arith.constant 0 : i32
    %dma_wait3A_1274 = tpu.memref_slice %arg11[%dma_wait3A_1272, %dma_wait3A_1273] : memref<128x32xf32, #tpu.memory_space<vmem>> -> memref<1x32xf32, #tpu.memory_space<vmem>>
    %dma_wait3A_1275 = arith.constant 0 : i32
    %dma_wait3A_1276 = arith.constant 0 : i32
    %dma_wait3A_1277 = tpu.memref_slice %arg5[%dma_wait3A_1275, %dma_wait3A_1276] : memref<1000000x32xf32, #tpu.memory_space<hbm>> -> memref<1x32xf32, #tpu.memory_space<hbm>>
    tpu.wait_dma2 semaphore(%arg15 : memref<!tpu.dma_semaphore, #tpu.memory_space<semaphore_mem>>) src(%dma_wait3A_1277 : memref<1x32xf32, #tpu.memory_space<hbm>>) dst(%dma_wait3A_1274 : memref<1x32xf32, #tpu.memory_space<vmem>>)
    %dma_wait3A_1278 = arith.constant 116 : i32
    %dma_wait3A_1279 = arith.constant 0 : i32
    %dma_wait3A_1280 = tpu.memref_slice %arg10[%dma_wait3A_1278, %dma_wait3A_1279] : memref<128x32xf32, #tpu.memory_space<vmem>> -> memref<1x32xf32, #tpu.memory_space<vmem>>
    %dma_wait3A_1281 = arith.constant 0 : i32
    %dma_wait3A_1282 = arith.constant 0 : i32
    %dma_wait3A_1283 = tpu.memref_slice %arg4[%dma_wait3A_1281, %dma_wait3A_1282] : memref<1000000x32xf32, #tpu.memory_space<hbm>> -> memref<1x32xf32, #tpu.memory_space<hbm>>
    %dma_wait3A_1284 = arith.constant 116 : i32
    %dma_wait3A_1285 = arith.constant 0 : i32
    %dma_wait3A_1286 = tpu.memref_slice %arg10[%dma_wait3A_1284, %dma_wait3A_1285] : memref<128x32xf32, #tpu.memory_space<vmem>> -> memref<1x32xf32, #tpu.memory_space<vmem>>
    %dma_wait3A_1287 = arith.constant 0 : i32
    %dma_wait3A_1288 = arith.constant 0 : i32
    %dma_wait3A_1289 = tpu.memref_slice %arg4[%dma_wait3A_1287, %dma_wait3A_1288] : memref<1000000x32xf32, #tpu.memory_space<hbm>> -> memref<1x32xf32, #tpu.memory_space<hbm>>
    tpu.wait_dma2 semaphore(%arg16 : memref<!tpu.dma_semaphore, #tpu.memory_space<semaphore_mem>>) src(%dma_wait3A_1289 : memref<1x32xf32, #tpu.memory_space<hbm>>) dst(%dma_wait3A_1286 : memref<1x32xf32, #tpu.memory_space<vmem>>)
    %dma_wait3A_1290 = arith.constant 116 : i32
    %dma_wait3A_1291 = arith.constant 0 : i32
    %dma_wait3A_1292 = tpu.memref_slice %arg11[%dma_wait3A_1290, %dma_wait3A_1291] : memref<128x32xf32, #tpu.memory_space<vmem>> -> memref<1x32xf32, #tpu.memory_space<vmem>>
    %dma_wait3A_1293 = arith.constant 0 : i32
    %dma_wait3A_1294 = arith.constant 0 : i32
    %dma_wait3A_1295 = tpu.memref_slice %arg5[%dma_wait3A_1293, %dma_wait3A_1294] : memref<1000000x32xf32, #tpu.memory_space<hbm>> -> memref<1x32xf32, #tpu.memory_space<hbm>>
    %dma_wait3A_1296 = arith.constant 116 : i32
    %dma_wait3A_1297 = arith.constant 0 : i32
    %dma_wait3A_1298 = tpu.memref_slice %arg11[%dma_wait3A_1296, %dma_wait3A_1297] : memref<128x32xf32, #tpu.memory_space<vmem>> -> memref<1x32xf32, #tpu.memory_space<vmem>>
    %dma_wait3A_1299 = arith.constant 0 : i32
    %dma_wait3A_1300 = arith.constant 0 : i32
    %dma_wait3A_1301 = tpu.memref_slice %arg5[%dma_wait3A_1299, %dma_wait3A_1300] : memref<1000000x32xf32, #tpu.memory_space<hbm>> -> memref<1x32xf32, #tpu.memory_space<hbm>>
    tpu.wait_dma2 semaphore(%arg16 : memref<!tpu.dma_semaphore, #tpu.memory_space<semaphore_mem>>) src(%dma_wait3A_1301 : memref<1x32xf32, #tpu.memory_space<hbm>>) dst(%dma_wait3A_1298 : memref<1x32xf32, #tpu.memory_space<vmem>>)
    %dma_wait3A_1302 = arith.constant 117 : i32
    %dma_wait3A_1303 = arith.constant 0 : i32
    %dma_wait3A_1304 = tpu.memref_slice %arg10[%dma_wait3A_1302, %dma_wait3A_1303] : memref<128x32xf32, #tpu.memory_space<vmem>> -> memref<1x32xf32, #tpu.memory_space<vmem>>
    %dma_wait3A_1305 = arith.constant 0 : i32
    %dma_wait3A_1306 = arith.constant 0 : i32
    %dma_wait3A_1307 = tpu.memref_slice %arg4[%dma_wait3A_1305, %dma_wait3A_1306] : memref<1000000x32xf32, #tpu.memory_space<hbm>> -> memref<1x32xf32, #tpu.memory_space<hbm>>
    %dma_wait3A_1308 = arith.constant 117 : i32
    %dma_wait3A_1309 = arith.constant 0 : i32
    %dma_wait3A_1310 = tpu.memref_slice %arg10[%dma_wait3A_1308, %dma_wait3A_1309] : memref<128x32xf32, #tpu.memory_space<vmem>> -> memref<1x32xf32, #tpu.memory_space<vmem>>
    %dma_wait3A_1311 = arith.constant 0 : i32
    %dma_wait3A_1312 = arith.constant 0 : i32
    %dma_wait3A_1313 = tpu.memref_slice %arg4[%dma_wait3A_1311, %dma_wait3A_1312] : memref<1000000x32xf32, #tpu.memory_space<hbm>> -> memref<1x32xf32, #tpu.memory_space<hbm>>
    tpu.wait_dma2 semaphore(%arg17 : memref<!tpu.dma_semaphore, #tpu.memory_space<semaphore_mem>>) src(%dma_wait3A_1313 : memref<1x32xf32, #tpu.memory_space<hbm>>) dst(%dma_wait3A_1310 : memref<1x32xf32, #tpu.memory_space<vmem>>)
    %dma_wait3A_1314 = arith.constant 117 : i32
    %dma_wait3A_1315 = arith.constant 0 : i32
    %dma_wait3A_1316 = tpu.memref_slice %arg11[%dma_wait3A_1314, %dma_wait3A_1315] : memref<128x32xf32, #tpu.memory_space<vmem>> -> memref<1x32xf32, #tpu.memory_space<vmem>>
    %dma_wait3A_1317 = arith.constant 0 : i32
    %dma_wait3A_1318 = arith.constant 0 : i32
    %dma_wait3A_1319 = tpu.memref_slice %arg5[%dma_wait3A_1317, %dma_wait3A_1318] : memref<1000000x32xf32, #tpu.memory_space<hbm>> -> memref<1x32xf32, #tpu.memory_space<hbm>>
    %dma_wait3A_1320 = arith.constant 117 : i32
    %dma_wait3A_1321 = arith.constant 0 : i32
    %dma_wait3A_1322 = tpu.memref_slice %arg11[%dma_wait3A_1320, %dma_wait3A_1321] : memref<128x32xf32, #tpu.memory_space<vmem>> -> memref<1x32xf32, #tpu.memory_space<vmem>>
    %dma_wait3A_1323 = arith.constant 0 : i32
    %dma_wait3A_1324 = arith.constant 0 : i32
    %dma_wait3A_1325 = tpu.memref_slice %arg5[%dma_wait3A_1323, %dma_wait3A_1324] : memref<1000000x32xf32, #tpu.memory_space<hbm>> -> memref<1x32xf32, #tpu.memory_space<hbm>>
    tpu.wait_dma2 semaphore(%arg17 : memref<!tpu.dma_semaphore, #tpu.memory_space<semaphore_mem>>) src(%dma_wait3A_1325 : memref<1x32xf32, #tpu.memory_space<hbm>>) dst(%dma_wait3A_1322 : memref<1x32xf32, #tpu.memory_space<vmem>>)
    %dma_wait3A_1326 = arith.constant 118 : i32
    %dma_wait3A_1327 = arith.constant 0 : i32
    %dma_wait3A_1328 = tpu.memref_slice %arg10[%dma_wait3A_1326, %dma_wait3A_1327] : memref<128x32xf32, #tpu.memory_space<vmem>> -> memref<1x32xf32, #tpu.memory_space<vmem>>
    %dma_wait3A_1329 = arith.constant 0 : i32
    %dma_wait3A_1330 = arith.constant 0 : i32
    %dma_wait3A_1331 = tpu.memref_slice %arg4[%dma_wait3A_1329, %dma_wait3A_1330] : memref<1000000x32xf32, #tpu.memory_space<hbm>> -> memref<1x32xf32, #tpu.memory_space<hbm>>
    %dma_wait3A_1332 = arith.constant 118 : i32
    %dma_wait3A_1333 = arith.constant 0 : i32
    %dma_wait3A_1334 = tpu.memref_slice %arg10[%dma_wait3A_1332, %dma_wait3A_1333] : memref<128x32xf32, #tpu.memory_space<vmem>> -> memref<1x32xf32, #tpu.memory_space<vmem>>
    %dma_wait3A_1335 = arith.constant 0 : i32
    %dma_wait3A_1336 = arith.constant 0 : i32
    %dma_wait3A_1337 = tpu.memref_slice %arg4[%dma_wait3A_1335, %dma_wait3A_1336] : memref<1000000x32xf32, #tpu.memory_space<hbm>> -> memref<1x32xf32, #tpu.memory_space<hbm>>
    tpu.wait_dma2 semaphore(%arg18 : memref<!tpu.dma_semaphore, #tpu.memory_space<semaphore_mem>>) src(%dma_wait3A_1337 : memref<1x32xf32, #tpu.memory_space<hbm>>) dst(%dma_wait3A_1334 : memref<1x32xf32, #tpu.memory_space<vmem>>)
    %dma_wait3A_1338 = arith.constant 118 : i32
    %dma_wait3A_1339 = arith.constant 0 : i32
    %dma_wait3A_1340 = tpu.memref_slice %arg11[%dma_wait3A_1338, %dma_wait3A_1339] : memref<128x32xf32, #tpu.memory_space<vmem>> -> memref<1x32xf32, #tpu.memory_space<vmem>>
    %dma_wait3A_1341 = arith.constant 0 : i32
    %dma_wait3A_1342 = arith.constant 0 : i32
    %dma_wait3A_1343 = tpu.memref_slice %arg5[%dma_wait3A_1341, %dma_wait3A_1342] : memref<1000000x32xf32, #tpu.memory_space<hbm>> -> memref<1x32xf32, #tpu.memory_space<hbm>>
    %dma_wait3A_1344 = arith.constant 118 : i32
    %dma_wait3A_1345 = arith.constant 0 : i32
    %dma_wait3A_1346 = tpu.memref_slice %arg11[%dma_wait3A_1344, %dma_wait3A_1345] : memref<128x32xf32, #tpu.memory_space<vmem>> -> memref<1x32xf32, #tpu.memory_space<vmem>>
    %dma_wait3A_1347 = arith.constant 0 : i32
    %dma_wait3A_1348 = arith.constant 0 : i32
    %dma_wait3A_1349 = tpu.memref_slice %arg5[%dma_wait3A_1347, %dma_wait3A_1348] : memref<1000000x32xf32, #tpu.memory_space<hbm>> -> memref<1x32xf32, #tpu.memory_space<hbm>>
    tpu.wait_dma2 semaphore(%arg18 : memref<!tpu.dma_semaphore, #tpu.memory_space<semaphore_mem>>) src(%dma_wait3A_1349 : memref<1x32xf32, #tpu.memory_space<hbm>>) dst(%dma_wait3A_1346 : memref<1x32xf32, #tpu.memory_space<vmem>>)
    %dma_wait3A_1350 = arith.constant 119 : i32
    %dma_wait3A_1351 = arith.constant 0 : i32
    %dma_wait3A_1352 = tpu.memref_slice %arg10[%dma_wait3A_1350, %dma_wait3A_1351] : memref<128x32xf32, #tpu.memory_space<vmem>> -> memref<1x32xf32, #tpu.memory_space<vmem>>
    %dma_wait3A_1353 = arith.constant 0 : i32
    %dma_wait3A_1354 = arith.constant 0 : i32
    %dma_wait3A_1355 = tpu.memref_slice %arg4[%dma_wait3A_1353, %dma_wait3A_1354] : memref<1000000x32xf32, #tpu.memory_space<hbm>> -> memref<1x32xf32, #tpu.memory_space<hbm>>
    %dma_wait3A_1356 = arith.constant 119 : i32
    %dma_wait3A_1357 = arith.constant 0 : i32
    %dma_wait3A_1358 = tpu.memref_slice %arg10[%dma_wait3A_1356, %dma_wait3A_1357] : memref<128x32xf32, #tpu.memory_space<vmem>> -> memref<1x32xf32, #tpu.memory_space<vmem>>
    %dma_wait3A_1359 = arith.constant 0 : i32
    %dma_wait3A_1360 = arith.constant 0 : i32
    %dma_wait3A_1361 = tpu.memref_slice %arg4[%dma_wait3A_1359, %dma_wait3A_1360] : memref<1000000x32xf32, #tpu.memory_space<hbm>> -> memref<1x32xf32, #tpu.memory_space<hbm>>
    tpu.wait_dma2 semaphore(%arg19 : memref<!tpu.dma_semaphore, #tpu.memory_space<semaphore_mem>>) src(%dma_wait3A_1361 : memref<1x32xf32, #tpu.memory_space<hbm>>) dst(%dma_wait3A_1358 : memref<1x32xf32, #tpu.memory_space<vmem>>)
    %dma_wait3A_1362 = arith.constant 119 : i32
    %dma_wait3A_1363 = arith.constant 0 : i32
    %dma_wait3A_1364 = tpu.memref_slice %arg11[%dma_wait3A_1362, %dma_wait3A_1363] : memref<128x32xf32, #tpu.memory_space<vmem>> -> memref<1x32xf32, #tpu.memory_space<vmem>>
    %dma_wait3A_1365 = arith.constant 0 : i32
    %dma_wait3A_1366 = arith.constant 0 : i32
    %dma_wait3A_1367 = tpu.memref_slice %arg5[%dma_wait3A_1365, %dma_wait3A_1366] : memref<1000000x32xf32, #tpu.memory_space<hbm>> -> memref<1x32xf32, #tpu.memory_space<hbm>>
    %dma_wait3A_1368 = arith.constant 119 : i32
    %dma_wait3A_1369 = arith.constant 0 : i32
    %dma_wait3A_1370 = tpu.memref_slice %arg11[%dma_wait3A_1368, %dma_wait3A_1369] : memref<128x32xf32, #tpu.memory_space<vmem>> -> memref<1x32xf32, #tpu.memory_space<vmem>>
    %dma_wait3A_1371 = arith.constant 0 : i32
    %dma_wait3A_1372 = arith.constant 0 : i32
    %dma_wait3A_1373 = tpu.memref_slice %arg5[%dma_wait3A_1371, %dma_wait3A_1372] : memref<1000000x32xf32, #tpu.memory_space<hbm>> -> memref<1x32xf32, #tpu.memory_space<hbm>>
    tpu.wait_dma2 semaphore(%arg19 : memref<!tpu.dma_semaphore, #tpu.memory_space<semaphore_mem>>) src(%dma_wait3A_1373 : memref<1x32xf32, #tpu.memory_space<hbm>>) dst(%dma_wait3A_1370 : memref<1x32xf32, #tpu.memory_space<vmem>>)
    %dma_wait3A_1374 = arith.constant 120 : i32
    %dma_wait3A_1375 = arith.constant 0 : i32
    %dma_wait3A_1376 = tpu.memref_slice %arg10[%dma_wait3A_1374, %dma_wait3A_1375] : memref<128x32xf32, #tpu.memory_space<vmem>> -> memref<1x32xf32, #tpu.memory_space<vmem>>
    %dma_wait3A_1377 = arith.constant 0 : i32
    %dma_wait3A_1378 = arith.constant 0 : i32
    %dma_wait3A_1379 = tpu.memref_slice %arg4[%dma_wait3A_1377, %dma_wait3A_1378] : memref<1000000x32xf32, #tpu.memory_space<hbm>> -> memref<1x32xf32, #tpu.memory_space<hbm>>
    %dma_wait3A_1380 = arith.constant 120 : i32
    %dma_wait3A_1381 = arith.constant 0 : i32
    %dma_wait3A_1382 = tpu.memref_slice %arg10[%dma_wait3A_1380, %dma_wait3A_1381] : memref<128x32xf32, #tpu.memory_space<vmem>> -> memref<1x32xf32, #tpu.memory_space<vmem>>
    %dma_wait3A_1383 = arith.constant 0 : i32
    %dma_wait3A_1384 = arith.constant 0 : i32
    %dma_wait3A_1385 = tpu.memref_slice %arg4[%dma_wait3A_1383, %dma_wait3A_1384] : memref<1000000x32xf32, #tpu.memory_space<hbm>> -> memref<1x32xf32, #tpu.memory_space<hbm>>
    tpu.wait_dma2 semaphore(%arg12 : memref<!tpu.dma_semaphore, #tpu.memory_space<semaphore_mem>>) src(%dma_wait3A_1385 : memref<1x32xf32, #tpu.memory_space<hbm>>) dst(%dma_wait3A_1382 : memref<1x32xf32, #tpu.memory_space<vmem>>)
    %dma_wait3A_1386 = arith.constant 120 : i32
    %dma_wait3A_1387 = arith.constant 0 : i32
    %dma_wait3A_1388 = tpu.memref_slice %arg11[%dma_wait3A_1386, %dma_wait3A_1387] : memref<128x32xf32, #tpu.memory_space<vmem>> -> memref<1x32xf32, #tpu.memory_space<vmem>>
    %dma_wait3A_1389 = arith.constant 0 : i32
    %dma_wait3A_1390 = arith.constant 0 : i32
    %dma_wait3A_1391 = tpu.memref_slice %arg5[%dma_wait3A_1389, %dma_wait3A_1390] : memref<1000000x32xf32, #tpu.memory_space<hbm>> -> memref<1x32xf32, #tpu.memory_space<hbm>>
    %dma_wait3A_1392 = arith.constant 120 : i32
    %dma_wait3A_1393 = arith.constant 0 : i32
    %dma_wait3A_1394 = tpu.memref_slice %arg11[%dma_wait3A_1392, %dma_wait3A_1393] : memref<128x32xf32, #tpu.memory_space<vmem>> -> memref<1x32xf32, #tpu.memory_space<vmem>>
    %dma_wait3A_1395 = arith.constant 0 : i32
    %dma_wait3A_1396 = arith.constant 0 : i32
    %dma_wait3A_1397 = tpu.memref_slice %arg5[%dma_wait3A_1395, %dma_wait3A_1396] : memref<1000000x32xf32, #tpu.memory_space<hbm>> -> memref<1x32xf32, #tpu.memory_space<hbm>>
    tpu.wait_dma2 semaphore(%arg12 : memref<!tpu.dma_semaphore, #tpu.memory_space<semaphore_mem>>) src(%dma_wait3A_1397 : memref<1x32xf32, #tpu.memory_space<hbm>>) dst(%dma_wait3A_1394 : memref<1x32xf32, #tpu.memory_space<vmem>>)
    %dma_wait3A_1398 = arith.constant 121 : i32
    %dma_wait3A_1399 = arith.constant 0 : i32
    %dma_wait3A_1400 = tpu.memref_slice %arg10[%dma_wait3A_1398, %dma_wait3A_1399] : memref<128x32xf32, #tpu.memory_space<vmem>> -> memref<1x32xf32, #tpu.memory_space<vmem>>
    %dma_wait3A_1401 = arith.constant 0 : i32
    %dma_wait3A_1402 = arith.constant 0 : i32
    %dma_wait3A_1403 = tpu.memref_slice %arg4[%dma_wait3A_1401, %dma_wait3A_1402] : memref<1000000x32xf32, #tpu.memory_space<hbm>> -> memref<1x32xf32, #tpu.memory_space<hbm>>
    %dma_wait3A_1404 = arith.constant 121 : i32
    %dma_wait3A_1405 = arith.constant 0 : i32
    %dma_wait3A_1406 = tpu.memref_slice %arg10[%dma_wait3A_1404, %dma_wait3A_1405] : memref<128x32xf32, #tpu.memory_space<vmem>> -> memref<1x32xf32, #tpu.memory_space<vmem>>
    %dma_wait3A_1407 = arith.constant 0 : i32
    %dma_wait3A_1408 = arith.constant 0 : i32
    %dma_wait3A_1409 = tpu.memref_slice %arg4[%dma_wait3A_1407, %dma_wait3A_1408] : memref<1000000x32xf32, #tpu.memory_space<hbm>> -> memref<1x32xf32, #tpu.memory_space<hbm>>
    tpu.wait_dma2 semaphore(%arg13 : memref<!tpu.dma_semaphore, #tpu.memory_space<semaphore_mem>>) src(%dma_wait3A_1409 : memref<1x32xf32, #tpu.memory_space<hbm>>) dst(%dma_wait3A_1406 : memref<1x32xf32, #tpu.memory_space<vmem>>)
    %dma_wait3A_1410 = arith.constant 121 : i32
    %dma_wait3A_1411 = arith.constant 0 : i32
    %dma_wait3A_1412 = tpu.memref_slice %arg11[%dma_wait3A_1410, %dma_wait3A_1411] : memref<128x32xf32, #tpu.memory_space<vmem>> -> memref<1x32xf32, #tpu.memory_space<vmem>>
    %dma_wait3A_1413 = arith.constant 0 : i32
    %dma_wait3A_1414 = arith.constant 0 : i32
    %dma_wait3A_1415 = tpu.memref_slice %arg5[%dma_wait3A_1413, %dma_wait3A_1414] : memref<1000000x32xf32, #tpu.memory_space<hbm>> -> memref<1x32xf32, #tpu.memory_space<hbm>>
    %dma_wait3A_1416 = arith.constant 121 : i32
    %dma_wait3A_1417 = arith.constant 0 : i32
    %dma_wait3A_1418 = tpu.memref_slice %arg11[%dma_wait3A_1416, %dma_wait3A_1417] : memref<128x32xf32, #tpu.memory_space<vmem>> -> memref<1x32xf32, #tpu.memory_space<vmem>>
    %dma_wait3A_1419 = arith.constant 0 : i32
    %dma_wait3A_1420 = arith.constant 0 : i32
    %dma_wait3A_1421 = tpu.memref_slice %arg5[%dma_wait3A_1419, %dma_wait3A_1420] : memref<1000000x32xf32, #tpu.memory_space<hbm>> -> memref<1x32xf32, #tpu.memory_space<hbm>>
    tpu.wait_dma2 semaphore(%arg13 : memref<!tpu.dma_semaphore, #tpu.memory_space<semaphore_mem>>) src(%dma_wait3A_1421 : memref<1x32xf32, #tpu.memory_space<hbm>>) dst(%dma_wait3A_1418 : memref<1x32xf32, #tpu.memory_space<vmem>>)
    %dma_wait3A_1422 = arith.constant 122 : i32
    %dma_wait3A_1423 = arith.constant 0 : i32
    %dma_wait3A_1424 = tpu.memref_slice %arg10[%dma_wait3A_1422, %dma_wait3A_1423] : memref<128x32xf32, #tpu.memory_space<vmem>> -> memref<1x32xf32, #tpu.memory_space<vmem>>
    %dma_wait3A_1425 = arith.constant 0 : i32
    %dma_wait3A_1426 = arith.constant 0 : i32
    %dma_wait3A_1427 = tpu.memref_slice %arg4[%dma_wait3A_1425, %dma_wait3A_1426] : memref<1000000x32xf32, #tpu.memory_space<hbm>> -> memref<1x32xf32, #tpu.memory_space<hbm>>
    %dma_wait3A_1428 = arith.constant 122 : i32
    %dma_wait3A_1429 = arith.constant 0 : i32
    %dma_wait3A_1430 = tpu.memref_slice %arg10[%dma_wait3A_1428, %dma_wait3A_1429] : memref<128x32xf32, #tpu.memory_space<vmem>> -> memref<1x32xf32, #tpu.memory_space<vmem>>
    %dma_wait3A_1431 = arith.constant 0 : i32
    %dma_wait3A_1432 = arith.constant 0 : i32
    %dma_wait3A_1433 = tpu.memref_slice %arg4[%dma_wait3A_1431, %dma_wait3A_1432] : memref<1000000x32xf32, #tpu.memory_space<hbm>> -> memref<1x32xf32, #tpu.memory_space<hbm>>
    tpu.wait_dma2 semaphore(%arg14 : memref<!tpu.dma_semaphore, #tpu.memory_space<semaphore_mem>>) src(%dma_wait3A_1433 : memref<1x32xf32, #tpu.memory_space<hbm>>) dst(%dma_wait3A_1430 : memref<1x32xf32, #tpu.memory_space<vmem>>)
    %dma_wait3A_1434 = arith.constant 122 : i32
    %dma_wait3A_1435 = arith.constant 0 : i32
    %dma_wait3A_1436 = tpu.memref_slice %arg11[%dma_wait3A_1434, %dma_wait3A_1435] : memref<128x32xf32, #tpu.memory_space<vmem>> -> memref<1x32xf32, #tpu.memory_space<vmem>>
    %dma_wait3A_1437 = arith.constant 0 : i32
    %dma_wait3A_1438 = arith.constant 0 : i32
    %dma_wait3A_1439 = tpu.memref_slice %arg5[%dma_wait3A_1437, %dma_wait3A_1438] : memref<1000000x32xf32, #tpu.memory_space<hbm>> -> memref<1x32xf32, #tpu.memory_space<hbm>>
    %dma_wait3A_1440 = arith.constant 122 : i32
    %dma_wait3A_1441 = arith.constant 0 : i32
    %dma_wait3A_1442 = tpu.memref_slice %arg11[%dma_wait3A_1440, %dma_wait3A_1441] : memref<128x32xf32, #tpu.memory_space<vmem>> -> memref<1x32xf32, #tpu.memory_space<vmem>>
    %dma_wait3A_1443 = arith.constant 0 : i32
    %dma_wait3A_1444 = arith.constant 0 : i32
    %dma_wait3A_1445 = tpu.memref_slice %arg5[%dma_wait3A_1443, %dma_wait3A_1444] : memref<1000000x32xf32, #tpu.memory_space<hbm>> -> memref<1x32xf32, #tpu.memory_space<hbm>>
    tpu.wait_dma2 semaphore(%arg14 : memref<!tpu.dma_semaphore, #tpu.memory_space<semaphore_mem>>) src(%dma_wait3A_1445 : memref<1x32xf32, #tpu.memory_space<hbm>>) dst(%dma_wait3A_1442 : memref<1x32xf32, #tpu.memory_space<vmem>>)
    %dma_wait3A_1446 = arith.constant 123 : i32
    %dma_wait3A_1447 = arith.constant 0 : i32
    %dma_wait3A_1448 = tpu.memref_slice %arg10[%dma_wait3A_1446, %dma_wait3A_1447] : memref<128x32xf32, #tpu.memory_space<vmem>> -> memref<1x32xf32, #tpu.memory_space<vmem>>
    %dma_wait3A_1449 = arith.constant 0 : i32
    %dma_wait3A_1450 = arith.constant 0 : i32
    %dma_wait3A_1451 = tpu.memref_slice %arg4[%dma_wait3A_1449, %dma_wait3A_1450] : memref<1000000x32xf32, #tpu.memory_space<hbm>> -> memref<1x32xf32, #tpu.memory_space<hbm>>
    %dma_wait3A_1452 = arith.constant 123 : i32
    %dma_wait3A_1453 = arith.constant 0 : i32
    %dma_wait3A_1454 = tpu.memref_slice %arg10[%dma_wait3A_1452, %dma_wait3A_1453] : memref<128x32xf32, #tpu.memory_space<vmem>> -> memref<1x32xf32, #tpu.memory_space<vmem>>
    %dma_wait3A_1455 = arith.constant 0 : i32
    %dma_wait3A_1456 = arith.constant 0 : i32
    %dma_wait3A_1457 = tpu.memref_slice %arg4[%dma_wait3A_1455, %dma_wait3A_1456] : memref<1000000x32xf32, #tpu.memory_space<hbm>> -> memref<1x32xf32, #tpu.memory_space<hbm>>
    tpu.wait_dma2 semaphore(%arg15 : memref<!tpu.dma_semaphore, #tpu.memory_space<semaphore_mem>>) src(%dma_wait3A_1457 : memref<1x32xf32, #tpu.memory_space<hbm>>) dst(%dma_wait3A_1454 : memref<1x32xf32, #tpu.memory_space<vmem>>)
    %dma_wait3A_1458 = arith.constant 123 : i32
    %dma_wait3A_1459 = arith.constant 0 : i32
    %dma_wait3A_1460 = tpu.memref_slice %arg11[%dma_wait3A_1458, %dma_wait3A_1459] : memref<128x32xf32, #tpu.memory_space<vmem>> -> memref<1x32xf32, #tpu.memory_space<vmem>>
    %dma_wait3A_1461 = arith.constant 0 : i32
    %dma_wait3A_1462 = arith.constant 0 : i32
    %dma_wait3A_1463 = tpu.memref_slice %arg5[%dma_wait3A_1461, %dma_wait3A_1462] : memref<1000000x32xf32, #tpu.memory_space<hbm>> -> memref<1x32xf32, #tpu.memory_space<hbm>>
    %dma_wait3A_1464 = arith.constant 123 : i32
    %dma_wait3A_1465 = arith.constant 0 : i32
    %dma_wait3A_1466 = tpu.memref_slice %arg11[%dma_wait3A_1464, %dma_wait3A_1465] : memref<128x32xf32, #tpu.memory_space<vmem>> -> memref<1x32xf32, #tpu.memory_space<vmem>>
    %dma_wait3A_1467 = arith.constant 0 : i32
    %dma_wait3A_1468 = arith.constant 0 : i32
    %dma_wait3A_1469 = tpu.memref_slice %arg5[%dma_wait3A_1467, %dma_wait3A_1468] : memref<1000000x32xf32, #tpu.memory_space<hbm>> -> memref<1x32xf32, #tpu.memory_space<hbm>>
    tpu.wait_dma2 semaphore(%arg15 : memref<!tpu.dma_semaphore, #tpu.memory_space<semaphore_mem>>) src(%dma_wait3A_1469 : memref<1x32xf32, #tpu.memory_space<hbm>>) dst(%dma_wait3A_1466 : memref<1x32xf32, #tpu.memory_space<vmem>>)
    %dma_wait3A_1470 = arith.constant 124 : i32
    %dma_wait3A_1471 = arith.constant 0 : i32
    %dma_wait3A_1472 = tpu.memref_slice %arg10[%dma_wait3A_1470, %dma_wait3A_1471] : memref<128x32xf32, #tpu.memory_space<vmem>> -> memref<1x32xf32, #tpu.memory_space<vmem>>
    %dma_wait3A_1473 = arith.constant 0 : i32
    %dma_wait3A_1474 = arith.constant 0 : i32
    %dma_wait3A_1475 = tpu.memref_slice %arg4[%dma_wait3A_1473, %dma_wait3A_1474] : memref<1000000x32xf32, #tpu.memory_space<hbm>> -> memref<1x32xf32, #tpu.memory_space<hbm>>
    %dma_wait3A_1476 = arith.constant 124 : i32
    %dma_wait3A_1477 = arith.constant 0 : i32
    %dma_wait3A_1478 = tpu.memref_slice %arg10[%dma_wait3A_1476, %dma_wait3A_1477] : memref<128x32xf32, #tpu.memory_space<vmem>> -> memref<1x32xf32, #tpu.memory_space<vmem>>
    %dma_wait3A_1479 = arith.constant 0 : i32
    %dma_wait3A_1480 = arith.constant 0 : i32
    %dma_wait3A_1481 = tpu.memref_slice %arg4[%dma_wait3A_1479, %dma_wait3A_1480] : memref<1000000x32xf32, #tpu.memory_space<hbm>> -> memref<1x32xf32, #tpu.memory_space<hbm>>
    tpu.wait_dma2 semaphore(%arg16 : memref<!tpu.dma_semaphore, #tpu.memory_space<semaphore_mem>>) src(%dma_wait3A_1481 : memref<1x32xf32, #tpu.memory_space<hbm>>) dst(%dma_wait3A_1478 : memref<1x32xf32, #tpu.memory_space<vmem>>)
    %dma_wait3A_1482 = arith.constant 124 : i32
    %dma_wait3A_1483 = arith.constant 0 : i32
    %dma_wait3A_1484 = tpu.memref_slice %arg11[%dma_wait3A_1482, %dma_wait3A_1483] : memref<128x32xf32, #tpu.memory_space<vmem>> -> memref<1x32xf32, #tpu.memory_space<vmem>>
    %dma_wait3A_1485 = arith.constant 0 : i32
    %dma_wait3A_1486 = arith.constant 0 : i32
    %dma_wait3A_1487 = tpu.memref_slice %arg5[%dma_wait3A_1485, %dma_wait3A_1486] : memref<1000000x32xf32, #tpu.memory_space<hbm>> -> memref<1x32xf32, #tpu.memory_space<hbm>>
    %dma_wait3A_1488 = arith.constant 124 : i32
    %dma_wait3A_1489 = arith.constant 0 : i32
    %dma_wait3A_1490 = tpu.memref_slice %arg11[%dma_wait3A_1488, %dma_wait3A_1489] : memref<128x32xf32, #tpu.memory_space<vmem>> -> memref<1x32xf32, #tpu.memory_space<vmem>>
    %dma_wait3A_1491 = arith.constant 0 : i32
    %dma_wait3A_1492 = arith.constant 0 : i32
    %dma_wait3A_1493 = tpu.memref_slice %arg5[%dma_wait3A_1491, %dma_wait3A_1492] : memref<1000000x32xf32, #tpu.memory_space<hbm>> -> memref<1x32xf32, #tpu.memory_space<hbm>>
    tpu.wait_dma2 semaphore(%arg16 : memref<!tpu.dma_semaphore, #tpu.memory_space<semaphore_mem>>) src(%dma_wait3A_1493 : memref<1x32xf32, #tpu.memory_space<hbm>>) dst(%dma_wait3A_1490 : memref<1x32xf32, #tpu.memory_space<vmem>>)
    %dma_wait3A_1494 = arith.constant 125 : i32
    %dma_wait3A_1495 = arith.constant 0 : i32
    %dma_wait3A_1496 = tpu.memref_slice %arg10[%dma_wait3A_1494, %dma_wait3A_1495] : memref<128x32xf32, #tpu.memory_space<vmem>> -> memref<1x32xf32, #tpu.memory_space<vmem>>
    %dma_wait3A_1497 = arith.constant 0 : i32
    %dma_wait3A_1498 = arith.constant 0 : i32
    %dma_wait3A_1499 = tpu.memref_slice %arg4[%dma_wait3A_1497, %dma_wait3A_1498] : memref<1000000x32xf32, #tpu.memory_space<hbm>> -> memref<1x32xf32, #tpu.memory_space<hbm>>
    %dma_wait3A_1500 = arith.constant 125 : i32
    %dma_wait3A_1501 = arith.constant 0 : i32
    %dma_wait3A_1502 = tpu.memref_slice %arg10[%dma_wait3A_1500, %dma_wait3A_1501] : memref<128x32xf32, #tpu.memory_space<vmem>> -> memref<1x32xf32, #tpu.memory_space<vmem>>
    %dma_wait3A_1503 = arith.constant 0 : i32
    %dma_wait3A_1504 = arith.constant 0 : i32
    %dma_wait3A_1505 = tpu.memref_slice %arg4[%dma_wait3A_1503, %dma_wait3A_1504] : memref<1000000x32xf32, #tpu.memory_space<hbm>> -> memref<1x32xf32, #tpu.memory_space<hbm>>
    tpu.wait_dma2 semaphore(%arg17 : memref<!tpu.dma_semaphore, #tpu.memory_space<semaphore_mem>>) src(%dma_wait3A_1505 : memref<1x32xf32, #tpu.memory_space<hbm>>) dst(%dma_wait3A_1502 : memref<1x32xf32, #tpu.memory_space<vmem>>)
    %dma_wait3A_1506 = arith.constant 125 : i32
    %dma_wait3A_1507 = arith.constant 0 : i32
    %dma_wait3A_1508 = tpu.memref_slice %arg11[%dma_wait3A_1506, %dma_wait3A_1507] : memref<128x32xf32, #tpu.memory_space<vmem>> -> memref<1x32xf32, #tpu.memory_space<vmem>>
    %dma_wait3A_1509 = arith.constant 0 : i32
    %dma_wait3A_1510 = arith.constant 0 : i32
    %dma_wait3A_1511 = tpu.memref_slice %arg5[%dma_wait3A_1509, %dma_wait3A_1510] : memref<1000000x32xf32, #tpu.memory_space<hbm>> -> memref<1x32xf32, #tpu.memory_space<hbm>>
    %dma_wait3A_1512 = arith.constant 125 : i32
    %dma_wait3A_1513 = arith.constant 0 : i32
    %dma_wait3A_1514 = tpu.memref_slice %arg11[%dma_wait3A_1512, %dma_wait3A_1513] : memref<128x32xf32, #tpu.memory_space<vmem>> -> memref<1x32xf32, #tpu.memory_space<vmem>>
    %dma_wait3A_1515 = arith.constant 0 : i32
    %dma_wait3A_1516 = arith.constant 0 : i32
    %dma_wait3A_1517 = tpu.memref_slice %arg5[%dma_wait3A_1515, %dma_wait3A_1516] : memref<1000000x32xf32, #tpu.memory_space<hbm>> -> memref<1x32xf32, #tpu.memory_space<hbm>>
    tpu.wait_dma2 semaphore(%arg17 : memref<!tpu.dma_semaphore, #tpu.memory_space<semaphore_mem>>) src(%dma_wait3A_1517 : memref<1x32xf32, #tpu.memory_space<hbm>>) dst(%dma_wait3A_1514 : memref<1x32xf32, #tpu.memory_space<vmem>>)
    %dma_wait3A_1518 = arith.constant 126 : i32
    %dma_wait3A_1519 = arith.constant 0 : i32
    %dma_wait3A_1520 = tpu.memref_slice %arg10[%dma_wait3A_1518, %dma_wait3A_1519] : memref<128x32xf32, #tpu.memory_space<vmem>> -> memref<1x32xf32, #tpu.memory_space<vmem>>
    %dma_wait3A_1521 = arith.constant 0 : i32
    %dma_wait3A_1522 = arith.constant 0 : i32
    %dma_wait3A_1523 = tpu.memref_slice %arg4[%dma_wait3A_1521, %dma_wait3A_1522] : memref<1000000x32xf32, #tpu.memory_space<hbm>> -> memref<1x32xf32, #tpu.memory_space<hbm>>
    %dma_wait3A_1524 = arith.constant 126 : i32
    %dma_wait3A_1525 = arith.constant 0 : i32
    %dma_wait3A_1526 = tpu.memref_slice %arg10[%dma_wait3A_1524, %dma_wait3A_1525] : memref<128x32xf32, #tpu.memory_space<vmem>> -> memref<1x32xf32, #tpu.memory_space<vmem>>
    %dma_wait3A_1527 = arith.constant 0 : i32
    %dma_wait3A_1528 = arith.constant 0 : i32
    %dma_wait3A_1529 = tpu.memref_slice %arg4[%dma_wait3A_1527, %dma_wait3A_1528] : memref<1000000x32xf32, #tpu.memory_space<hbm>> -> memref<1x32xf32, #tpu.memory_space<hbm>>
    tpu.wait_dma2 semaphore(%arg18 : memref<!tpu.dma_semaphore, #tpu.memory_space<semaphore_mem>>) src(%dma_wait3A_1529 : memref<1x32xf32, #tpu.memory_space<hbm>>) dst(%dma_wait3A_1526 : memref<1x32xf32, #tpu.memory_space<vmem>>)
    %dma_wait3A_1530 = arith.constant 126 : i32
    %dma_wait3A_1531 = arith.constant 0 : i32
    %dma_wait3A_1532 = tpu.memref_slice %arg11[%dma_wait3A_1530, %dma_wait3A_1531] : memref<128x32xf32, #tpu.memory_space<vmem>> -> memref<1x32xf32, #tpu.memory_space<vmem>>
    %dma_wait3A_1533 = arith.constant 0 : i32
    %dma_wait3A_1534 = arith.constant 0 : i32
    %dma_wait3A_1535 = tpu.memref_slice %arg5[%dma_wait3A_1533, %dma_wait3A_1534] : memref<1000000x32xf32, #tpu.memory_space<hbm>> -> memref<1x32xf32, #tpu.memory_space<hbm>>
    %dma_wait3A_1536 = arith.constant 126 : i32
    %dma_wait3A_1537 = arith.constant 0 : i32
    %dma_wait3A_1538 = tpu.memref_slice %arg11[%dma_wait3A_1536, %dma_wait3A_1537] : memref<128x32xf32, #tpu.memory_space<vmem>> -> memref<1x32xf32, #tpu.memory_space<vmem>>
    %dma_wait3A_1539 = arith.constant 0 : i32
    %dma_wait3A_1540 = arith.constant 0 : i32
    %dma_wait3A_1541 = tpu.memref_slice %arg5[%dma_wait3A_1539, %dma_wait3A_1540] : memref<1000000x32xf32, #tpu.memory_space<hbm>> -> memref<1x32xf32, #tpu.memory_space<hbm>>
    tpu.wait_dma2 semaphore(%arg18 : memref<!tpu.dma_semaphore, #tpu.memory_space<semaphore_mem>>) src(%dma_wait3A_1541 : memref<1x32xf32, #tpu.memory_space<hbm>>) dst(%dma_wait3A_1538 : memref<1x32xf32, #tpu.memory_space<vmem>>)
    %dma_wait3A_1542 = arith.constant 127 : i32
    %dma_wait3A_1543 = arith.constant 0 : i32
    %dma_wait3A_1544 = tpu.memref_slice %arg10[%dma_wait3A_1542, %dma_wait3A_1543] : memref<128x32xf32, #tpu.memory_space<vmem>> -> memref<1x32xf32, #tpu.memory_space<vmem>>
    %dma_wait3A_1545 = arith.constant 0 : i32
    %dma_wait3A_1546 = arith.constant 0 : i32
    %dma_wait3A_1547 = tpu.memref_slice %arg4[%dma_wait3A_1545, %dma_wait3A_1546] : memref<1000000x32xf32, #tpu.memory_space<hbm>> -> memref<1x32xf32, #tpu.memory_space<hbm>>
    %dma_wait3A_1548 = arith.constant 127 : i32
    %dma_wait3A_1549 = arith.constant 0 : i32
    %dma_wait3A_1550 = tpu.memref_slice %arg10[%dma_wait3A_1548, %dma_wait3A_1549] : memref<128x32xf32, #tpu.memory_space<vmem>> -> memref<1x32xf32, #tpu.memory_space<vmem>>
    %dma_wait3A_1551 = arith.constant 0 : i32
    %dma_wait3A_1552 = arith.constant 0 : i32
    %dma_wait3A_1553 = tpu.memref_slice %arg4[%dma_wait3A_1551, %dma_wait3A_1552] : memref<1000000x32xf32, #tpu.memory_space<hbm>> -> memref<1x32xf32, #tpu.memory_space<hbm>>
    tpu.wait_dma2 semaphore(%arg19 : memref<!tpu.dma_semaphore, #tpu.memory_space<semaphore_mem>>) src(%dma_wait3A_1553 : memref<1x32xf32, #tpu.memory_space<hbm>>) dst(%dma_wait3A_1550 : memref<1x32xf32, #tpu.memory_space<vmem>>)
    %dma_wait3A_1554 = arith.constant 127 : i32
    %dma_wait3A_1555 = arith.constant 0 : i32
    %dma_wait3A_1556 = tpu.memref_slice %arg11[%dma_wait3A_1554, %dma_wait3A_1555] : memref<128x32xf32, #tpu.memory_space<vmem>> -> memref<1x32xf32, #tpu.memory_space<vmem>>
    %dma_wait3A_1557 = arith.constant 0 : i32
    %dma_wait3A_1558 = arith.constant 0 : i32
    %dma_wait3A_1559 = tpu.memref_slice %arg5[%dma_wait3A_1557, %dma_wait3A_1558] : memref<1000000x32xf32, #tpu.memory_space<hbm>> -> memref<1x32xf32, #tpu.memory_space<hbm>>
    %dma_wait3A_1560 = arith.constant 127 : i32
    %dma_wait3A_1561 = arith.constant 0 : i32
    %dma_wait3A_1562 = tpu.memref_slice %arg11[%dma_wait3A_1560, %dma_wait3A_1561] : memref<128x32xf32, #tpu.memory_space<vmem>> -> memref<1x32xf32, #tpu.memory_space<vmem>>
    %dma_wait3A_1563 = arith.constant 0 : i32
    %dma_wait3A_1564 = arith.constant 0 : i32
    %dma_wait3A_1565 = tpu.memref_slice %arg5[%dma_wait3A_1563, %dma_wait3A_1564] : memref<1000000x32xf32, #tpu.memory_space<hbm>> -> memref<1x32xf32, #tpu.memory_space<hbm>>
    tpu.wait_dma2 semaphore(%arg19 : memref<!tpu.dma_semaphore, #tpu.memory_space<semaphore_mem>>) src(%dma_wait3A_1565 : memref<1x32xf32, #tpu.memory_space<hbm>>) dst(%dma_wait3A_1562 : memref<1x32xf32, #tpu.memory_space<vmem>>)
    "tpu.region"() ({
      %run_scoped3A = tpu.sem_alloc : memref<!tpu.dma_semaphore, #tpu.memory_space<semaphore_mem>>
      %dma_start3A_1566 = arith.constant 0 : i32
      %dma_start3A_1567 = tpu.memref_slice %arg6[%mul3A_2, %dma_start3A_1566] : memref<4096x32xf32, #tpu.memory_space<hbm>> -> memref<128x32xf32, #tpu.memory_space<hbm>>
      %dma_start3A_1568 = arith.constant 0 : i32
      %dma_start3A_1569 = tpu.memref_slice %arg6[%mul3A_2, %dma_start3A_1568] : memref<4096x32xf32, #tpu.memory_space<hbm>> -> memref<128x32xf32, #tpu.memory_space<hbm>>
      tpu.enqueue_dma source(%arg10 : memref<128x32xf32, #tpu.memory_space<vmem>>) target(%dma_start3A_1569 : memref<128x32xf32, #tpu.memory_space<hbm>>) target_semaphore(%run_scoped3A : memref<!tpu.dma_semaphore, #tpu.memory_space<semaphore_mem>>)
      %dma_wait3A_1570 = arith.constant 0 : i32
      %dma_wait3A_1571 = tpu.memref_slice %arg6[%mul3A_2, %dma_wait3A_1570] : memref<4096x32xf32, #tpu.memory_space<hbm>> -> memref<128x32xf32, #tpu.memory_space<hbm>>
      %dma_wait3A_1572 = arith.constant 0 : i32
      %dma_wait3A_1573 = tpu.memref_slice %arg6[%mul3A_2, %dma_wait3A_1572] : memref<4096x32xf32, #tpu.memory_space<hbm>> -> memref<128x32xf32, #tpu.memory_space<hbm>>
      tpu.wait_dma2 semaphore(%run_scoped3A : memref<!tpu.dma_semaphore, #tpu.memory_space<semaphore_mem>>) src(%arg10 : memref<128x32xf32, #tpu.memory_space<vmem>>) dst(%dma_wait3A_1573 : memref<128x32xf32, #tpu.memory_space<hbm>>)
      tpu.yield
    }) : () -> ()
    "tpu.region"() ({
      %run_scoped3A = tpu.sem_alloc : memref<!tpu.dma_semaphore, #tpu.memory_space<semaphore_mem>>
      %dma_start3A_1566 = arith.constant 0 : i32
      %dma_start3A_1567 = tpu.memref_slice %arg7[%mul3A_4, %dma_start3A_1566] : memref<4096x32xf32, #tpu.memory_space<hbm>> -> memref<128x32xf32, #tpu.memory_space<hbm>>
      %dma_start3A_1568 = arith.constant 0 : i32
      %dma_start3A_1569 = tpu.memref_slice %arg7[%mul3A_4, %dma_start3A_1568] : memref<4096x32xf32, #tpu.memory_space<hbm>> -> memref<128x32xf32, #tpu.memory_space<hbm>>
      tpu.enqueue_dma source(%arg11 : memref<128x32xf32, #tpu.memory_space<vmem>>) target(%dma_start3A_1569 : memref<128x32xf32, #tpu.memory_space<hbm>>) target_semaphore(%run_scoped3A : memref<!tpu.dma_semaphore, #tpu.memory_space<semaphore_mem>>)
      %dma_wait3A_1570 = arith.constant 0 : i32
      %dma_wait3A_1571 = tpu.memref_slice %arg7[%mul3A_4, %dma_wait3A_1570] : memref<4096x32xf32, #tpu.memory_space<hbm>> -> memref<128x32xf32, #tpu.memory_space<hbm>>
      %dma_wait3A_1572 = arith.constant 0 : i32
      %dma_wait3A_1573 = tpu.memref_slice %arg7[%mul3A_4, %dma_wait3A_1572] : memref<4096x32xf32, #tpu.memory_space<hbm>> -> memref<128x32xf32, #tpu.memory_space<hbm>>
      tpu.wait_dma2 semaphore(%run_scoped3A : memref<!tpu.dma_semaphore, #tpu.memory_space<semaphore_mem>>) src(%arg11 : memref<128x32xf32, #tpu.memory_space<vmem>>) dst(%dma_wait3A_1573 : memref<128x32xf32, #tpu.memory_space<hbm>>)
      tpu.yield
    }) : () -> ()
    return
  }
}

module attributes {stable_mosaic.version = 14 : i64} {
  func.func @_mm_body(%arg0: i32, %arg1: memref<256x32xf32, #tpu.memory_space<vmem>>, %arg2: memref<4096x32xf32, #tpu.memory_space<vmem>>, %arg3: memref<256x4096xf32, #tpu.memory_space<vmem>>) attributes {dimension_semantics = [#tpu.dimension_semantics<arbitrary>], iteration_bounds = array<i64: 16>, scalar_prefetch = 0 : i64, scratch_operands = 0 : i64, tpu.core_type = #tpu.core_type<tc>, window_params = [{transform_indices = @transform_0, window_bounds = array<i64: 256, 32>}, {pipeline_mode = #tpu.pipeline_mode<synchronous>, transform_indices = @transform_1, window_bounds = array<i64: 4096, 32>}, {transform_indices = @transform_2, window_bounds = array<i64: 256, 4096>}]} {
    %get3A = arith.constant 0 : index
    %get3A_0 = arith.constant 0 : index
    %get3A_1 = vector.load %arg1[%get3A, %get3A_0] : memref<256x32xf32, #tpu.memory_space<vmem>>, vector<256x32xf32>
    %get3A_2 = arith.constant 0 : index
    %get3A_3 = arith.constant 0 : index
    %get3A_4 = vector.load %arg2[%get3A_2, %get3A_3] : memref<4096x32xf32, #tpu.memory_space<vmem>>, vector<4096x32xf32>
    %dot_general3A = arith.constant dense<0.000000e+00> : vector<256x4096xf32>
    %dot_general3A_5 = tpu.matmul %get3A_1, %get3A_4, %dot_general3A {dimension_numbers = #tpu.dot_dimension_numbers<[1], [1], [0], [0], [0, 0, 1, 0], [], []>, transpose_lhs_hint = false} : vector<256x32xf32>, vector<4096x32xf32>, vector<256x4096xf32> -> vector<256x4096xf32>
    %swap3A = arith.constant 0 : index
    %swap3A_6 = arith.constant 0 : index
    %swap3A_7 = vector.load %arg3[%swap3A, %swap3A_6] : memref<256x4096xf32, #tpu.memory_space<vmem>>, vector<256x4096xf32>
    tpu.vector_store %arg3[%swap3A, %swap3A_6], %dot_general3A_5 {strides = array<i32>} : memref<256x4096xf32, #tpu.memory_space<vmem>>, vector<256x4096xf32>,
    return
  }
  func.func @transform_0(%arg0: i32) -> (i32, i32) {
    %c0_i32 = arith.constant 0 : i32
    %c0_i32_0 = arith.constant 0 : i32
    return %arg0, %c0_i32 : i32, i32
  }
  func.func @transform_1(%arg0: i32) -> (i32, i32) {
    %c0_i32 = arith.constant 0 : i32
    %c0_i32_0 = arith.constant 0 : i32
    %c0_i32_1 = arith.constant 0 : i32
    return %c0_i32, %c0_i32_0 : i32, i32
  }
  func.func @transform_2(%arg0: i32) -> (i32, i32) {
    %c0_i32 = arith.constant 0 : i32
    %c0_i32_0 = arith.constant 0 : i32
    return %arg0, %c0_i32 : i32, i32
  }
}

</mosaic_0001>

<sc_bundles>
// kernel: kernel.4.cloned.1.call-start
scs
__scs_entry_jumppad:
0x0: {  	(pc) =	sbr.rel $0x88, $3  }
0x1: {  	(tag) =	ssettag $0x0;
	lr =	simm.s32 $0x1  }
0x2: {  	[smem:$0x3F9D] =	sst lr;
	_ =	strace $0xD0000000  }
0x3: {  	_ = 	snop  }
0x4: {  	_ = 	snop  }
0x5: {  	_ = 	snop  }
0x6: {  	_ = 	snop  }
0x7: {  	_ = 	snop  }
__scs_overlays_trampoline_lowered:
0x8: {  	[smem:$0x3FAC] =	sst s0  }
0x9: {  	[smem:$0x3FAD] =	sst s1  }
0xa: {  	[smem:$0x3FAE] =	sst s2  }
0xb: {  	[smem:$0x3FAF] =	sst s3  }
0xc: {  	[smem:$0x3FB0] =	sst s4  }
0xd: {  	[smem:$0x3FB1] =	sst s5  }
0xe: {  	[smem:$0x3FB2] =	sst s6  }
0xf: {  	[smem:$0x3FB3] =	sst s7  }
0x10: {  	[smem:$0x3FB4] =	sst s8  }
0x11: {  	[smem:$0x3FB5] =	sst s9;
	s0 =	simm.s32 @!p0 $0x0  }
0x12: {  	s1 =	sld [smem:$0x3F9B];
	s0 =	simm.s32 @p0 $0x1  }
0x13: {  	[smem:$0x3FB6] =	sst s0;
	s0 =	simm.s32 @!p1 $0x0  }
0x14: {  	s2 =	sld [smem:$0x3F9A];
	s0 =	simm.s32 @p1 $0x1  }
0x15: {  	[smem:$0x3FB7] =	sst s0;
	s0 =	simm.s32 @!p2 $0x0  }
0x16: {  	s3 =	sld [smem:$0x3FDB];
	s0 =	simm.s32 @p2 $0x1  }
0x17: {  	s4 =	simm.s32 $0x1BF5;
	[smem:$0x3FB9] =	sst s0  }
0x18: {  	s0 =	sld [smem:$0x3F9C];
	_ =	swait.ge [sflag:s4], $0x0  }
0x19: {  	s7 =	sld [smem:$0x3F9D]  }
0x1a: {  	s8 =	sadd.s32 $0xFFFFE003, lr  }
0x1b: {  	s9 =	sadd.s32 $0xFFFFFEF7, lr;
	s5 =	simm.s32 $0xFFFFFFFF;
	p2 =	slt.u32 s8, $0xFFFFF086  }
0x1c: {  	p1 =	slt.u32 s9, $0xF7A;
	s5 =	simm.s32 @!p2 $0x0  }
0x1d: {  	s5 =	simm.s32 @p1 $0x1;
	p0 =	seq.s32 s7, s2  }
0x1e: {  	s7 =	smul.u32 @!p0 $0xF7A, s2;
	p2 =	seq.s32 @!p0 s5, $0x0  }
0x1f: {  	s9 =	smul.u32 $0xF7A, s1;
	s8 =	simm.s32 @!p0 $0x1BF5;
	p2 =	por !p2, p0  }
0x20: {  	[sflag:s8] =	ssyncset.s32 @!p0 $0xFFFFF086;
	s6 =	sadd.s32 @!p0 s3, s7;
	s7 =	simm.s32 @!p0 $0x108  }
0x21: {  	s3 =	sadd.s32 s3, s9;
	s6 =	sadd.s32 @!p0 $0x88, s6;
	s7 =	simm.s32 @p2 $0x1082  }
0x22: {  	[simem:s7], [sflag:s8] =	dma.local @!p0 [hbm:s6], $0xF7A  }
0x23: {  	s9 =	sor.u32 $0xD0000000, s2;
	s6 =	simm.s32 $0x108;
	_ =	swait.ge @!p0 [sflag:s8], $0x0  }
0x24: {  	s3 =	sadd.s32 $0x88, s3;
	s6 =	simm.s32 @!p1 $0x1082;
	[sflag:s4] =	ssyncset.s32 $0xFFFFF086  }
0x25: {  	[simem:s6], [sflag:s4] =	dma.local [hbm:s3], $0xF7A  }
0x26: {  	[smem:$0x3F9D] =	sst s1;
	(tag) =	ssettag s2;
	_ =	strace s9  }
0x27: {  	s1 =	sld [smem:$0x3FAD]  }
0x28: {  	s2 =	sld [smem:$0x3FAE]  }
0x29: {  	s4 =	sld [smem:$0x3FB0]  }
0x2a: {  	p0 =	seq.s32 s5, $0x0;
	s5 =	sld [smem:$0x3FB1]  }
0x2b: {  	s6 =	sld [smem:$0x3FB2]  }
0x2c: {  	s7 =	sld [smem:$0x3FB3]  }
0x2d: {  	s3 =	simm.s32 $0x108;
	s8 =	sld [smem:$0x3FB4]  }
0x2e: {  	s3 =	simm.s32 @!p0 $0x1082;
	s9 =	sld [smem:$0x3FB5]  }
0x2f: {  	lr =	sadd.s32 s0, s3;
	s0 =	sld [smem:$0x3FAC]  }
0x30: {  	s3 =	sld [smem:$0x3FAF]  }
0x31: {  	[smem:$0x3FB8] =	sst s10  }
0x32: {  	s10 =	sld [smem:$0x3FB6];
	_ =	sdelay $0x3  }
0x33: {  	p0 =	seq.s32 s10, $0x1;
	s10 =	sld [smem:$0x3FB8];
	_ =	sdelay $0x3  }
0x34: {  	[smem:$0x3FB8] =	sst s10  }
0x35: {  	s10 =	sld [smem:$0x3FB7];
	_ =	sdelay $0x3  }
0x36: {  	p1 =	seq.s32 s10, $0x1;
	s10 =	sld [smem:$0x3FB8];
	_ =	sdelay $0x3  }
0x37: {  	[smem:$0x3FB8] =	sst s10  }
0x38: {  	s10 =	sld [smem:$0x3FB9]  }
0x39: {  	_ = 	snop;
	(pc) =	sbr.ind lr, $3  }
0x3a: {  	_ = 	snop  }
0x3b: {  	_ = 	snop  }
0x3c: {  	p2 =	seq.s32 s10, $0x1;
	s10 =	sld [smem:$0x3FB8]  }
0x3d: {  	_ =	shalt  }
0x3e: {  	_ =	shalt  }
0x3f: {  	_ =	shalt  }
0x40: {  	_ =	shalt  }
0x41: {  	_ =	shalt  }
0x42: {  	_ =	shalt  }
0x43: {  	_ =	shalt  }
0x44: {  	_ =	shalt  }
0x45: {  	_ =	shalt  }
0x46: {  	_ =	shalt  }
0x47: {  	_ =	shalt  }
0x48: {  	_ =	shalt  }
0x49: {  	_ =	shalt  }
0x4a: {  	_ =	shalt  }
0x4b: {  	_ =	shalt  }
0x4c: {  	_ =	shalt  }
0x4d: {  	_ =	shalt  }
0x4e: {  	_ =	shalt  }
0x4f: {  	_ =	shalt  }
0x50: {  	_ =	shalt  }
0x51: {  	_ =	shalt  }
0x52: {  	_ =	shalt  }
0x53: {  	_ =	shalt  }
0x54: {  	_ =	shalt  }
0x55: {  	_ =	shalt  }
0x56: {  	_ =	shalt  }
0x57: {  	_ =	shalt  }
0x58: {  	_ =	shalt  }
0x59: {  	_ =	shalt  }
0x5a: {  	_ =	shalt  }
0x5b: {  	_ =	shalt  }
0x5c: {  	_ =	shalt  }
0x5d: {  	_ =	shalt  }
0x5e: {  	_ =	shalt  }
0x5f: {  	_ =	shalt  }
0x60: {  	_ =	shalt  }
0x61: {  	_ =	shalt  }
0x62: {  	_ =	shalt  }
0x63: {  	_ =	shalt  }
0x64: {  	_ =	shalt  }
0x65: {  	_ =	shalt  }
0x66: {  	_ =	shalt  }
0x67: {  	_ =	shalt  }
0x68: {  	_ =	shalt  }
0x69: {  	_ =	shalt  }
0x6a: {  	_ =	shalt  }
0x6b: {  	_ =	shalt  }
0x6c: {  	_ =	shalt  }
0x6d: {  	_ =	shalt  }
0x6e: {  	_ =	shalt  }
0x6f: {  	_ =	shalt  }
0x70: {  	_ =	shalt  }
0x71: {  	_ =	shalt  }
0x72: {  	_ =	shalt  }
0x73: {  	_ =	shalt  }
0x74: {  	_ =	shalt  }
0x75: {  	_ =	shalt  }
0x76: {  	_ =	shalt  }
0x77: {  	_ =	shalt  }
0x78: {  	_ =	shalt  }
0x79: {  	_ =	shalt  }
0x7a: {  	_ =	shalt  }
0x7b: {  	_ =	shalt  }
0x7c: {  	_ =	shalt  }
0x7d: {  	_ =	shalt  }
0x7e: {  	_ =	shalt  }
0x7f: {  	_ =	shalt  }
0x80: {  	_ =	shalt  }
0x81: {  	_ =	shalt  }
0x82: {  	_ =	shalt  }
0x83: {  	_ =	shalt  }
0x84: {  	_ =	shalt  }
0x85: {  	_ =	shalt  }
0x86: {  	_ =	shalt  }
0x87: {  	_ =	shalt  }
.Lfunc_end0:
.L_simem_size_0:
called_computation_lowered:
.L_overlay_start_0:
0x88: {  	s2 =	sld [smem:$0x3FD9]  }
0x89: {  	s3 =	sld [smem:$0x3FFE];
	_ =	sdelay $0x1  }
0x8a: {  	s1 =	srdreg.scid  }
0x8b: {  	s0 =	sand.u32 $0x1, s1  }
0x8c: {  	s17 =	sshll.u32 s0, $0xA;
	s2 =	sadd.s32 s3, s2  }
0x8d: {  	s2 =	sadd.s32 s2, s17  }
0x8e: {  	[smem:$0x3FC4] =	sst s2  }
0x8f: {  	_ = 	snop  }
0x90: {  	s2 =	sld [smem:$0x3FC9]  }
0x91: {  	s18 =	sld [smem:$0x3FC8]  }
0x92: {  	s4 =	sld [smem:$0x3FD0];
	(tm) =	ssettm $0x1  }
0x93: {  	s5 =	sld [smem:$0x3FFB];
	_ =	sdelay $0x3  }
0x94: {  	_ =	strace s5  }
0x95: {  	s5 =	sld [smem:$0x3FFC];
	_ =	sdelay $0x3  }
0x96: {  	_ =	strace s5  }
0x97: {  	s5 =	sld [smem:$0x3FFD];
	_ =	sdelay $0x3  }
0x98: {  	_ =	strace s5  }
0x99: {  	_ =	strace $0x8FFFFFFF  }
0x9a: {  	s19 =	sld [smem:$0x3FDB];
	_ =	sdelay $0x1  }
0x9b: {  	s6 =	simm.s32 $_scs_section_size  }
0x9c: {  	s7 =	simm.s32 $_size__tile_overlayer_lowered;
	s8 =	simm.s32 $_tile_overlayer_lowered  }
0x9d: {  	s22 =	simm.s32 $0x1BFF;
	s21 =	sshll.u32 s8, $0x1;
	s5 =	sadd.s32 s6, s19  }
0x9e: {  	s9 =	simm.s32 $0x0;
	s20 =	sshll.u32 s7, $0x1;
	s7 =	sadd.s32 s21, s5  }
0x9f: {  	[timem:s9], [sflag:s22] =	dma.local [hbm:s7], s20  }
0xa0: {  	_ =	swait.ge [sflag:s22], s20  }
0xa1: {  	s6 =	ssub.s32 $0x0, s20;
	[sflag:s22] =	ssyncset.done $0x0  }
0xa2: {  	[sflag:s22] =	ssyncadd.s32 s6;
	_ =	sdelay $0x1  }
0xa3: {  	s23 =	simm.s32 $0x1B8B  }
0xa4: {  	_ =	swait.ge [sflag:s23], $0x1  }
0xa5: {  	[sflag:s23] =	ssyncset.done $0x0  }
0xa6: {  	s25 =	simm.s32 $0x1B8E;
	s24 =	sld [smem:$0x3FFE];
	[sflag:s23] =	ssyncadd.s32 $0xFFFFFFFF  }
0xa7: {  	s26 =	simm.s32 $execute0_lowered;
	[smem:$0x3FD2] =	sst s25  }
0xa8: {  	s7 =	sshll.u32 s26, $0x1;
	_ =	strace $0x80000046;
	[dreg:$0x1] =	wrdreg $0xFFFFFFFF  }
0xa9: {  	s28 =	simm.s32 $_size_execute0_lowered;
	s5 =	sadd.s32 s5, s7;
	[dreg:$0x0] =	wrdreg $0x0  }
0xaa: {  	s7 =	sshll.u32 s28, $0x1;
	[dreg:$0x2] =	wrdreg s5  }
0xab: {  	[dreg:$0x3] =	wrdreg s7  }
0xac: {  	[dreg:$0x4] =	wrdreg $0xC0  }
0xad: {  	_ =	task [dreg:s9], $0x5FFFF  }
0xae: {  	[dreg:$0x1] =	wrdreg $0xFFFFFFFF  }
0xaf: {  	[dreg:$0x0] =	wrdreg $0x60  }
0xb0: {  	[dreg:$0x2] =	wrdreg s2  }
0xb1: {  	[dreg:$0x3] =	wrdreg s18  }
0xb2: {  	[dreg:$0x4] =	wrdreg s24  }
0xb3: {  	[dreg:$0x5] =	wrdreg s4  }
0xb4: {  	[dreg:$0x6] =	wrdreg $0x9  }
0xb5: {  	_ =	task.clear_ibuf [dreg:s9], $0x7FFFF;
	_ =	strace $0x90000046  }
0xb6: {  	s29 =	simm.s32 $0x9;
	_ =	strace $0x80000048  }
0xb7: {  	_ =	swait.ge [sflag:s29], $0x1  }
0xb8: {  	[sflag:s29] =	ssyncadd.s32 $0xFFFFFFFF  }
0xb9: {  	_ =	strace $0x90000048  }
0xba: {  	_ =	sfence  }
0xbb: {  	s30 =	sld [smem:$0x0];
	_ =	sdelay $0x2  }
0xbc: {  	s31 =	sshll.u32 s1, $0xD;
	s1 =	sshrl.u32 s1, $0x2  }
0xbd: {  	s3 =	sand.u32 $0x4000, s31;
	s1 =	sadd.s32 s1, s30  }
0xbe: {  	s0 =	sor.u32 s3, s0;
	s1 =	sshll.u32 s1, $0x11  }
0xbf: {  	s0 =	sor.u32 s1, s0  }
0xc0: {  	s0 =	sadd.s32 $0x8F2B, s0  }
0xc1: {  	[sflag:s0] =	ssyncadd.remote.s32 $0x1  }
0xc2: {  	_ =	sfence.sel $0xFFFF  }
0xc3: {  	[dreg:$0x0] =	wrdreg $0xFFFFFFFF;
	(pc) =	sbr.abs _section_cstart, $3  }
0xc4: {  	[dreg:$0x1] =	wrdreg $0xFFFFFFFF  }
0xc5: {  	_ =	task.clear_ibuf [dreg:s9], $0x2FFFF;
	_ =	strace $0x9FFFFFFF  }
0xc6: {  	(tm) =	ssettm $0x7FFFFFFF  }
0xc7: {  	_ =	shalt  }
tec
execute0_lowered:
.L_overlay_start_1:
0x0: {  	(tag) =	ssettag $0x1  }
0x1: {  	s0 =	rddreg [dreg:$0x0]  }
0x2: {  	s1 =	rddreg [dreg:$0x1]  }
0x3: {  	s5 =	rddreg [dreg:$0x2]  }
0x4: {  	s7 =	rddreg [dreg:$0x3];
	s3 =	srdreg.scid;
	s2 =	simm.s32 $0x0  }
0x5: {  	s4 =	stileid.u32;
	s17 =	simm.s32 $0x2;
	s18 =	simm.s32 $0x3  }
0x6: {  	s19 =	simm.s32 $0x4;
	s20 =	simm.s32 $0x5;
	s21 =	simm.s32 $0x6  }
0x7: {  	s22 =	simm.s32 $0x7;
	s23 =	simm.s32 $0x8;
	s6 =	sand.u32 $0x1, s3  }
0x8: {  	[smem:$0x7FF] =	sst s2;
	s4 =	sshll.u32 s4, $0x8;
	s8 =	sshll.u32 s6, $0x7  }
0x9: {  	s3 =	sadd.s32 $0xC00, s5;
	_ =	strace $0x80000047;
	s8 =	sor.u32 s8, s4  }
0xa: {  	s6 =	ssub.s32 $0x2, s6;
	s9 =	sshll.u32 s8, $0x4;
	s8 =	sshrl.u32 s8, $0x3  }
0xb: {  	s4 =	sadd.s32 $0xF43000, s5;
	s26 =	sshrl.u32 s6, $0x1;
	s0 =	sadd.s32 s0, s8  }
0xc: {  	s11 =	ssub.s32 s6, s26;
	s28 =	sadd.s32 s1, s8;
	[dreg:$0x5] =	wrdreg s0  }
0xd: {  	s6 =	simm.s32 $0x100;
	s29 =	sadd.s32 s7, s9;
	[dreg:$0x6] =	wrdreg s28  }
0xe: {  	s10 =	sadd.s32 s9, s5;
	s31 =	smax.u32 s11, $0x1;
	[dreg:$0x7] =	wrdreg s29  }
0xf: {  	s1 =	simm.s32 $0x9;
	s30 =	sadd.s32 $0x1E85400, s10;
	[dreg:$0x9] =	wrdreg s31  }
0x10: {  	s7 =	simm.s32 $0x4100;
	s5 =	simm.s32 $0x0;
	[dreg:$0x8] =	wrdreg s30  }
.LBB2_1:
0x11: {  	[dreg:$0xa] =	wrdreg s5  }
0x12: {  	s0 =	rddreg [dreg:$0x5]  }
0x13: {  	[tilespmem:s2], [sflag:$0x9] =	stream.linear.gather [hbm4b:s0+s2], $0x80, $0x38;
	[tilespmem:$0x8100] =	vst v63  }
0x14: {  	_ =	swait.ge [sflag:s1], $0x80  }
0x15: {  	[sflag:s1] =	ssyncset.done $0x0  }
0x16: {  	s31 =	simm.s32 $0x80;
	s30 =	rddreg [dreg:$0x6];
	[sflag:s1] =	ssyncadd.s32 $0xFFFFFF80  }
0x17: {  	[tilespmem:s31], [sflag:$0x9] =	stream.linear.gather [hbm4b:s30+s2], $0x80, $0x38;
	[tilespmem:$0x8100] =	vst v63  }
0x18: {  	_ =	swait.ge [sflag:s1], $0x80  }
0x19: {  	[sflag:s1] =	ssyncset.done $0x0  }
0x1a: {  	[sflag:s1] =	ssyncadd.s32 $0xFFFFFF80  }
0x1b: {  	v0 =	vld.msk [tilespmem:$0x0], $0xff;
	_ =	sdelay $0x3  }
0x1c: {  	v1 =	vld.msk [tilespmem:$0x80], $0xff  }
0x1d: {  	v0 =	vshll.u32 v0, $0x4  }
0x1e: {  	(v2sf) =	vpush v0, $0x0;
	_ =	sdelay $0x2  }
0x1f: {  	v1 =	vshll.u32 v1, $0x4  }
0x20: {  	(v2sf) =	vpush v1, $0x0;
	_ =	sdelay $0x3  }
0x21: {  	(v2sf) =	vpush v0, $0x1;
	_ =	sdelay $0x1  }
0x22: {  	(v2sf) =	vpush v1, $0x1;
	_ =	sdelay $0x4  }
0x23: {  	s5 =	spop (v2sf);
	(v2sf) =	vpush v0, $0x2  }
0x24: {  	s0 =	sand.u32 $0x1FFFFFF0, s5  }
0x25: {  	s0 =	sadd.s32 s3, s0  }
0x26: {  	[tilespmem:s6], [sflag:$0x1] =	stream.linear.gather [hbm4b:s0+s2], $0x80, $0x38;
	[tilespmem:$0x8100] =	vst v63  }
0x27: {  	s6 =	spop (v2sf);
	(v2sf) =	vpush v1, $0x2  }
0x28: {  	s0 =	sand.u32 $0x1FFFFFF0, s6  }
0x29: {  	s0 =	sadd.s32 s4, s0  }
0x2a: {  	[tilespmem:s7], [sflag:$0x1] =	stream.linear.gather [hbm4b:s0+s2], $0x80, $0x38;
	[tilespmem:$0x8100] =	vst v63  }
0x2b: {  	s7 =	spop (v2sf);
	(v2sf) =	vpush v0, $0x3  }
0x2c: {  	s0 =	sand.u32 $0x1FFFFFF0, s7  }
0x2d: {  	s8 =	simm.s32 $0x180;
	s9 =	spop (v2sf);
	(v2sf) =	vpush v1, $0x3;
	s0 =	sadd.s32 s3, s0  }
0x2e: {  	[tilespmem:s8], [sflag:$0x2] =	stream.linear.gather [hbm4b:s0+s2], $0x80, $0x38;
	[tilespmem:$0x8100] =	vst v63  }
0x2f: {  	s0 =	sand.u32 $0x1FFFFFF0, s9  }
0x30: {  	s10 =	simm.s32 $0x4180;
	s0 =	sadd.s32 s4, s0  }
0x31: {  	[tilespmem:s10], [sflag:$0x2] =	stream.linear.gather [hbm4b:s0+s2], $0x80, $0x38;
	[tilespmem:$0x8100] =	vst v63  }
0x32: {  	s11 =	spop (v2sf);
	(v2sf) =	vpush v0, $0x4  }
0x33: {  	s0 =	sand.u32 $0x1FFFFFF0, s11  }
0x34: {  	s12 =	simm.s32 $0x200;
	s0 =	sadd.s32 s3, s0  }
0x35: {  	[tilespmem:s12], [sflag:$0x3] =	stream.linear.gather [hbm4b:s0+s2], $0x80, $0x38;
	[tilespmem:$0x8100] =	vst v63  }
0x36: {  	s13 =	spop (v2sf);
	(v2sf) =	vpush v1, $0x4  }
0x37: {  	s0 =	sand.u32 $0x1FFFFFF0, s13  }
0x38: {  	s14 =	simm.s32 $0x4200;
	s0 =	sadd.s32 s4, s0  }
0x39: {  	[tilespmem:s14], [sflag:$0x3] =	stream.linear.gather [hbm4b:s0+s2], $0x80, $0x38;
	[tilespmem:$0x8100] =	vst v63  }
0x3a: {  	s15 =	spop (v2sf);
	(v2sf) =	vpush v0, $0x5  }
0x3b: {  	s0 =	sand.u32 $0x1FFFFFF0, s15  }
0x3c: {  	s16 =	simm.s32 $0x280;
	s24 =	spop (v2sf);
	(v2sf) =	vpush v1, $0x5;
	s0 =	sadd.s32 s3, s0  }
0x3d: {  	[tilespmem:s16], [sflag:$0x4] =	stream.linear.gather [hbm4b:s0+s2], $0x80, $0x38;
	[tilespmem:$0x8100] =	vst v63  }
0x3e: {  	s0 =	sand.u32 $0x1FFFFFF0, s24  }
0x3f: {  	s25 =	simm.s32 $0x4280;
	s0 =	sadd.s32 s4, s0  }
0x40: {  	[tilespmem:s25], [sflag:$0x4] =	stream.linear.gather [hbm4b:s0+s2], $0x80, $0x38;
	[tilespmem:$0x8100] =	vst v63  }
0x41: {  	s26 =	spop (v2sf);
	(v2sf) =	vpush v0, $0x6  }
0x42: {  	s0 =	sand.u32 $0x1FFFFFF0, s26  }
0x43: {  	s29 =	simm.s32 $0x300;
	s0 =	sadd.s32 s3, s0  }
0x44: {  	[tilespmem:s29], [sflag:$0x5] =	stream.linear.gather [hbm4b:s0+s2], $0x80, $0x38;
	[tilespmem:$0x8100] =	vst v63  }
0x45: {  	s30 =	spop (v2sf);
	(v2sf) =	vpush v1, $0x6  }
0x46: {  	s0 =	sand.u32 $0x1FFFFFF0, s30  }
0x47: {  	s31 =	simm.s32 $0x4300;
	s0 =	sadd.s32 s4, s0  }
0x48: {  	[tilespmem:s31], [sflag:$0x5] =	stream.linear.gather [hbm4b:s0+s2], $0x80, $0x38;
	[tilespmem:$0x8100] =	vst v63  }
0x49: {  	s5 =	spop (v2sf);
	(v2sf) =	vpush v0, $0x7  }
0x4a: {  	s0 =	sand.u32 $0x1FFFFFF0, s5  }
0x4b: {  	s6 =	simm.s32 $0x380;
	s7 =	spop (v2sf);
	(v2sf) =	vpush v1, $0x7;
	s0 =	sadd.s32 s3, s0  }
0x4c: {  	[tilespmem:s6], [sflag:$0x6] =	stream.linear.gather [hbm4b:s0+s2], $0x80, $0x38;
	[tilespmem:$0x8100] =	vst v63  }
0x4d: {  	s0 =	sand.u32 $0x1FFFFFF0, s7  }
0x4e: {  	s8 =	simm.s32 $0x4380;
	s0 =	sadd.s32 s4, s0  }
0x4f: {  	[tilespmem:s8], [sflag:$0x6] =	stream.linear.gather [hbm4b:s0+s2], $0x80, $0x38;
	[tilespmem:$0x8100] =	vst v63  }
0x50: {  	s9 =	spop (v2sf)  }
0x51: {  	s0 =	sand.u32 $0x1FFFFFF0, s9  }
0x52: {  	s10 =	simm.s32 $0x400;
	s0 =	sadd.s32 s3, s0  }
0x53: {  	[tilespmem:s10], [sflag:$0x7] =	stream.linear.gather [hbm4b:s0+s2], $0x80, $0x38;
	[tilespmem:$0x8100] =	vst v63  }
0x54: {  	s11 =	spop (v2sf)  }
0x55: {  	s0 =	sand.u32 $0x1FFFFFF0, s11  }
0x56: {  	s12 =	simm.s32 $0x4400;
	s0 =	sadd.s32 s4, s0  }
0x57: {  	[tilespmem:s12], [sflag:$0x7] =	stream.linear.gather [hbm4b:s0+s2], $0x80, $0x38;
	[tilespmem:$0x8100] =	vst v63  }
0x58: {  	s13 =	spop (v2sf)  }
0x59: {  	s0 =	sand.u32 $0x1FFFFFF0, s13  }
0x5a: {  	s14 =	simm.s32 $0x480;
	s15 =	spop (v2sf);
	s0 =	sadd.s32 s3, s0  }
0x5b: {  	[tilespmem:s14], [sflag:$0x8] =	stream.linear.gather [hbm4b:s0+s2], $0x80, $0x38;
	[tilespmem:$0x8100] =	vst v63  }
0x5c: {  	s0 =	sand.u32 $0x1FFFFFF0, s15  }
0x5d: {  	s16 =	simm.s32 $0x4480;
	s0 =	sadd.s32 s4, s0  }
0x5e: {  	[tilespmem:s16], [sflag:$0x8] =	stream.linear.gather [hbm4b:s0+s2], $0x80, $0x38;
	[tilespmem:$0x8100] =	vst v63  }
0x5f: {  	v56 =	vld.msk [tilespmem:$0x8], $0xff;
	_ =	sdelay $0x1  }
0x60: {  	v57 =	vld.msk [tilespmem:$0x88], $0xff;
	_ =	sdelay $0x2  }
0x61: {  	v0 =	vshll.u32 v56, $0x4  }
0x62: {  	(v2sf) =	vpush v0, $0x0  }
0x63: {  	v1 =	vshll.u32 v57, $0x4  }
0x64: {  	(v2sf) =	vpush v1, $0x0;
	_ =	sdelay $0x1  }
0x65: {  	(v2sf) =	vpush v0, $0x1;
	_ =	sdelay $0x2  }
0x66: {  	(v2sf) =	vpush v1, $0x1;
	_ =	sdelay $0x7  }
0x67: {  	s24 =	spop (v2sf);
	(v2sf) =	vpush v0, $0x2;
	_ =	sdelay $0x1  }
0x68: {  	s26 =	spop (v2sf);
	(v2sf) =	vpush v1, $0x2;
	_ =	sdelay $0x1  }
0x69: {  	s30 =	spop (v2sf);
	(v2sf) =	vpush v0, $0x3;
	_ =	sdelay $0x1  }
0x6a: {  	s0 =	sand.u32 $0x1FFFFFF0, s24  }
0x6b: {  	s25 =	simm.s32 $0x500;
	s0 =	sadd.s32 s3, s0;
	s5 =	spop (v2sf);
	(v2sf) =	vpush v1, $0x3  }
0x6c: {  	[tilespmem:s25], [sflag:$0x1] =	stream.linear.gather [hbm4b:s0+s2], $0x80, $0x38;
	[tilespmem:$0x8100] =	vst v63  }
0x6d: {  	s0 =	sand.u32 $0x1FFFFFF0, s26  }
0x6e: {  	s29 =	simm.s32 $0x4500;
	s0 =	sadd.s32 s4, s0  }
0x6f: {  	[tilespmem:s29], [sflag:$0x1] =	stream.linear.gather [hbm4b:s0+s2], $0x80, $0x38;
	[tilespmem:$0x8100] =	vst v63  }
0x70: {  	s0 =	sand.u32 $0x1FFFFFF0, s30  }
0x71: {  	s31 =	simm.s32 $0x580;
	s0 =	sadd.s32 s3, s0  }
0x72: {  	[tilespmem:s31], [sflag:$0x2] =	stream.linear.gather [hbm4b:s0+s2], $0x80, $0x38;
	[tilespmem:$0x8100] =	vst v63  }
0x73: {  	s7 =	spop (v2sf);
	(v2sf) =	vpush v0, $0x4  }
0x74: {  	s0 =	sand.u32 $0x1FFFFFF0, s5  }
0x75: {  	s6 =	simm.s32 $0x4580;
	s0 =	sadd.s32 s4, s0;
	s9 =	spop (v2sf);
	(v2sf) =	vpush v1, $0x4  }
0x76: {  	[tilespmem:s6], [sflag:$0x2] =	stream.linear.gather [hbm4b:s0+s2], $0x80, $0x38;
	[tilespmem:$0x8100] =	vst v63  }
0x77: {  	s0 =	sand.u32 $0x1FFFFFF0, s7;
	s11 =	spop (v2sf);
	(v2sf) =	vpush v0, $0x5  }
0x78: {  	s8 =	simm.s32 $0x600;
	s0 =	sadd.s32 s3, s0  }
0x79: {  	[tilespmem:s8], [sflag:$0x3] =	stream.linear.gather [hbm4b:s0+s2], $0x80, $0x38;
	[tilespmem:$0x8100] =	vst v63  }
0x7a: {  	s13 =	spop (v2sf);
	(v2sf) =	vpush v1, $0x5  }
0x7b: {  	s0 =	sand.u32 $0x1FFFFFF0, s9  }
0x7c: {  	s10 =	simm.s32 $0x4600;
	s0 =	sadd.s32 s4, s0  }
0x7d: {  	[tilespmem:s10], [sflag:$0x3] =	stream.linear.gather [hbm4b:s0+s2], $0x80, $0x38;
	[tilespmem:$0x8100] =	vst v63  }
0x7e: {  	s0 =	sand.u32 $0x1FFFFFF0, s11  }
0x7f: {  	s12 =	simm.s32 $0x680;
	s0 =	sadd.s32 s3, s0  }
0x80: {  	[tilespmem:s12], [sflag:$0x4] =	stream.linear.gather [hbm4b:s0+s2], $0x80, $0x38;
	[tilespmem:$0x8100] =	vst v63  }
0x81: {  	s0 =	sand.u32 $0x1FFFFFF0, s13  }
0x82: {  	s14 =	simm.s32 $0x4680;
	s0 =	sadd.s32 s4, s0;
	s15 =	spop (v2sf);
	(v2sf) =	vpush v0, $0x6  }
0x83: {  	[tilespmem:s14], [sflag:$0x4] =	stream.linear.gather [hbm4b:s0+s2], $0x80, $0x38;
	[tilespmem:$0x8100] =	vst v63  }
0x84: {  	s24 =	spop (v2sf);
	(v2sf) =	vpush v1, $0x6  }
0x85: {  	s0 =	sand.u32 $0x1FFFFFF0, s15  }
0x86: {  	s16 =	simm.s32 $0x700;
	s0 =	sadd.s32 s3, s0;
	s26 =	spop (v2sf)  }
0x87: {  	(v2sf) =	vpush v0, $0x7;
	[tilespmem:s16], [sflag:$0x5] =	stream.linear.gather [hbm4b:s0+s2], $0x80, $0x38;
	[tilespmem:$0x8100] =	vst v63  }
0x88: {  	s0 =	sand.u32 $0x1FFFFFF0, s24  }
0x89: {  	s25 =	simm.s32 $0x4700;
	s30 =	spop (v2sf);
	s0 =	sadd.s32 s4, s0  }
0x8a: {  	(v2sf) =	vpush v1, $0x7;
	[tilespmem:s25], [sflag:$0x5] =	stream.linear.gather [hbm4b:s0+s2], $0x80, $0x38;
	[tilespmem:$0x8100] =	vst v63  }
0x8b: {  	s0 =	sand.u32 $0x1FFFFFF0, s26  }
0x8c: {  	s29 =	simm.s32 $0x780;
	s0 =	sadd.s32 s3, s0  }
0x8d: {  	[tilespmem:s29], [sflag:$0x6] =	stream.linear.gather [hbm4b:s0+s2], $0x80, $0x38;
	[tilespmem:$0x8100] =	vst v63  }
0x8e: {  	s0 =	sand.u32 $0x1FFFFFF0, s30  }
0x8f: {  	s31 =	simm.s32 $0x4780;
	s0 =	sadd.s32 s4, s0  }
0x90: {  	[tilespmem:s31], [sflag:$0x6] =	stream.linear.gather [hbm4b:s0+s2], $0x80, $0x38;
	[tilespmem:$0x8100] =	vst v63  }
0x91: {  	s5 =	spop (v2sf)  }
0x92: {  	s0 =	sand.u32 $0x1FFFFFF0, s5  }
0x93: {  	s6 =	simm.s32 $0x800;
	s7 =	spop (v2sf);
	s0 =	sadd.s32 s3, s0  }
0x94: {  	[tilespmem:s6], [sflag:$0x7] =	stream.linear.gather [hbm4b:s0+s2], $0x80, $0x38;
	[tilespmem:$0x8100] =	vst v63  }
0x95: {  	s0 =	sand.u32 $0x1FFFFFF0, s7  }
0x96: {  	s8 =	simm.s32 $0x4800;
	s9 =	spop (v2sf);
	s0 =	sadd.s32 s4, s0  }
0x97: {  	[tilespmem:s8], [sflag:$0x7] =	stream.linear.gather [hbm4b:s0+s2], $0x80, $0x38;
	[tilespmem:$0x8100] =	vst v63  }
0x98: {  	s0 =	sand.u32 $0x1FFFFFF0, s9  }
0x99: {  	s10 =	simm.s32 $0x880;
	s11 =	spop (v2sf);
	s0 =	sadd.s32 s3, s0  }
0x9a: {  	[tilespmem:s10], [sflag:$0x8] =	stream.linear.gather [hbm4b:s0+s2], $0x80, $0x38;
	[tilespmem:$0x8100] =	vst v63  }
0x9b: {  	s0 =	sand.u32 $0x1FFFFFF0, s11  }
0x9c: {  	s12 =	simm.s32 $0x4880;
	s0 =	sadd.s32 s4, s0  }
0x9d: {  	[tilespmem:s12], [sflag:$0x8] =	stream.linear.gather [hbm4b:s0+s2], $0x80, $0x38;
	[tilespmem:$0x8100] =	vst v63  }
0x9e: {  	v58 =	vld.msk [tilespmem:$0x10], $0xff;
	_ =	sdelay $0x1  }
0x9f: {  	v59 =	vld.msk [tilespmem:$0x90], $0xff;
	_ =	sdelay $0x2  }
0xa0: {  	v0 =	vshll.u32 v58, $0x4  }
0xa1: {  	(v2sf) =	vpush v0, $0x0  }
0xa2: {  	v1 =	vshll.u32 v59, $0x4  }
0xa3: {  	(v2sf) =	vpush v1, $0x0;
	_ =	sdelay $0x1  }
0xa4: {  	(v2sf) =	vpush v0, $0x1;
	_ =	sdelay $0x2  }
0xa5: {  	(v2sf) =	vpush v1, $0x1;
	_ =	sdelay $0x7  }
0xa6: {  	s13 =	spop (v2sf);
	(v2sf) =	vpush v0, $0x2;
	_ =	sdelay $0x1  }
0xa7: {  	s15 =	spop (v2sf);
	(v2sf) =	vpush v1, $0x2;
	_ =	sdelay $0x1  }
0xa8: {  	s24 =	spop (v2sf);
	(v2sf) =	vpush v0, $0x3;
	_ =	sdelay $0x1  }
0xa9: {  	s0 =	sand.u32 $0x1FFFFFF0, s13  }
0xaa: {  	s14 =	simm.s32 $0x900;
	s0 =	sadd.s32 s3, s0;
	s26 =	spop (v2sf);
	(v2sf) =	vpush v1, $0x3  }
0xab: {  	[tilespmem:s14], [sflag:$0x1] =	stream.linear.gather [hbm4b:s0+s2], $0x80, $0x38;
	[tilespmem:$0x8100] =	vst v63  }
0xac: {  	s0 =	sand.u32 $0x1FFFFFF0, s15  }
0xad: {  	s16 =	simm.s32 $0x4900;
	s0 =	sadd.s32 s4, s0  }
0xae: {  	[tilespmem:s16], [sflag:$0x1] =	stream.linear.gather [hbm4b:s0+s2], $0x80, $0x38;
	[tilespmem:$0x8100] =	vst v63  }
0xaf: {  	s0 =	sand.u32 $0x1FFFFFF0, s24  }
0xb0: {  	s25 =	simm.s32 $0x980;
	s0 =	sadd.s32 s3, s0  }
0xb1: {  	[tilespmem:s25], [sflag:$0x2] =	stream.linear.gather [hbm4b:s0+s2], $0x80, $0x38;
	[tilespmem:$0x8100] =	vst v63  }
0xb2: {  	s30 =	spop (v2sf);
	(v2sf) =	vpush v0, $0x4  }
0xb3: {  	s0 =	sand.u32 $0x1FFFFFF0, s26  }
0xb4: {  	s29 =	simm.s32 $0x4980;
	s0 =	sadd.s32 s4, s0;
	s5 =	spop (v2sf);
	(v2sf) =	vpush v1, $0x4  }
0xb5: {  	[tilespmem:s29], [sflag:$0x2] =	stream.linear.gather [hbm4b:s0+s2], $0x80, $0x38;
	[tilespmem:$0x8100] =	vst v63  }
0xb6: {  	s0 =	sand.u32 $0x1FFFFFF0, s30;
	s7 =	spop (v2sf);
	(v2sf) =	vpush v0, $0x5  }
0xb7: {  	s31 =	simm.s32 $0xA00;
	s0 =	sadd.s32 s3, s0  }
0xb8: {  	[tilespmem:s31], [sflag:$0x3] =	stream.linear.gather [hbm4b:s0+s2], $0x80, $0x38;
	[tilespmem:$0x8100] =	vst v63  }
0xb9: {  	s9 =	spop (v2sf);
	(v2sf) =	vpush v1, $0x5  }
0xba: {  	s0 =	sand.u32 $0x1FFFFFF0, s5  }
0xbb: {  	s6 =	simm.s32 $0x4A00;
	s0 =	sadd.s32 s4, s0  }
0xbc: {  	[tilespmem:s6], [sflag:$0x3] =	stream.linear.gather [hbm4b:s0+s2], $0x80, $0x38;
	[tilespmem:$0x8100] =	vst v63  }
0xbd: {  	s0 =	sand.u32 $0x1FFFFFF0, s7  }
0xbe: {  	s8 =	simm.s32 $0xA80;
	s0 =	sadd.s32 s3, s0  }
0xbf: {  	[tilespmem:s8], [sflag:$0x4] =	stream.linear.gather [hbm4b:s0+s2], $0x80, $0x38;
	[tilespmem:$0x8100] =	vst v63  }
0xc0: {  	s0 =	sand.u32 $0x1FFFFFF0, s9  }
0xc1: {  	s10 =	simm.s32 $0x4A80;
	s0 =	sadd.s32 s4, s0;
	s11 =	spop (v2sf);
	(v2sf) =	vpush v0, $0x6  }
0xc2: {  	[tilespmem:s10], [sflag:$0x4] =	stream.linear.gather [hbm4b:s0+s2], $0x80, $0x38;
	[tilespmem:$0x8100] =	vst v63  }
0xc3: {  	s13 =	spop (v2sf);
	(v2sf) =	vpush v1, $0x6  }
0xc4: {  	s0 =	sand.u32 $0x1FFFFFF0, s11  }
0xc5: {  	s12 =	simm.s32 $0xB00;
	s0 =	sadd.s32 s3, s0;
	s15 =	spop (v2sf)  }
0xc6: {  	(v2sf) =	vpush v0, $0x7;
	[tilespmem:s12], [sflag:$0x5] =	stream.linear.gather [hbm4b:s0+s2], $0x80, $0x38;
	[tilespmem:$0x8100] =	vst v63  }
0xc7: {  	s0 =	sand.u32 $0x1FFFFFF0, s13  }
0xc8: {  	s14 =	simm.s32 $0x4B00;
	s24 =	spop (v2sf);
	s0 =	sadd.s32 s4, s0  }
0xc9: {  	(v2sf) =	vpush v1, $0x7;
	[tilespmem:s14], [sflag:$0x5] =	stream.linear.gather [hbm4b:s0+s2], $0x80, $0x38;
	[tilespmem:$0x8100] =	vst v63  }
0xca: {  	s0 =	sand.u32 $0x1FFFFFF0, s15  }
0xcb: {  	s16 =	simm.s32 $0xB80;
	s0 =	sadd.s32 s3, s0  }
0xcc: {  	[tilespmem:s16], [sflag:$0x6] =	stream.linear.gather [hbm4b:s0+s2], $0x80, $0x38;
	[tilespmem:$0x8100] =	vst v63  }
0xcd: {  	s0 =	sand.u32 $0x1FFFFFF0, s24  }
0xce: {  	s25 =	simm.s32 $0x4B80;
	s0 =	sadd.s32 s4, s0  }
0xcf: {  	[tilespmem:s25], [sflag:$0x6] =	stream.linear.gather [hbm4b:s0+s2], $0x80, $0x38;
	[tilespmem:$0x8100] =	vst v63  }
0xd0: {  	s26 =	spop (v2sf)  }
0xd1: {  	s0 =	sand.u32 $0x1FFFFFF0, s26  }
0xd2: {  	s29 =	simm.s32 $0xC00;
	s30 =	spop (v2sf);
	s0 =	sadd.s32 s3, s0  }
0xd3: {  	[tilespmem:s29], [sflag:$0x7] =	stream.linear.gather [hbm4b:s0+s2], $0x80, $0x38;
	[tilespmem:$0x8100] =	vst v63  }
0xd4: {  	s0 =	sand.u32 $0x1FFFFFF0, s30  }
0xd5: {  	s31 =	simm.s32 $0x4C00;
	s5 =	spop (v2sf);
	s0 =	sadd.s32 s4, s0  }
0xd6: {  	[tilespmem:s31], [sflag:$0x7] =	stream.linear.gather [hbm4b:s0+s2], $0x80, $0x38;
	[tilespmem:$0x8100] =	vst v63  }
0xd7: {  	s0 =	sand.u32 $0x1FFFFFF0, s5  }
0xd8: {  	s6 =	simm.s32 $0xC80;
	s7 =	spop (v2sf);
	s0 =	sadd.s32 s3, s0  }
0xd9: {  	[tilespmem:s6], [sflag:$0x8] =	stream.linear.gather [hbm4b:s0+s2], $0x80, $0x38;
	[tilespmem:$0x8100] =	vst v63  }
0xda: {  	s0 =	sand.u32 $0x1FFFFFF0, s7  }
0xdb: {  	s8 =	simm.s32 $0x4C80;
	s0 =	sadd.s32 s4, s0  }
0xdc: {  	[tilespmem:s8], [sflag:$0x8] =	stream.linear.gather [hbm4b:s0+s2], $0x80, $0x38;
	[tilespmem:$0x8100] =	vst v63  }
0xdd: {  	v60 =	vld.msk [tilespmem:$0x18], $0xff;
	_ =	sdelay $0x1  }
0xde: {  	v61 =	vld.msk [tilespmem:$0x98], $0xff;
	_ =	sdelay $0x2  }
0xdf: {  	v0 =	vshll.u32 v60, $0x4  }
0xe0: {  	(v2sf) =	vpush v0, $0x0  }
0xe1: {  	v1 =	vshll.u32 v61, $0x4  }
0xe2: {  	(v2sf) =	vpush v1, $0x0;
	_ =	sdelay $0x1  }
0xe3: {  	(v2sf) =	vpush v0, $0x1;
	_ =	sdelay $0x2  }
0xe4: {  	(v2sf) =	vpush v1, $0x1;
	_ =	sdelay $0x7  }
0xe5: {  	s9 =	spop (v2sf);
	(v2sf) =	vpush v0, $0x2;
	_ =	sdelay $0x1  }
0xe6: {  	s11 =	spop (v2sf);
	(v2sf) =	vpush v1, $0x2;
	_ =	sdelay $0x1  }
0xe7: {  	s13 =	spop (v2sf);
	(v2sf) =	vpush v0, $0x3;
	_ =	sdelay $0x1  }
0xe8: {  	s0 =	sand.u32 $0x1FFFFFF0, s9  }
0xe9: {  	s10 =	simm.s32 $0xD00;
	s0 =	sadd.s32 s3, s0;
	s15 =	spop (v2sf);
	(v2sf) =	vpush v1, $0x3  }
0xea: {  	[tilespmem:s10], [sflag:$0x1] =	stream.linear.gather [hbm4b:s0+s2], $0x80, $0x38;
	[tilespmem:$0x8100] =	vst v63  }
0xeb: {  	s0 =	sand.u32 $0x1FFFFFF0, s11  }
0xec: {  	s12 =	simm.s32 $0x4D00;
	s0 =	sadd.s32 s4, s0  }
0xed: {  	[tilespmem:s12], [sflag:$0x1] =	stream.linear.gather [hbm4b:s0+s2], $0x80, $0x38;
	[tilespmem:$0x8100] =	vst v63  }
0xee: {  	s0 =	sand.u32 $0x1FFFFFF0, s13  }
0xef: {  	s14 =	simm.s32 $0xD80;
	s0 =	sadd.s32 s3, s0  }
0xf0: {  	[tilespmem:s14], [sflag:$0x2] =	stream.linear.gather [hbm4b:s0+s2], $0x80, $0x38;
	[tilespmem:$0x8100] =	vst v63  }
0xf1: {  	s24 =	spop (v2sf);
	(v2sf) =	vpush v0, $0x4  }
0xf2: {  	s0 =	sand.u32 $0x1FFFFFF0, s15  }
0xf3: {  	s16 =	simm.s32 $0x4D80;
	s0 =	sadd.s32 s4, s0;
	s26 =	spop (v2sf);
	(v2sf) =	vpush v1, $0x4  }
0xf4: {  	[tilespmem:s16], [sflag:$0x2] =	stream.linear.gather [hbm4b:s0+s2], $0x80, $0x38;
	[tilespmem:$0x8100] =	vst v63  }
0xf5: {  	s0 =	sand.u32 $0x1FFFFFF0, s24;
	s30 =	spop (v2sf);
	(v2sf) =	vpush v0, $0x5  }
0xf6: {  	s25 =	simm.s32 $0xE00;
	s0 =	sadd.s32 s3, s0  }
0xf7: {  	[tilespmem:s25], [sflag:$0x3] =	stream.linear.gather [hbm4b:s0+s2], $0x80, $0x38;
	[tilespmem:$0x8100] =	vst v63  }
0xf8: {  	s5 =	spop (v2sf);
	(v2sf) =	vpush v1, $0x5  }
0xf9: {  	s0 =	sand.u32 $0x1FFFFFF0, s26  }
0xfa: {  	s29 =	simm.s32 $0x4E00;
	s0 =	sadd.s32 s4, s0  }
0xfb: {  	[tilespmem:s29], [sflag:$0x3] =	stream.linear.gather [hbm4b:s0+s2], $0x80, $0x38;
	[tilespmem:$0x8100] =	vst v63  }
0xfc: {  	s0 =	sand.u32 $0x1FFFFFF0, s30  }
0xfd: {  	s31 =	simm.s32 $0xE80;
	s0 =	sadd.s32 s3, s0  }
0xfe: {  	[tilespmem:s31], [sflag:$0x4] =	stream.linear.gather [hbm4b:s0+s2], $0x80, $0x38;
	[tilespmem:$0x8100] =	vst v63  }
0xff: {  	s0 =	sand.u32 $0x1FFFFFF0, s5  }
0x100: {  	s6 =	simm.s32 $0x4E80;
	s0 =	sadd.s32 s4, s0;
	s7 =	spop (v2sf);
	(v2sf) =	vpush v0, $0x6  }
0x101: {  	[tilespmem:s6], [sflag:$0x4] =	stream.linear.gather [hbm4b:s0+s2], $0x80, $0x38;
	[tilespmem:$0x8100] =	vst v63  }
0x102: {  	s9 =	spop (v2sf);
	(v2sf) =	vpush v1, $0x6  }
0x103: {  	s0 =	sand.u32 $0x1FFFFFF0, s7  }
0x104: {  	s8 =	simm.s32 $0xF00;
	s0 =	sadd.s32 s3, s0;
	s11 =	spop (v2sf)  }
0x105: {  	(v2sf) =	vpush v0, $0x7;
	[tilespmem:s8], [sflag:$0x5] =	stream.linear.gather [hbm4b:s0+s2], $0x80, $0x38;
	[tilespmem:$0x8100] =	vst v63  }
0x106: {  	s0 =	sand.u32 $0x1FFFFFF0, s9  }
0x107: {  	s10 =	simm.s32 $0x4F00;
	s13 =	spop (v2sf);
	s0 =	sadd.s32 s4, s0  }
0x108: {  	(v2sf) =	vpush v1, $0x7;
	[tilespmem:s10], [sflag:$0x5] =	stream.linear.gather [hbm4b:s0+s2], $0x80, $0x38;
	[tilespmem:$0x8100] =	vst v63  }
0x109: {  	s0 =	sand.u32 $0x1FFFFFF0, s11  }
0x10a: {  	s12 =	simm.s32 $0xF80;
	s0 =	sadd.s32 s3, s0  }
0x10b: {  	[tilespmem:s12], [sflag:$0x6] =	stream.linear.gather [hbm4b:s0+s2], $0x80, $0x38;
	[tilespmem:$0x8100] =	vst v63  }
0x10c: {  	s0 =	sand.u32 $0x1FFFFFF0, s13  }
0x10d: {  	s14 =	simm.s32 $0x4F80;
	s0 =	sadd.s32 s4, s0  }
0x10e: {  	[tilespmem:s14], [sflag:$0x6] =	stream.linear.gather [hbm4b:s0+s2], $0x80, $0x38;
	[tilespmem:$0x8100] =	vst v63  }
0x10f: {  	s15 =	spop (v2sf)  }
0x110: {  	s0 =	sand.u32 $0x1FFFFFF0, s15  }
0x111: {  	s16 =	simm.s32 $0x1000;
	s24 =	spop (v2sf);
	s0 =	sadd.s32 s3, s0  }
0x112: {  	[tilespmem:s16], [sflag:$0x7] =	stream.linear.gather [hbm4b:s0+s2], $0x80, $0x38;
	[tilespmem:$0x8100] =	vst v63  }
0x113: {  	s0 =	sand.u32 $0x1FFFFFF0, s24  }
0x114: {  	s25 =	simm.s32 $0x5000;
	s26 =	spop (v2sf);
	s0 =	sadd.s32 s4, s0  }
0x115: {  	[tilespmem:s25], [sflag:$0x7] =	stream.linear.gather [hbm4b:s0+s2], $0x80, $0x38;
	[tilespmem:$0x8100] =	vst v63  }
0x116: {  	s0 =	sand.u32 $0x1FFFFFF0, s26  }
0x117: {  	s29 =	simm.s32 $0x1080;
	s30 =	spop (v2sf);
	s0 =	sadd.s32 s3, s0  }
0x118: {  	[tilespmem:s29], [sflag:$0x8] =	stream.linear.gather [hbm4b:s0+s2], $0x80, $0x38;
	[tilespmem:$0x8100] =	vst v63  }
0x119: {  	s0 =	sand.u32 $0x1FFFFFF0, s30  }
0x11a: {  	s31 =	simm.s32 $0x5080;
	s25 =	simm.s32 $0x20;
	s0 =	sadd.s32 s4, s0  }
0x11b: {  	[tilespmem:s31], [sflag:$0x8] =	stream.linear.gather [hbm4b:s0+s2], $0x80, $0x38;
	[tilespmem:$0x8100] =	vst v63  }
0x11c: {  	v62 =	vld.msk [tilespmem:s25+$0x0], $0xff  }
0x11d: {  	s26 =	simm.s32 $0xA0  }
0x11e: {  	v63 =	vld.msk [tilespmem:s26+$0x0], $0xff;
	_ =	sdelay $0x2  }
0x11f: {  	v0 =	vshll.u32 v62, $0x4  }
0x120: {  	(v2sf) =	vpush v0, $0x0  }
0x121: {  	v1 =	vshll.u32 v63, $0x4  }
0x122: {  	(v2sf) =	vpush v1, $0x0;
	_ =	sdelay $0x1  }
0x123: {  	(v2sf) =	vpush v0, $0x1;
	_ =	sdelay $0x2  }
0x124: {  	(v2sf) =	vpush v1, $0x1;
	_ =	sdelay $0x7  }
0x125: {  	s5 =	spop (v2sf);
	(v2sf) =	vpush v0, $0x2;
	_ =	sdelay $0x1  }
0x126: {  	s7 =	spop (v2sf);
	(v2sf) =	vpush v1, $0x2;
	_ =	sdelay $0x1  }
0x127: {  	s9 =	spop (v2sf);
	(v2sf) =	vpush v0, $0x3;
	_ =	sdelay $0x1  }
0x128: {  	s0 =	sand.u32 $0x1FFFFFF0, s5  }
0x129: {  	s6 =	simm.s32 $0x1100;
	s0 =	sadd.s32 s3, s0;
	s11 =	spop (v2sf);
	(v2sf) =	vpush v1, $0x3  }
0x12a: {  	[tilespmem:s6], [sflag:$0x1] =	stream.linear.gather [hbm4b:s0+s2], $0x80, $0x38;
	[tilespmem:$0x8100] =	vst v63  }
0x12b: {  	s0 =	sand.u32 $0x1FFFFFF0, s7  }
0x12c: {  	s8 =	simm.s32 $0x5100;
	s0 =	sadd.s32 s4, s0  }
0x12d: {  	[tilespmem:s8], [sflag:$0x1] =	stream.linear.gather [hbm4b:s0+s2], $0x80, $0x38;
	[tilespmem:$0x8100] =	vst v63  }
0x12e: {  	s0 =	sand.u32 $0x1FFFFFF0, s9  }
0x12f: {  	s10 =	simm.s32 $0x1180;
	s0 =	sadd.s32 s3, s0  }
0x130: {  	[tilespmem:s10], [sflag:$0x2] =	stream.linear.gather [hbm4b:s0+s2], $0x80, $0x38;
	[tilespmem:$0x8100] =	vst v63  }
0x131: {  	s13 =	spop (v2sf);
	(v2sf) =	vpush v0, $0x4  }
0x132: {  	s0 =	sand.u32 $0x1FFFFFF0, s11  }
0x133: {  	s12 =	simm.s32 $0x5180;
	s0 =	sadd.s32 s4, s0;
	s15 =	spop (v2sf);
	(v2sf) =	vpush v1, $0x4  }
0x134: {  	[tilespmem:s12], [sflag:$0x2] =	stream.linear.gather [hbm4b:s0+s2], $0x80, $0x38;
	[tilespmem:$0x8100] =	vst v63  }
0x135: {  	s0 =	sand.u32 $0x1FFFFFF0, s13;
	s24 =	spop (v2sf);
	(v2sf) =	vpush v0, $0x5  }
0x136: {  	s14 =	simm.s32 $0x1200;
	s0 =	sadd.s32 s3, s0  }
0x137: {  	[tilespmem:s14], [sflag:$0x3] =	stream.linear.gather [hbm4b:s0+s2], $0x80, $0x38;
	[tilespmem:$0x8100] =	vst v63  }
0x138: {  	s30 =	spop (v2sf);
	(v2sf) =	vpush v1, $0x5  }
0x139: {  	s0 =	sand.u32 $0x1FFFFFF0, s15  }
0x13a: {  	s16 =	simm.s32 $0x5200;
	s0 =	sadd.s32 s4, s0  }
0x13b: {  	[tilespmem:s16], [sflag:$0x3] =	stream.linear.gather [hbm4b:s0+s2], $0x80, $0x38;
	[tilespmem:$0x8100] =	vst v63  }
0x13c: {  	s0 =	sand.u32 $0x1FFFFFF0, s24  }
0x13d: {  	s29 =	simm.s32 $0x1280;
	s0 =	sadd.s32 s3, s0  }
0x13e: {  	[tilespmem:s29], [sflag:$0x4] =	stream.linear.gather [hbm4b:s0+s2], $0x80, $0x38;
	[tilespmem:$0x8100] =	vst v63  }
0x13f: {  	s0 =	sand.u32 $0x1FFFFFF0, s30  }
0x140: {  	s31 =	simm.s32 $0x5280;
	s0 =	sadd.s32 s4, s0;
	s1 =	spop (v2sf);
	(v2sf) =	vpush v0, $0x6  }
0x141: {  	[tilespmem:s31], [sflag:$0x4] =	stream.linear.gather [hbm4b:s0+s2], $0x80, $0x38;
	[tilespmem:$0x8100] =	vst v63  }
0x142: {  	s6 =	spop (v2sf);
	(v2sf) =	vpush v1, $0x6  }
0x143: {  	s0 =	sand.u32 $0x1FFFFFF0, s1  }
0x144: {  	s5 =	simm.s32 $0x1300;
	s0 =	sadd.s32 s3, s0;
	s8 =	spop (v2sf)  }
0x145: {  	(v2sf) =	vpush v0, $0x7;
	[tilespmem:s5], [sflag:$0x5] =	stream.linear.gather [hbm4b:s0+s2], $0x80, $0x38;
	[tilespmem:$0x8100] =	vst v63  }
0x146: {  	s0 =	sand.u32 $0x1FFFFFF0, s6  }
0x147: {  	s7 =	simm.s32 $0x5300;
	s10 =	spop (v2sf);
	s0 =	sadd.s32 s4, s0  }
0x148: {  	(v2sf) =	vpush v1, $0x7;
	[tilespmem:s7], [sflag:$0x5] =	stream.linear.gather [hbm4b:s0+s2], $0x80, $0x38;
	[tilespmem:$0x8100] =	vst v63  }
0x149: {  	s0 =	sand.u32 $0x1FFFFFF0, s8  }
0x14a: {  	s9 =	simm.s32 $0x1380;
	s0 =	sadd.s32 s3, s0  }
0x14b: {  	[tilespmem:s9], [sflag:$0x6] =	stream.linear.gather [hbm4b:s0+s2], $0x80, $0x38;
	[tilespmem:$0x8100] =	vst v63  }
0x14c: {  	s0 =	sand.u32 $0x1FFFFFF0, s10  }
0x14d: {  	s11 =	simm.s32 $0x5380;
	s0 =	sadd.s32 s4, s0  }
0x14e: {  	[tilespmem:s11], [sflag:$0x6] =	stream.linear.gather [hbm4b:s0+s2], $0x80, $0x38;
	[tilespmem:$0x8100] =	vst v63  }
0x14f: {  	s12 =	spop (v2sf)  }
0x150: {  	s0 =	sand.u32 $0x1FFFFFF0, s12  }
0x151: {  	s13 =	simm.s32 $0x1400;
	s14 =	spop (v2sf);
	s0 =	sadd.s32 s3, s0  }
0x152: {  	[tilespmem:s13], [sflag:$0x7] =	stream.linear.gather [hbm4b:s0+s2], $0x80, $0x38;
	[tilespmem:$0x8100] =	vst v63  }
0x153: {  	s0 =	sand.u32 $0x1FFFFFF0, s14  }
0x154: {  	s15 =	simm.s32 $0x5400;
	s16 =	spop (v2sf);
	s0 =	sadd.s32 s4, s0  }
0x155: {  	[tilespmem:s15], [sflag:$0x7] =	stream.linear.gather [hbm4b:s0+s2], $0x80, $0x38;
	[tilespmem:$0x8100] =	vst v63  }
0x156: {  	s0 =	sand.u32 $0x1FFFFFF0, s16  }
0x157: {  	s24 =	simm.s32 $0x1480;
	s29 =	spop (v2sf);
	s0 =	sadd.s32 s3, s0  }
0x158: {  	[tilespmem:s24], [sflag:$0x8] =	stream.linear.gather [hbm4b:s0+s2], $0x80, $0x38;
	[tilespmem:$0x8100] =	vst v63  }
0x159: {  	s0 =	sand.u32 $0x1FFFFFF0, s29  }
0x15a: {  	s30 =	simm.s32 $0x5480;
	s31 =	simm.s32 $0x1;
	s0 =	sadd.s32 s4, s0  }
0x15b: {  	[tilespmem:s30], [sflag:$0x8] =	stream.linear.gather [hbm4b:s0+s2], $0x80, $0x38;
	[tilespmem:$0x8100] =	vst v63  }
0x15c: {  	_ =	swait.ge [sflag:s31], $0x80  }
0x15d: {  	[sflag:s31] =	ssyncset.done $0x0  }
0x15e: {  	[sflag:s31] =	ssyncadd.s32 $0xFFFFFF80  }
0x15f: {  	_ =	swait.ge [sflag:s31], $0x80  }
0x160: {  	[sflag:s31] =	ssyncset.done $0x0  }
0x161: {  	[sflag:s31] =	ssyncadd.s32 $0xFFFFFF80  }
0x162: {  	_ =	swait.ge [sflag:s17], $0x80  }
0x163: {  	[sflag:s17] =	ssyncset.done $0x0  }
0x164: {  	[sflag:s17] =	ssyncadd.s32 $0xFFFFFF80  }
0x165: {  	_ =	swait.ge [sflag:s17], $0x80  }
0x166: {  	[sflag:s17] =	ssyncset.done $0x0  }
0x167: {  	[sflag:s17] =	ssyncadd.s32 $0xFFFFFF80  }
0x168: {  	_ =	swait.ge [sflag:s18], $0x80  }
0x169: {  	[sflag:s18] =	ssyncset.done $0x0  }
0x16a: {  	[sflag:s18] =	ssyncadd.s32 $0xFFFFFF80  }
0x16b: {  	_ =	swait.ge [sflag:s18], $0x80  }
0x16c: {  	[sflag:s18] =	ssyncset.done $0x0  }
0x16d: {  	[sflag:s18] =	ssyncadd.s32 $0xFFFFFF80  }
0x16e: {  	_ =	swait.ge [sflag:s19], $0x80  }
0x16f: {  	[sflag:s19] =	ssyncset.done $0x0  }
0x170: {  	[sflag:s19] =	ssyncadd.s32 $0xFFFFFF80  }
0x171: {  	_ =	swait.ge [sflag:s19], $0x80  }
0x172: {  	[sflag:s19] =	ssyncset.done $0x0  }
0x173: {  	[sflag:s19] =	ssyncadd.s32 $0xFFFFFF80  }
0x174: {  	_ =	swait.ge [sflag:s20], $0x80  }
0x175: {  	[sflag:s20] =	ssyncset.done $0x0  }
0x176: {  	[sflag:s20] =	ssyncadd.s32 $0xFFFFFF80  }
0x177: {  	_ =	swait.ge [sflag:s20], $0x80  }
0x178: {  	[sflag:s20] =	ssyncset.done $0x0  }
0x179: {  	[sflag:s20] =	ssyncadd.s32 $0xFFFFFF80  }
0x17a: {  	_ =	swait.ge [sflag:s21], $0x80  }
0x17b: {  	[sflag:s21] =	ssyncset.done $0x0  }
0x17c: {  	s28 =	simm.s32 $0x1000;
	[sflag:s21] =	ssyncadd.s32 $0xFFFFFF80  }
.LBB2_2:
0x17d: {  	_ =	swait.ge [sflag:s21], $0x80  }
0x17e: {  	s25 =	sadd.s32 $0x8, s25;
	s26 =	sadd.s32 $0x8, s26;
	s0 =	smov.u32 s28  }
0x17f: {  	p0 =	sne.s32 s28, $0xB000;
	s28 =	sadd.s32 $0x1000, s28;
	[sflag:s21] =	ssyncset.done $0x0  }
0x180: {  	[sflag:s21] =	ssyncadd.s32 $0xFFFFFF80  }
0x181: {  	_ =	swait.ge [sflag:s22], $0x80  }
0x182: {  	[sflag:s22] =	ssyncset.done $0x0  }
0x183: {  	[sflag:s22] =	ssyncadd.s32 $0xFFFFFF80  }
0x184: {  	_ =	swait.ge [sflag:s22], $0x80  }
0x185: {  	[sflag:s22] =	ssyncset.done $0x0  }
0x186: {  	[sflag:s22] =	ssyncadd.s32 $0xFFFFFF80  }
0x187: {  	_ =	swait.ge [sflag:s23], $0x80  }
0x188: {  	[sflag:s23] =	ssyncset.done $0x0  }
0x189: {  	[sflag:s23] =	ssyncadd.s32 $0xFFFFFF80  }
0x18a: {  	_ =	swait.ge [sflag:s23], $0x80  }
0x18b: {  	[sflag:s23] =	ssyncset.done $0x0  }
0x18c: {  	[sflag:s23] =	ssyncadd.s32 $0xFFFFFF80  }
0x18d: {  	v0 =	vld.msk [tilespmem:s25+$0x0], $0xff  }
0x18e: {  	v1 =	vld.msk [tilespmem:s26+$0x0], $0xff;
	_ =	sdelay $0x3  }
0x18f: {  	v0 =	vshll.u32 v0, $0x4  }
0x190: {  	v1 =	vshll.u32 v1, $0x4;
	(v2sf) =	vpush v0, $0x0  }
0x191: {  	(v2sf) =	vpush v1, $0x0  }
0x192: {  	s29 =	sshra.s32 s0, $0x2;
	(v2sf) =	vpush v0, $0x1  }
0x193: {  	s13 =	sadd.s32 $0x1100, s29;
	s15 =	sadd.s32 $0x1200, s29;
	s14 =	sadd.s32 $0x5200, s29  }
0x194: {  	s5 =	sadd.s32 $0x5100, s29;
	s6 =	sadd.s32 $0x5180, s29;
	(v2sf) =	vpush v1, $0x1  }
0x195: {  	s7 =	sadd.s32 $0x1180, s29  }
0x196: {  	(v2sf) =	vpush v0, $0x2;
	_ =	sdelay $0x1  }
0x197: {  	(v2sf) =	vpush v1, $0x2;
	_ =	sdelay $0x1  }
0x198: {  	(v2sf) =	vpush v0, $0x3;
	_ =	sdelay $0x1  }
0x199: {  	(v2sf) =	vpush v1, $0x3  }
0x19a: {  	s31 =	sadd.s32 $0x1400, s29;
	s30 =	sadd.s32 $0x5400, s29  }
0x19b: {  	s11 =	sadd.s32 $0x5300, s29;
	s1 =	sadd.s32 $0x1380, s29;
	s0 =	sadd.s32 $0x5380, s29;
	(v2sf) =	vpush v0, $0x4  }
0x19c: {  	s8 =	sadd.s32 $0x5280, s29;
	s12 =	sadd.s32 $0x1300, s29;
	s9 =	spop (v2sf)  }
0x19d: {  	s10 =	sadd.s32 $0x1280, s29;
	s9 =	sand.u32 $0x1FFFFFF0, s9;
	s24 =	spop (v2sf);
	(v2sf) =	vpush v1, $0x4  }
0x19e: {  	s9 =	sadd.s32 s3, s9;
	s24 =	sand.u32 $0x1FFFFFF0, s24;
	s16 =	spop (v2sf)  }
0x19f: {  	[tilespmem:s13], [sflag:$0x1] =	stream.linear.gather [hbm4b:s9+s2], $0x80, $0x38;
	(v2sf) =	vpush v0, $0x5;
	[tilespmem:$0x8100] =	vst v63  }
0x1a0: {  	s9 =	sadd.s32 s4, s24;
	s13 =	sand.u32 $0x1FFFFFF0, s16;
	s16 =	spop (v2sf)  }
0x1a1: {  	[tilespmem:s5], [sflag:$0x1] =	stream.linear.gather [hbm4b:s9+s2], $0x80, $0x38;
	(v2sf) =	vpush v1, $0x5;
	[tilespmem:$0x8100] =	vst v63  }
0x1a2: {  	s5 =	sadd.s32 s3, s13;
	s9 =	sand.u32 $0x1FFFFFF0, s16;
	s13 =	spop (v2sf)  }
0x1a3: {  	[tilespmem:s7], [sflag:$0x2] =	stream.linear.gather [hbm4b:s5+s2], $0x80, $0x38;
	(v2sf) =	vpush v0, $0x6;
	[tilespmem:$0x8100] =	vst v63  }
0x1a4: {  	s5 =	sadd.s32 s4, s9;
	s7 =	sand.u32 $0x1FFFFFF0, s13;
	s9 =	spop (v2sf)  }
0x1a5: {  	[tilespmem:s6], [sflag:$0x2] =	stream.linear.gather [hbm4b:s5+s2], $0x80, $0x38;
	(v2sf) =	vpush v1, $0x6;
	[tilespmem:$0x8100] =	vst v63  }
0x1a6: {  	s5 =	sadd.s32 s3, s7;
	s6 =	sand.u32 $0x1FFFFFF0, s9;
	s7 =	spop (v2sf)  }
0x1a7: {  	[tilespmem:s15], [sflag:$0x3] =	stream.linear.gather [hbm4b:s5+s2], $0x80, $0x38;
	(v2sf) =	vpush v0, $0x7;
	[tilespmem:$0x8100] =	vst v63  }
0x1a8: {  	s5 =	sadd.s32 s4, s6;
	s6 =	sand.u32 $0x1FFFFFF0, s7;
	s7 =	spop (v2sf)  }
0x1a9: {  	[tilespmem:s14], [sflag:$0x3] =	stream.linear.gather [hbm4b:s5+s2], $0x80, $0x38;
	(v2sf) =	vpush v1, $0x7;
	[tilespmem:$0x8100] =	vst v63  }
0x1aa: {  	s5 =	sadd.s32 s3, s6;
	s6 =	sand.u32 $0x1FFFFFF0, s7;
	s7 =	spop (v2sf)  }
0x1ab: {  	[tilespmem:s10], [sflag:$0x4] =	stream.linear.gather [hbm4b:s5+s2], $0x80, $0x38;
	[tilespmem:$0x8100] =	vst v63  }
0x1ac: {  	s5 =	sadd.s32 s4, s6;
	s6 =	sand.u32 $0x1FFFFFF0, s7;
	s7 =	spop (v2sf)  }
0x1ad: {  	[tilespmem:s8], [sflag:$0x4] =	stream.linear.gather [hbm4b:s5+s2], $0x80, $0x38;
	[tilespmem:$0x8100] =	vst v63  }
0x1ae: {  	s5 =	sadd.s32 s3, s6;
	s6 =	sand.u32 $0x1FFFFFF0, s7;
	s7 =	spop (v2sf)  }
0x1af: {  	[tilespmem:s12], [sflag:$0x5] =	stream.linear.gather [hbm4b:s5+s2], $0x80, $0x38;
	[tilespmem:$0x8100] =	vst v63  }
0x1b0: {  	s5 =	sadd.s32 s4, s6;
	s6 =	sand.u32 $0x1FFFFFF0, s7;
	s7 =	spop (v2sf)  }
0x1b1: {  	[tilespmem:s11], [sflag:$0x5] =	stream.linear.gather [hbm4b:s5+s2], $0x80, $0x38;
	[tilespmem:$0x8100] =	vst v63  }
0x1b2: {  	s5 =	sadd.s32 s3, s6;
	s6 =	sand.u32 $0x1FFFFFF0, s7;
	s7 =	spop (v2sf)  }
0x1b3: {  	[tilespmem:s1], [sflag:$0x6] =	stream.linear.gather [hbm4b:s5+s2], $0x80, $0x38;
	[tilespmem:$0x8100] =	vst v63  }
0x1b4: {  	s1 =	sadd.s32 s4, s6;
	s5 =	sand.u32 $0x1FFFFFF0, s7;
	s6 =	spop (v2sf)  }
0x1b5: {  	[tilespmem:s0], [sflag:$0x6] =	stream.linear.gather [hbm4b:s1+s2], $0x80, $0x38;
	[tilespmem:$0x8100] =	vst v63  }
0x1b6: {  	s0 =	sadd.s32 s3, s5;
	s1 =	sand.u32 $0x1FFFFFF0, s6;
	s5 =	spop (v2sf)  }
0x1b7: {  	[tilespmem:s31], [sflag:$0x7] =	stream.linear.gather [hbm4b:s0+s2], $0x80, $0x38;
	[tilespmem:$0x8100] =	vst v63  }
0x1b8: {  	s0 =	sadd.s32 s4, s1;
	s1 =	sand.u32 $0x1FFFFFF0, s5;
	s5 =	spop (v2sf)  }
0x1b9: {  	[tilespmem:s30], [sflag:$0x7] =	stream.linear.gather [hbm4b:s0+s2], $0x80, $0x38;
	[tilespmem:$0x8100] =	vst v63  }
0x1ba: {  	s1 =	sadd.s32 s3, s1;
	s0 =	sadd.s32 $0x1480, s29;
	s5 =	sand.u32 $0x1FFFFFF0, s5  }
0x1bb: {  	[tilespmem:s0], [sflag:$0x8] =	stream.linear.gather [hbm4b:s1+s2], $0x80, $0x38;
	[tilespmem:$0x8100] =	vst v63  }
0x1bc: {  	s0 =	sadd.s32 $0x5480, s29;
	s1 =	sadd.s32 s4, s5  }
0x1bd: {  	[tilespmem:s0], [sflag:$0x8] =	stream.linear.gather [hbm4b:s1+s2], $0x80, $0x38;
	[tilespmem:$0x8100] =	vst v63  }
0x1be: {  	s0 =	simm.s32 $0x1  }
0x1bf: {  	_ =	swait.ge [sflag:s0], $0x80  }
0x1c0: {  	[sflag:s0] =	ssyncset.done $0x0  }
0x1c1: {  	[sflag:s0] =	ssyncadd.s32 $0xFFFFFF80  }
0x1c2: {  	_ =	swait.ge [sflag:s0], $0x80  }
0x1c3: {  	[sflag:s0] =	ssyncset.done $0x0  }
0x1c4: {  	[sflag:s0] =	ssyncadd.s32 $0xFFFFFF80  }
0x1c5: {  	_ =	swait.ge [sflag:s17], $0x80  }
0x1c6: {  	[sflag:s17] =	ssyncset.done $0x0  }
0x1c7: {  	[sflag:s17] =	ssyncadd.s32 $0xFFFFFF80  }
0x1c8: {  	_ =	swait.ge [sflag:s17], $0x80  }
0x1c9: {  	[sflag:s17] =	ssyncset.done $0x0  }
0x1ca: {  	[sflag:s17] =	ssyncadd.s32 $0xFFFFFF80  }
0x1cb: {  	_ =	swait.ge [sflag:s18], $0x80  }
0x1cc: {  	[sflag:s18] =	ssyncset.done $0x0  }
0x1cd: {  	[sflag:s18] =	ssyncadd.s32 $0xFFFFFF80  }
0x1ce: {  	_ =	swait.ge [sflag:s18], $0x80  }
0x1cf: {  	[sflag:s18] =	ssyncset.done $0x0  }
0x1d0: {  	[sflag:s18] =	ssyncadd.s32 $0xFFFFFF80  }
0x1d1: {  	_ =	swait.ge [sflag:s19], $0x80  }
0x1d2: {  	[sflag:s19] =	ssyncset.done $0x0  }
0x1d3: {  	[sflag:s19] =	ssyncadd.s32 $0xFFFFFF80  }
0x1d4: {  	_ =	swait.ge [sflag:s19], $0x80  }
0x1d5: {  	[sflag:s19] =	ssyncset.done $0x0  }
0x1d6: {  	[sflag:s19] =	ssyncadd.s32 $0xFFFFFF80  }
0x1d7: {  	_ =	swait.ge [sflag:s20], $0x80  }
0x1d8: {  	[sflag:s20] =	ssyncset.done $0x0  }
0x1d9: {  	[sflag:s20] =	ssyncadd.s32 $0xFFFFFF80  }
0x1da: {  	_ =	swait.ge [sflag:s20], $0x80  }
.Ltmp0:
0x1db: {  	[sflag:s20] =	ssyncset.done $0x0;
	(pc) =	sbr.rel @p0 .LBB2_2-.Ltmp0, $4  }
0x1dc: {  	[sflag:s20] =	ssyncadd.s32 $0xFFFFFF80  }
0x1dd: {  	_ =	swait.ge [sflag:s21], $0x80  }
0x1de: {  	[sflag:s21] =	ssyncset.done $0x0  }
0x1df: {  	[sflag:s21] =	ssyncadd.s32 $0xFFFFFF80  }
0x1e0: {  	_ =	swait.ge [sflag:s21], $0x80  }
0x1e1: {  	[sflag:s21] =	ssyncset.done $0x0  }
0x1e2: {  	[sflag:s21] =	ssyncadd.s32 $0xFFFFFF80  }
0x1e3: {  	_ =	swait.ge [sflag:s22], $0x80  }
0x1e4: {  	[sflag:s22] =	ssyncset.done $0x0  }
0x1e5: {  	[sflag:s22] =	ssyncadd.s32 $0xFFFFFF80  }
0x1e6: {  	_ =	swait.ge [sflag:s22], $0x80  }
0x1e7: {  	[sflag:s22] =	ssyncset.done $0x0  }
0x1e8: {  	[sflag:s22] =	ssyncadd.s32 $0xFFFFFF80  }
0x1e9: {  	_ =	swait.ge [sflag:s23], $0x80  }
0x1ea: {  	[sflag:s23] =	ssyncset.done $0x0  }
0x1eb: {  	[sflag:s23] =	ssyncadd.s32 $0xFFFFFF80  }
0x1ec: {  	_ =	swait.ge [sflag:s23], $0x80  }
0x1ed: {  	[sflag:s23] =	ssyncset.done $0x0  }
0x1ee: {  	s0 =	simm.s32 $0x1;
	[sflag:s23] =	ssyncadd.s32 $0xFFFFFF80  }
0x1ef: {  	_ =	swait.ge [sflag:s0], $0x80  }
0x1f0: {  	[sflag:s0] =	ssyncset.done $0x0  }
0x1f1: {  	[sflag:s0] =	ssyncadd.s32 $0xFFFFFF80  }
0x1f2: {  	_ =	swait.ge [sflag:s0], $0x80  }
0x1f3: {  	[sflag:s0] =	ssyncset.done $0x0  }
0x1f4: {  	[sflag:s0] =	ssyncadd.s32 $0xFFFFFF80  }
0x1f5: {  	_ =	swait.ge [sflag:s17], $0x80  }
0x1f6: {  	[sflag:s17] =	ssyncset.done $0x0  }
0x1f7: {  	[sflag:s17] =	ssyncadd.s32 $0xFFFFFF80  }
0x1f8: {  	_ =	swait.ge [sflag:s17], $0x80  }
0x1f9: {  	[sflag:s17] =	ssyncset.done $0x0  }
0x1fa: {  	[sflag:s17] =	ssyncadd.s32 $0xFFFFFF80  }
0x1fb: {  	_ =	swait.ge [sflag:s18], $0x80  }
0x1fc: {  	[sflag:s18] =	ssyncset.done $0x0  }
0x1fd: {  	[sflag:s18] =	ssyncadd.s32 $0xFFFFFF80  }
0x1fe: {  	_ =	swait.ge [sflag:s18], $0x80  }
0x1ff: {  	[sflag:s18] =	ssyncset.done $0x0  }
0x200: {  	[sflag:s18] =	ssyncadd.s32 $0xFFFFFF80  }
0x201: {  	_ =	swait.ge [sflag:s19], $0x80  }
0x202: {  	[sflag:s19] =	ssyncset.done $0x0  }
0x203: {  	[sflag:s19] =	ssyncadd.s32 $0xFFFFFF80  }
0x204: {  	_ =	swait.ge [sflag:s19], $0x80  }
0x205: {  	[sflag:s19] =	ssyncset.done $0x0  }
0x206: {  	[sflag:s19] =	ssyncadd.s32 $0xFFFFFF80  }
0x207: {  	_ =	swait.ge [sflag:s20], $0x80  }
0x208: {  	[sflag:s20] =	ssyncset.done $0x0  }
0x209: {  	[sflag:s20] =	ssyncadd.s32 $0xFFFFFF80  }
0x20a: {  	_ =	swait.ge [sflag:s20], $0x80  }
0x20b: {  	[sflag:s20] =	ssyncset.done $0x0  }
0x20c: {  	[sflag:s20] =	ssyncadd.s32 $0xFFFFFF80  }
0x20d: {  	_ =	swait.ge [sflag:s21], $0x80  }
0x20e: {  	[sflag:s21] =	ssyncset.done $0x0  }
0x20f: {  	[sflag:s21] =	ssyncadd.s32 $0xFFFFFF80  }
0x210: {  	_ =	swait.ge [sflag:s21], $0x80  }
0x211: {  	[sflag:s21] =	ssyncset.done $0x0  }
0x212: {  	[sflag:s21] =	ssyncadd.s32 $0xFFFFFF80  }
0x213: {  	_ =	swait.ge [sflag:s22], $0x80  }
0x214: {  	[sflag:s22] =	ssyncset.done $0x0  }
0x215: {  	[sflag:s22] =	ssyncadd.s32 $0xFFFFFF80  }
0x216: {  	_ =	swait.ge [sflag:s22], $0x80  }
0x217: {  	[sflag:s22] =	ssyncset.done $0x0  }
0x218: {  	[sflag:s22] =	ssyncadd.s32 $0xFFFFFF80  }
0x219: {  	_ =	swait.ge [sflag:s23], $0x80  }
0x21a: {  	[sflag:s23] =	ssyncset.done $0x0  }
0x21b: {  	[sflag:s23] =	ssyncadd.s32 $0xFFFFFF80  }
0x21c: {  	_ =	swait.ge [sflag:s23], $0x80  }
0x21d: {  	[sflag:s23] =	ssyncset.done $0x0  }
0x21e: {  	[sflag:s23] =	ssyncadd.s32 $0xFFFFFF80  }
0x21f: {  	_ =	swait.ge [sflag:s0], $0x80  }
0x220: {  	[sflag:s0] =	ssyncset.done $0x0  }
0x221: {  	[sflag:s0] =	ssyncadd.s32 $0xFFFFFF80  }
0x222: {  	_ =	swait.ge [sflag:s0], $0x80  }
0x223: {  	[sflag:s0] =	ssyncset.done $0x0  }
0x224: {  	[sflag:s0] =	ssyncadd.s32 $0xFFFFFF80  }
0x225: {  	_ =	swait.ge [sflag:s17], $0x80  }
0x226: {  	[sflag:s17] =	ssyncset.done $0x0  }
0x227: {  	[sflag:s17] =	ssyncadd.s32 $0xFFFFFF80  }
0x228: {  	_ =	swait.ge [sflag:s17], $0x80  }
0x229: {  	[sflag:s17] =	ssyncset.done $0x0  }
0x22a: {  	[sflag:s17] =	ssyncadd.s32 $0xFFFFFF80  }
0x22b: {  	_ =	swait.ge [sflag:s18], $0x80  }
0x22c: {  	[sflag:s18] =	ssyncset.done $0x0  }
0x22d: {  	[sflag:s18] =	ssyncadd.s32 $0xFFFFFF80  }
0x22e: {  	_ =	swait.ge [sflag:s18], $0x80  }
0x22f: {  	[sflag:s18] =	ssyncset.done $0x0  }
0x230: {  	[sflag:s18] =	ssyncadd.s32 $0xFFFFFF80  }
0x231: {  	_ =	swait.ge [sflag:s19], $0x80  }
0x232: {  	[sflag:s19] =	ssyncset.done $0x0  }
0x233: {  	[sflag:s19] =	ssyncadd.s32 $0xFFFFFF80  }
0x234: {  	_ =	swait.ge [sflag:s19], $0x80  }
0x235: {  	[sflag:s19] =	ssyncset.done $0x0  }
0x236: {  	[sflag:s19] =	ssyncadd.s32 $0xFFFFFF80  }
0x237: {  	_ =	swait.ge [sflag:s20], $0x80  }
0x238: {  	[sflag:s20] =	ssyncset.done $0x0  }
0x239: {  	[sflag:s20] =	ssyncadd.s32 $0xFFFFFF80  }
0x23a: {  	_ =	swait.ge [sflag:s20], $0x80  }
0x23b: {  	[sflag:s20] =	ssyncset.done $0x0  }
0x23c: {  	[sflag:s20] =	ssyncadd.s32 $0xFFFFFF80  }
0x23d: {  	_ =	swait.ge [sflag:s21], $0x80  }
0x23e: {  	[sflag:s21] =	ssyncset.done $0x0  }
0x23f: {  	[sflag:s21] =	ssyncadd.s32 $0xFFFFFF80  }
0x240: {  	_ =	swait.ge [sflag:s21], $0x80  }
0x241: {  	[sflag:s21] =	ssyncset.done $0x0  }
0x242: {  	[sflag:s21] =	ssyncadd.s32 $0xFFFFFF80  }
0x243: {  	_ =	swait.ge [sflag:s22], $0x80  }
0x244: {  	[sflag:s22] =	ssyncset.done $0x0  }
0x245: {  	[sflag:s22] =	ssyncadd.s32 $0xFFFFFF80  }
0x246: {  	_ =	swait.ge [sflag:s22], $0x80  }
0x247: {  	[sflag:s22] =	ssyncset.done $0x0  }
0x248: {  	[sflag:s22] =	ssyncadd.s32 $0xFFFFFF80  }
0x249: {  	_ =	swait.ge [sflag:s23], $0x80  }
0x24a: {  	[sflag:s23] =	ssyncset.done $0x0  }
0x24b: {  	[sflag:s23] =	ssyncadd.s32 $0xFFFFFF80  }
0x24c: {  	_ =	swait.ge [sflag:s23], $0x80  }
0x24d: {  	[sflag:s23] =	ssyncset.done $0x0  }
0x24e: {  	[sflag:s23] =	ssyncadd.s32 $0xFFFFFF80  }
0x24f: {  	_ =	swait.ge [sflag:s0], $0x80  }
0x250: {  	[sflag:s0] =	ssyncset.done $0x0  }
0x251: {  	[sflag:s0] =	ssyncadd.s32 $0xFFFFFF80  }
0x252: {  	_ =	swait.ge [sflag:s0], $0x80  }
0x253: {  	[sflag:s0] =	ssyncset.done $0x0  }
0x254: {  	[sflag:s0] =	ssyncadd.s32 $0xFFFFFF80  }
0x255: {  	_ =	swait.ge [sflag:s17], $0x80  }
0x256: {  	[sflag:s17] =	ssyncset.done $0x0  }
0x257: {  	[sflag:s17] =	ssyncadd.s32 $0xFFFFFF80  }
0x258: {  	_ =	swait.ge [sflag:s17], $0x80  }
0x259: {  	[sflag:s17] =	ssyncset.done $0x0  }
0x25a: {  	[sflag:s17] =	ssyncadd.s32 $0xFFFFFF80  }
0x25b: {  	_ =	swait.ge [sflag:s18], $0x80  }
0x25c: {  	[sflag:s18] =	ssyncset.done $0x0  }
0x25d: {  	[sflag:s18] =	ssyncadd.s32 $0xFFFFFF80  }
0x25e: {  	_ =	swait.ge [sflag:s18], $0x80  }
0x25f: {  	[sflag:s18] =	ssyncset.done $0x0  }
0x260: {  	[sflag:s18] =	ssyncadd.s32 $0xFFFFFF80  }
0x261: {  	_ =	swait.ge [sflag:s19], $0x80  }
0x262: {  	[sflag:s19] =	ssyncset.done $0x0  }
0x263: {  	[sflag:s19] =	ssyncadd.s32 $0xFFFFFF80  }
0x264: {  	_ =	swait.ge [sflag:s19], $0x80  }
0x265: {  	[sflag:s19] =	ssyncset.done $0x0  }
0x266: {  	[sflag:s19] =	ssyncadd.s32 $0xFFFFFF80  }
0x267: {  	_ =	swait.ge [sflag:s20], $0x80  }
0x268: {  	[sflag:s20] =	ssyncset.done $0x0  }
0x269: {  	[sflag:s20] =	ssyncadd.s32 $0xFFFFFF80  }
0x26a: {  	_ =	swait.ge [sflag:s20], $0x80  }
0x26b: {  	[sflag:s20] =	ssyncset.done $0x0  }
0x26c: {  	[sflag:s20] =	ssyncadd.s32 $0xFFFFFF80  }
0x26d: {  	_ =	swait.ge [sflag:s21], $0x80  }
0x26e: {  	[sflag:s21] =	ssyncset.done $0x0  }
0x26f: {  	[sflag:s21] =	ssyncadd.s32 $0xFFFFFF80  }
0x270: {  	_ =	swait.ge [sflag:s21], $0x80  }
0x271: {  	[sflag:s21] =	ssyncset.done $0x0  }
0x272: {  	[sflag:s21] =	ssyncadd.s32 $0xFFFFFF80  }
0x273: {  	_ =	swait.ge [sflag:s22], $0x80  }
0x274: {  	[sflag:s22] =	ssyncset.done $0x0  }
0x275: {  	[sflag:s22] =	ssyncadd.s32 $0xFFFFFF80  }
0x276: {  	_ =	swait.ge [sflag:s22], $0x80  }
0x277: {  	[sflag:s22] =	ssyncset.done $0x0  }
0x278: {  	[sflag:s22] =	ssyncadd.s32 $0xFFFFFF80  }
0x279: {  	_ =	swait.ge [sflag:s23], $0x80  }
0x27a: {  	[sflag:s23] =	ssyncset.done $0x0  }
0x27b: {  	[sflag:s23] =	ssyncadd.s32 $0xFFFFFF80  }
0x27c: {  	_ =	swait.ge [sflag:s23], $0x80  }
0x27d: {  	[sflag:s23] =	ssyncset.done $0x0  }
0x27e: {  	[sflag:s23] =	ssyncadd.s32 $0xFFFFFF80  }
0x27f: {  	_ =	swait.ge [sflag:s0], $0x80  }
0x280: {  	[sflag:s0] =	ssyncset.done $0x0  }
0x281: {  	[sflag:s0] =	ssyncadd.s32 $0xFFFFFF80  }
0x282: {  	_ =	swait.ge [sflag:s0], $0x80  }
0x283: {  	[sflag:s0] =	ssyncset.done $0x0  }
0x284: {  	[sflag:s0] =	ssyncadd.s32 $0xFFFFFF80  }
0x285: {  	_ =	swait.ge [sflag:s17], $0x80  }
0x286: {  	[sflag:s17] =	ssyncset.done $0x0  }
0x287: {  	[sflag:s17] =	ssyncadd.s32 $0xFFFFFF80  }
0x288: {  	_ =	swait.ge [sflag:s17], $0x80  }
0x289: {  	[sflag:s17] =	ssyncset.done $0x0  }
0x28a: {  	[sflag:s17] =	ssyncadd.s32 $0xFFFFFF80  }
0x28b: {  	_ =	swait.ge [sflag:s18], $0x80  }
0x28c: {  	[sflag:s18] =	ssyncset.done $0x0  }
0x28d: {  	[sflag:s18] =	ssyncadd.s32 $0xFFFFFF80  }
0x28e: {  	_ =	swait.ge [sflag:s18], $0x80  }
0x28f: {  	[sflag:s18] =	ssyncset.done $0x0  }
0x290: {  	[sflag:s18] =	ssyncadd.s32 $0xFFFFFF80  }
0x291: {  	_ =	swait.ge [sflag:s19], $0x80  }
0x292: {  	[sflag:s19] =	ssyncset.done $0x0  }
0x293: {  	[sflag:s19] =	ssyncadd.s32 $0xFFFFFF80  }
0x294: {  	_ =	swait.ge [sflag:s19], $0x80  }
0x295: {  	[sflag:s19] =	ssyncset.done $0x0  }
0x296: {  	[sflag:s19] =	ssyncadd.s32 $0xFFFFFF80  }
0x297: {  	_ =	swait.ge [sflag:s20], $0x80  }
0x298: {  	[sflag:s20] =	ssyncset.done $0x0  }
0x299: {  	[sflag:s20] =	ssyncadd.s32 $0xFFFFFF80  }
0x29a: {  	_ =	swait.ge [sflag:s20], $0x80  }
0x29b: {  	[sflag:s20] =	ssyncset.done $0x0  }
0x29c: {  	[sflag:s20] =	ssyncadd.s32 $0xFFFFFF80  }
0x29d: {  	_ =	swait.ge [sflag:s21], $0x80  }
0x29e: {  	[sflag:s21] =	ssyncset.done $0x0  }
0x29f: {  	[sflag:s21] =	ssyncadd.s32 $0xFFFFFF80  }
0x2a0: {  	_ =	swait.ge [sflag:s21], $0x80  }
0x2a1: {  	[sflag:s21] =	ssyncset.done $0x0  }
0x2a2: {  	[sflag:s21] =	ssyncadd.s32 $0xFFFFFF80  }
0x2a3: {  	_ =	swait.ge [sflag:s22], $0x80  }
0x2a4: {  	[sflag:s22] =	ssyncset.done $0x0  }
0x2a5: {  	[sflag:s22] =	ssyncadd.s32 $0xFFFFFF80  }
0x2a6: {  	_ =	swait.ge [sflag:s22], $0x80  }
0x2a7: {  	[sflag:s22] =	ssyncset.done $0x0  }
0x2a8: {  	[sflag:s22] =	ssyncadd.s32 $0xFFFFFF80  }
0x2a9: {  	_ =	swait.ge [sflag:s23], $0x80  }
0x2aa: {  	[sflag:s23] =	ssyncset.done $0x0  }
0x2ab: {  	[sflag:s23] =	ssyncadd.s32 $0xFFFFFF80  }
0x2ac: {  	_ =	swait.ge [sflag:s23], $0x80  }
0x2ad: {  	s6 =	simm.s32 $0x100;
	[sflag:s23] =	ssyncset.done $0x0  }
0x2ae: {  	s1 =	simm.s32 $0x9;
	s29 =	rddreg [dreg:$0x7];
	[sflag:s23] =	ssyncadd.s32 $0xFFFFFF80  }
0x2af: {  	[hbm4b:s29+s2] =	stream.linear.scatter [tilespmem:s6], [sflag:$0x9], $0x4000, $0x38;
	[tilespmem:$0x8100] =	vst v63  }
0x2b0: {  	_ =	swait.ge [sflag:s1], $0x4000  }
0x2b1: {  	[sflag:s1] =	ssyncset.done $0x0  }
0x2b2: {  	s7 =	simm.s32 $0x4100;
	s30 =	rddreg [dreg:$0x8];
	[sflag:s1] =	ssyncadd.s32 $0xFFFFC000  }
0x2b3: {  	[hbm4b:s30+s2] =	stream.linear.scatter [tilespmem:s7], [sflag:$0x9], $0x4000, $0x38;
	[tilespmem:$0x8100] =	vst v63  }
0x2b4: {  	_ =	swait.ge [sflag:s1], $0x4000  }
0x2b5: {  	s5 =	rddreg [dreg:$0xa]  }
0x2b6: {  	s31 =	rddreg [dreg:$0x9];
	s5 =	sadd.s32 $0x1, s5  }
0x2b7: {  	p0 =	sne.s32 s5, s31  }
.Ltmp1:
0x2b8: {  	_ = 	snop;
	(pc) =	sbr.rel @p0 .LBB2_1-.Ltmp1, $3  }
0x2b9: {  	_ =	sdelay $0x1  }
0x2ba: {  	[sflag:s1] =	ssyncset.done $0x0  }
0x2bb: {  	[sflag:s1] =	ssyncadd.s32 $0xFFFFC000  }
0x2bc: {  	_ =	sfence.sel $0x180000  }
0x2bd: {  	[bflag:$0x0] =	sbarrier.arrive $0xFFFF  }
0x2be: {  	_ =	strace $0x90000047  }
0x2bf: {  	s0 =	stileid.u32;
	[bflag:$0x2] =	sbarrier.arrive $0xFFFF  }
0x2c0: {  	p0 =	sne.s32 s0, $0x0;
	s0 =	rddreg [dreg:$0x4]  }
0x2c1: {  	s0 =	sadd.s32 @!p0 $0x100000, s0  }
0x2c2: {  	[sflag:s0] =	ssyncadd.tile.s32 @!p0 $0x1;
	_ =	shalt  }
.Lfunc_end2:
_tile_overlayer_lowered:
.L_overlay_start_2:
0x2c3: {  	(tag) =	ssettag $0x2  }
0x2c4: {  	s0 =	rddreg [dreg:$0x0];
	s2 =	stileid.u32  }
0x2c5: {  	s1 =	rddreg [dreg:$0x1];
	p0 =	sne.s32 s2, $0x0  }
0x2c6: {  	s3 =	rddreg [dreg:$0x2];
	[bflag:$0x3] =	sbarrier.arrive $0xFFFF;
	s2 =	simm.s32 @!p0 $0x1C09  }
0x2c7: {  	[timem:s3], [sflag:s2] =	dma.local @!p0 [hbm:s0], s1  }
0x2c8: {  	s0 =	simm.s32 @!p0 $0x9  }
0x2c9: {  	_ =	swait.ge @!p0 [sflag:s0], s1  }
0x2ca: {  	s1 =	ssub.s32 @!p0 $0x0, s1;
	[sflag:s0] =	ssyncset.done @!p0 $0x0  }
0x2cb: {  	[sflag:s0] =	ssyncadd.s32 @!p0 s1  }
0x2cc: {  	[bflag:$0x3] =	sbarrier.arrive $0xFFFF  }
0x2cd: {  	_ =	shalt  }

</sc_bundles>
